<compile_context>
chip_gen: v7x
topology: tpu7x:2x2x1
jax: 0.10.2.dev20260603
libtpu: 0.0.44.dev20260713+nightly
codegen_flags: <defaults>
</compile_context>

<pallas_src>
import functools

import jax
import jax.numpy as jnp
import numpy as np
from jax import lax
from jax.experimental import pallas as pl
from jax.experimental.pallas import tpu as pltpu
from jax.experimental.pallas import tpu_sc as plsc

D_MODEL = 256
M = 8
L = 4
P = 4
DH = 32
MAX_OFFSET = 0.5
SHAPES = ((64, 64), (32, 32), (16, 16), (8, 8))
STARTS = (0, 4096, 5120, 5376)
N_IN = 5440

_cols = np.arange(M * L * P)
_lcol = (_cols // P) % L
_mcol = _cols // (L * P)
_Wf = np.array([SHAPES[l][1] for l in _lcol], np.float32)
_Hf = np.array([SHAPES[l][0] for l in _lcol], np.float32)
_CF = np.stack([_Wf, _Hf])
_CI = np.stack([
    _Wf.astype(np.int32),
    _Hf.astype(np.int32),
    np.array([STARTS[l] for l in _lcol], np.int32),
    (_mcol * N_IN).astype(np.int32),
])
_EX = (_lcol[None, :] == np.arange(L)[:, None]).astype(np.float32)
_GG = (_cols[:, None] // (L * P) == _cols[None, :] // (L * P)).astype(np.float32)

_QB = 256


def _dot(a, b):
    return jax.lax.dot_general(
        a, b, (((1,), (0,)), ((), ())),
        precision=jax.lax.Precision.HIGHEST,
        preferred_element_type=jnp.float32)


def _prep_body(nqb, q_ref, rx_ref, ry_ref, sw1_ref, sb1_ref, sw2_ref, sb2_ref,
               owx_ref, owy_ref, obx_ref, oby_ref, aww_ref, awb_ref,
               cf_ref, ci_ref, ex_ref, gg_ref,
               sp_ref, iya_ref, iyb_ref,
               ua0_ref, ua1_ref, ub0_ref, ub1_ref):
    b = pl.program_id(0) // nqb
    q = q_ref[...]
    hid = jnp.maximum(_dot(q, sw1_ref[...]) + sb1_ref[...], 0.0)
    spl = jnp.sum(hid * sw2_ref[...], axis=1, keepdims=True) + sb2_ref[...]
    sp = 1.0 / (1.0 + jnp.exp(-spl))
    sp_ref[...] = sp
    half_sp = sp * MAX_OFFSET
    conx = jnp.tanh(_dot(q, owx_ref[...]) + obx_ref[...]) * half_sp
    cony = jnp.tanh(_dot(q, owy_ref[...]) + oby_ref[...]) * half_sp
    logits = _dot(q, aww_ref[...]) + awb_ref[...]
    e = jnp.exp(logits - jnp.max(logits, axis=1, keepdims=True))
    awt = e / _dot(e, gg_ref[...])
    rx = _dot(rx_ref[...], ex_ref[...])
    ry = _dot(ry_ref[...], ex_ref[...])
    wf = cf_ref[0:1, :]
    hf = cf_ref[1:2, :]
    x = rx * wf + conx - 0.5
    y = ry * hf + cony - 0.5
    x0 = jnp.floor(x)
    y0 = jnp.floor(y)
    fx = x - x0
    fy = y - y0
    wi = ci_ref[0:1, :]
    hi = ci_ref[1:2, :]
    start = ci_ref[2:3, :]
    mrow = ci_ref[3:4, :]
    vx0 = (x0 >= 0.0) & (x0 <= wf - 1.0)
    vx1 = (x0 + 1.0 >= 0.0) & (x0 + 1.0 <= wf - 1.0)
    vy0 = (y0 >= 0.0) & (y0 <= hf - 1.0)
    vy1 = (y0 + 1.0 >= 0.0) & (y0 + 1.0 <= hf - 1.0)
    ix0 = x0.astype(jnp.int32)
    x0c = jnp.clip(ix0, 0, wi - 1)
    x1c = jnp.clip(ix0 + 1, 0, wi - 1)
    xs = jnp.clip(ix0, 0, wi - 2)
    iy0 = jnp.clip(y0.astype(jnp.int32), 0, hi - 1)
    iy1 = jnp.clip((y0 + 1.0).astype(jnp.int32), 0, hi - 1)
    base = mrow + b * (M * N_IN) + start
    iya_ref[...] = base + iy0 * wi + xs
    iyb_ref[...] = base + iy1 * wi + xs
    gx = 1.0 - fx
    gy = 1.0 - fy
    wa = awt * gx * gy * (vx0 & vy0).astype(jnp.float32)
    wb = awt * gx * fy * (vx0 & vy1).astype(jnp.float32)
    wc = awt * fx * gy * (vx1 & vy0).astype(jnp.float32)
    wd = awt * fx * fy * (vx1 & vy1).astype(jnp.float32)
    e00 = (x0c == xs).astype(jnp.float32)
    e01 = (x0c == xs + 1).astype(jnp.float32)
    e10 = (x1c == xs).astype(jnp.float32)
    e11 = (x1c == xs + 1).astype(jnp.float32)
    ua0_ref[...] = wa * e00 + wc * e10
    ua1_ref[...] = wa * e01 + wc * e11
    ub0_ref[...] = wb * e00 + wd * e10
    ub1_ref[...] = wb * e01 + wd * e11


def _prep(query2, rx, ry, sw1, sb1, sw2, sb2, owx, owy, obx, oby, aww, awb):
    bn = query2.shape[0]
    nqb = bn // 2 // _QB
    grid = (bn // _QB,)
    full = lambda a: pl.BlockSpec(a.shape, lambda i: (0,) * a.ndim)
    qspec = pl.BlockSpec((_QB, D_MODEL), lambda i: (i, 0))
    r4 = pl.BlockSpec((_QB, L), lambda i: (i, 0))
    o128i = pl.BlockSpec((_QB, 128), lambda i: (i, 0))
    consts = (jnp.asarray(_CF), jnp.asarray(_CI), jnp.asarray(_EX),
              jnp.asarray(_GG))
    out_shapes = ([jax.ShapeDtypeStruct((bn, 1), jnp.float32)]
                  + [jax.ShapeDtypeStruct((bn, 128), jnp.int32)] * 2
                  + [jax.ShapeDtypeStruct((bn, 128), jnp.float32)] * 4)
    out_specs = ([pl.BlockSpec((_QB, 1), lambda i: (i, 0))] + [o128i] * 6)
    args = (query2, rx, ry, sw1, sb1, sw2, sb2, owx, owy, obx, oby, aww, awb,
            *consts)
    in_specs = [qspec, r4, r4] + [full(a) for a in args[3:]]
    return pl.pallas_call(
        functools.partial(_prep_body, nqb),
        grid=grid, in_specs=in_specs, out_specs=out_specs,
        out_shape=out_shapes)(*args)


_PB = 1088


def _valpair_body(x_ref, xn_ref, w_ref, b_ref, o_ref):
    xm = _dot(x_ref[0], w_ref[...]) + b_ref[...]
    nf = _dot(xn_ref[0, 0:1, :], w_ref[...]) + b_ref[...]
    shifted = jnp.concatenate([xm[1:], nf], axis=0)
    for m in range(M):
        o_ref[0, m] = jnp.concatenate(
            [xm[:, m * DH:(m + 1) * DH], shifted[:, m * DH:(m + 1) * DH]],
            axis=1).astype(jnp.bfloat16)


def _valpair(x3, val_w, val_b):
    B = x3.shape[0]
    nblk = N_IN // _PB
    grid = (B, nblk)
    return pl.pallas_call(
        _valpair_body,
        grid=grid,
        in_specs=[
            pl.BlockSpec((1, _PB, D_MODEL), lambda b, i: (b, i, 0)),
            pl.BlockSpec((1, _PB, D_MODEL),
                         lambda b, i: (b, jnp.minimum(i + 1, nblk - 1), 0)),
            pl.BlockSpec((D_MODEL, D_MODEL), lambda b, i: (0, 0)),
            pl.BlockSpec((1, D_MODEL), lambda b, i: (0, 0)),
        ],
        out_specs=pl.BlockSpec((1, M, _PB, 2 * DH),
                               lambda b, i: (b, 0, i, 0)),
        out_shape=jax.ShapeDtypeStruct((B, M, N_IN, 2 * DH), jnp.bfloat16),
    )(x3, x3, val_w, val_b[None, :])


def _matmul_body(x_ref, w_ref, b_ref, o_ref):
    o_ref[...] = _dot(x_ref[...], w_ref[...]) + b_ref[...]


def _matmul(x, w, b, row_block):
    n = x.shape[0]
    grid = (n // row_block,)
    return pl.pallas_call(
        _matmul_body,
        grid=grid,
        in_specs=[pl.BlockSpec((row_block, x.shape[1]), lambda i: (i, 0)),
                  pl.BlockSpec(w.shape, lambda i: (0, 0)),
                  pl.BlockSpec(b.shape, lambda i: (0, 0))],
        out_specs=pl.BlockSpec((row_block, w.shape[1]), lambda i: (i, 0)),
        out_shape=jax.ShapeDtypeStruct((n, w.shape[1]), jnp.float32),
    )(x, w, b)


_NW = 32
_CQ = 64
_NB = 7


def _sc_body(qpw, table_hbm, iya_hbm, iyb_hbm,
             ua0_hbm, ua1_hbm, ub0_hbm, ub1_hbm, out_hbm,
             ii_v, ww_v, rows_v, out_v, sem):
    cid = lax.axis_index("c")
    sid = lax.axis_index("s")
    wid = sid * 2 + cid
    q0 = wid * qpw

    def fire2(g, buf):
        for c in range(2):
            pltpu.async_copy(table_hbm.at[ii_v.at[c, g]],
                             rows_v.at[buf, c], sem)

    def wait2(g, buf):
        for c in range(2):
            pltpu.make_async_copy(table_hbm.at[ii_v.at[c, g]],
                                  rows_v.at[buf, c], sem).wait()

    def compute(g, buf):
        lane2 = lax.iota(jnp.int32, 16) * 2

        def head_body(m, c2):
            wa0 = ww_v[0, g, pl.ds(m * 16, 16)]
            wa1 = ww_v[1, g, pl.ds(m * 16, 16)]
            wb0 = ww_v[2, g, pl.ds(m * 16, 16)]
            wb1 = ww_v[3, g, pl.ds(m * 16, 16)]
            ae = be = ce = de = jnp.zeros((16,), jnp.float32)
            ao = bo = co = do_ = jnp.zeros((16,), jnp.float32)
            for j in range(16):
                i = m * 16 + j
                va_e, va_o = plsc.unpack(rows_v[buf, 0, i, pl.ds(0, 32)],
                                         format=plsc.PackFormat.INTERLEAVED)
                vb_e, vb_o = plsc.unpack(rows_v[buf, 0, i, pl.ds(32, 32)],
                                         format=plsc.PackFormat.INTERLEAVED)
                vc_e, vc_o = plsc.unpack(rows_v[buf, 1, i, pl.ds(0, 32)],
                                         format=plsc.PackFormat.INTERLEAVED)
                vd_e, vd_o = plsc.unpack(rows_v[buf, 1, i, pl.ds(32, 32)],
                                         format=plsc.PackFormat.INTERLEAVED)
                ae = ae + wa0[j] * va_e
                ao = ao + wa0[j] * va_o
                be = be + wa1[j] * vb_e
                bo = bo + wa1[j] * vb_o
                ce = ce + wb0[j] * vc_e
                co = co + wb0[j] * vc_o
                de = de + wb1[j] * vd_e
                do_ = do_ + wb1[j] * vd_o
            rowi = jnp.full((16,), g, jnp.int32)
            cole = m * DH + lane2
            plsc.store_scatter(out_v, [rowi, cole], (ae + be) + (ce + de))
            plsc.store_scatter(out_v, [rowi, cole + 1], (ao + bo) + (co + do_))
            return c2

        lax.fori_loop(0, M, head_body, 0)

    def chunk_body(ci, carry):
        q0c = pl.multiple_of(q0 + ci * _CQ, _CQ)
        for c, ih in enumerate((iya_hbm, iyb_hbm)):
            pltpu.sync_copy(ih.at[pl.ds(q0c, _CQ)], ii_v.at[c])
        for c, wh in enumerate((ua0_hbm, ua1_hbm, ub0_hbm, ub1_hbm)):
            pltpu.sync_copy(wh.at[pl.ds(q0c, _CQ)], ww_v.at[c])
        for pg in range(_NB - 1):
            fire2(pg, pg)

        def g_body(t, c2):
            wait2(t, lax.rem(t, _NB))

            @pl.when(t < _CQ - (_NB - 1))
            def _():
                fire2(t + _NB - 1, lax.rem(t + _NB - 1, _NB))

            compute(t, lax.rem(t, _NB))
            return c2

        lax.fori_loop(0, _CQ, g_body, 0)
        pltpu.sync_copy(out_v, out_hbm.at[pl.ds(q0c, _CQ)])
        return carry

    lax.fori_loop(0, qpw // _CQ, chunk_body, 0)


def _sc_gather(table, idxs, ws, bn):
    qpw = bn // _NW
    mesh = plsc.VectorSubcoreMesh(core_axis_name="c", subcore_axis_name="s",
                                  num_cores=2, num_subcores=16)
    kern = functools.partial(
        pl.kernel,
        out_type=jax.ShapeDtypeStruct((bn, M * DH), jnp.float32),
        mesh=mesh,
        scratch_types=[
            pltpu.VMEM((2, _CQ, 128), jnp.int32),
            pltpu.VMEM((4, _CQ, 128), jnp.float32),
            pltpu.VMEM((_NB, 2, 128, 2 * DH), jnp.bfloat16),
            pltpu.VMEM((_CQ, M * DH), jnp.float32),
            pltpu.SemaphoreType.DMA,
        ],
        compiler_params=pltpu.CompilerParams(use_tc_tiling_on_sc=False,
                                            needs_layout_passes=False),
    )(functools.partial(_sc_body, qpw))
    return kern(table, *idxs, *ws)


def kernel(query, reference_points, input_flatten, input_spatial_shapes,
           input_level_start_index, scale_w1, scale_b1, scale_w2, scale_b2,
           off_w, off_b, attn_w, attn_b, val_w, val_b, out_w, out_b):
    B, Nq, d_model = query.shape
    query2 = query.reshape(B * Nq, d_model)
    rx = reference_points[..., 0].reshape(B * Nq, L)
    ry = reference_points[..., 1].reshape(B * Nq, L)
    owr = off_w.reshape(d_model, M * L * P, 2)
    owx, owy = owr[..., 0], owr[..., 1]
    obr = off_b.reshape(M * L * P, 2)
    obx, oby = obr[:, 0][None, :], obr[:, 1][None, :]
    sb1 = scale_b1[None, :]
    sw2 = scale_w2.T
    sb2 = scale_b2[None, :]
    awb = attn_b[None, :]

    sp, iya, iyb, ua0, ua1, ub0, ub1 = _prep(
        query2, rx, ry, scale_w1, sb1, sw2, sb2, owx, owy, obx, oby,
        attn_w, awb)

    t2 = _valpair(input_flatten, val_w, val_b)
    table = t2.reshape(B * M * N_IN, 2 * DH)

    bn = B * Nq
    out_pre = _sc_gather(table, (iya, iyb), (ua0, ua1, ub0, ub1), bn)

    out = _matmul(out_pre, out_w, out_b[None, :], 2048)
    return out.reshape(B, Nq, d_model), sp.reshape(B, Nq, 1)

# --- scband reference (transcript-rebuilt; emitter-appended) ---
"""Pipeline reference for scband-scale-adaptive-deformable-attn-28595892257675 (READ-ONLY COPY).

The authoritative reference and input builder live on the scoring server;
editing this copy changes nothing except your own understanding.
"""

import math
import jax, jax.numpy as jnp
import numpy as np

D_MODEL = 256
N_HEADS = 8
N_LEVELS = 4
N_POINTS = 4
MAX_OFFSET = 0.5


def _grid_sample(img, grid):
    # img: [N, H, W, D]; grid: [N, Q, P, 2] with (x, y) in [-1, 1]
    # bilinear, padding_mode='zeros', align_corners=False (matches torch F.grid_sample)
    N, H, W, D = img.shape
    x = (grid[..., 0] + 1.0) * W / 2.0 - 0.5
    y = (grid[..., 1] + 1.0) * H / 2.0 - 0.5
    x0 = jnp.floor(x)
    y0 = jnp.floor(y)
    x1 = x0 + 1.0
    y1 = y0 + 1.0
    wa = (x1 - x) * (y1 - y)
    wb = (x1 - x) * (y - y0)
    wc = (x - x0) * (y1 - y)
    wd = (x - x0) * (y - y0)
    flat = img.reshape(N, H * W, D)
    bidx = jnp.arange(N)[:, None, None]

    def _sample(ix, iy):
        valid = (ix >= 0) & (ix <= W - 1) & (iy >= 0) & (iy <= H - 1)
        ixc = jnp.clip(ix, 0, W - 1).astype(jnp.int32)
        iyc = jnp.clip(iy, 0, H - 1).astype(jnp.int32)
        v = flat[bidx, iyc * W + ixc]
        return v * valid[..., None]

    va = _sample(x0, y0)
    vb = _sample(x0, y1)
    vc = _sample(x1, y0)
    vd = _sample(x1, y1)
    return wa[..., None] * va + wb[..., None] * vb + wc[..., None] * vc + wd[..., None] * vd


def _ms_deform_attn_core(value, shapes, sampling_locations, attention_weights):
    B, S, M, Dh = value.shape
    _, Nq, _, L, P, _ = sampling_locations.shape
    grids = 2.0 * sampling_locations - 1.0
    start = 0
    sampled = []
    for lid, (H, W) in enumerate(shapes):
        v = value[:, start:start + H * W].reshape(B, H, W, M, Dh)
        v = jnp.transpose(v, (0, 3, 1, 2, 4)).reshape(B * M, H, W, Dh)
        g = jnp.transpose(grids[:, :, :, lid], (0, 2, 1, 3, 4)).reshape(B * M, Nq, P, 2)
        sampled.append(_grid_sample(v, g))
        start += H * W
    sv = jnp.stack(sampled, axis=2).reshape(B * M, Nq, L * P, Dh)
    aw = jnp.transpose(attention_weights, (0, 2, 1, 3)).reshape(B * M, Nq, L * P, 1)
    out = (sv * aw).sum(axis=2).reshape(B, M, Nq, Dh)
    return jnp.transpose(out, (0, 2, 1, 3)).reshape(B, Nq, M * Dh)


def setup_inputs(seed: int = 0):
    key = jax.random.key(seed)
    ks = jax.random.split(key, 8)
    B, Nq = 2, 1024
    d_model, M, L, P = D_MODEL, N_HEADS, N_LEVELS, N_POINTS
    shapes = np.array([[64, 64], [32, 32], [16, 16], [8, 8]], dtype=np.int64)
    areas = shapes[:, 0] * shapes[:, 1]
    N_in = int(areas.sum())
    lsi = np.concatenate([[0], np.cumsum(areas)[:-1]]).astype(np.int64)
    query = jax.random.normal(ks[0], (B, Nq, d_model), jnp.float32)
    reference_points = jax.random.uniform(ks[1], (B, Nq, L, 2), jnp.float32)
    input_flatten = jax.random.normal(ks[2], (B, N_in, d_model), jnp.float32)
    lim1 = math.sqrt(6.0 / (d_model + d_model // 4))
    scale_w1 = jax.random.uniform(ks[3], (d_model, d_model // 4), jnp.float32, -lim1, lim1)
    scale_b1 = jnp.zeros((d_model // 4,), jnp.float32)
    lim2 = math.sqrt(6.0 / (d_model // 4 + 1))
    scale_w2 = jax.random.uniform(ks[4], (d_model // 4, 1), jnp.float32, -lim2, lim2)
    scale_b2 = jnp.zeros((1,), jnp.float32)
    off_w = jnp.zeros((d_model, M * L * P * 2), jnp.float32)
    thetas = np.arange(M, dtype=np.float64) * (2.0 * np.pi / M)
    gi = np.stack([np.cos(thetas), np.sin(thetas)], -1)
    gi = gi / np.abs(gi).max(-1, keepdims=True)
    gi = np.tile(gi.reshape(M, 1, 1, 2), (1, L, P, 1))
    for i in range(P):
        gi[:, :, i, :] *= (i + 1)
    off_b = jnp.asarray(gi.reshape(-1), jnp.float32)
    attn_w = jnp.zeros((d_model, M * L * P), jnp.float32)
    attn_b = jnp.zeros((M * L * P,), jnp.float32)
    limv = math.sqrt(6.0 / (2 * d_model))
    val_w = jax.random.uniform(ks[5], (d_model, d_model), jnp.float32, -limv, limv)
    val_b = jnp.zeros((d_model,), jnp.float32)
    out_w = jax.random.uniform(ks[6], (d_model, d_model), jnp.float32, -limv, limv)
    out_b = jnp.zeros((d_model,), jnp.float32)
    return {"query": query, "reference_points": reference_points, "input_flatten": input_flatten,
            "input_spatial_shapes": jnp.asarray(shapes), "input_level_start_index": jnp.asarray(lsi),
            "scale_w1": scale_w1, "scale_b1": scale_b1, "scale_w2": scale_w2, "scale_b2": scale_b2,
            "off_w": off_w, "off_b": off_b, "attn_w": attn_w, "attn_b": attn_b,
            "val_w": val_w, "val_b": val_b, "out_w": out_w, "out_b": out_b}


def reference(query, reference_points, input_flatten, input_spatial_shapes, input_level_start_index,
              scale_w1, scale_b1, scale_w2, scale_b2, off_w, off_b, attn_w, attn_b,
              val_w, val_b, out_w, out_b):
    B, Nq, d_model = query.shape
    M, L, P = N_HEADS, N_LEVELS, N_POINTS
    shapes = [(64, 64), (32, 32), (16, 16), (8, 8)]
    hid = jax.nn.relu(query @ scale_w1 + scale_b1)
    scale_param = jax.nn.sigmoid(hid @ scale_w2 + scale_b2)  # [B, Nq, 1]
    value = input_flatten @ val_w + val_b
    N_in = value.shape[1]
    value = value.reshape(B, N_in, M, d_model // M)
    raw = (query @ off_w + off_b).reshape(B, Nq, M, L, P, 2)
    constrained = jnp.tanh(raw) * scale_param[:, :, :, None, None, None] * MAX_OFFSET
    aw = jax.nn.softmax((query @ attn_w + attn_b).reshape(B, Nq, M, L * P), axis=-1)
    norm = jnp.flip(input_spatial_shapes, axis=-1).astype(jnp.float32)
    loc = reference_points[:, :, None, :, None, :] + constrained / norm[None, None, None, :, None, :]
    out = _ms_deform_attn_core(value, shapes, loc, aw)
    out = out @ out_w + out_b
    return (out, scale_param)

if __name__ == "__main__":
    import jax
    _d = setup_inputs()
    print(jax.jit(kernel)(*tuple(_d.values())))

</pallas_src>

<mosaic_0001>
#map = affine_map<(d0, d1) -> (0, 0)>
module attributes {stable_mosaic.version = 14 : i64} {
  func.func @_sc_body(%arg0: i32, %arg1: i32, %arg2: memref<87040x64xbf16, #tpu.memory_space<hbm>>, %arg3: memref<2048x128xi32, #tpu.memory_space<hbm>>, %arg4: memref<2048x128xi32, #tpu.memory_space<hbm>>, %arg5: memref<2048x128xf32, #tpu.memory_space<hbm>>, %arg6: memref<2048x128xf32, #tpu.memory_space<hbm>>, %arg7: memref<2048x128xf32, #tpu.memory_space<hbm>>, %arg8: memref<2048x128xf32, #tpu.memory_space<hbm>>, %arg9: memref<2048x256xf32, #tpu.memory_space<hbm>>, %arg10: memref<2x64x128xi32, #tpu.memory_space<vmem>>, %arg11: memref<4x64x128xf32, #tpu.memory_space<vmem>>, %arg12: memref<7x2x128x64xbf16, #tpu.memory_space<vmem>>, %arg13: memref<64x256xf32, #tpu.memory_space<vmem>>, %arg14: memref<!tpu.dma_semaphore, #tpu.memory_space<semaphore_mem>>) attributes {dimension_semantics = [#tpu.dimension_semantics<core_parallel>, #tpu.dimension_semantics<subcore_parallel>], iteration_bounds = array<i64: 2, 16>, scalar_prefetch = 0 : i64, scratch_operands = 5 : i64, tpu.core_type = #tpu.core_type<sc_vector_subcore>, window_params = [{transform_indices = #map}, {transform_indices = #map}, {transform_indices = #map}, {transform_indices = #map}, {transform_indices = #map}, {transform_indices = #map}, {transform_indices = #map}, {transform_indices = #map}]} {
    %mul3A = arith.constant 2 : i32
    %mul3A_0 = arith.muli %arg1, %mul3A : i32
    %add3A = arith.addi %mul3A_0, %arg0 : i32
    %mul3A_1 = arith.constant 64 : i32
    %mul3A_2 = arith.muli %add3A, %mul3A_1 : i32
    %scan3A = arith.constant 0 : i32
    %scan3A_3 = arith.constant 0 : i32
    %mul3A_4 = arith.constant 64 : i32
    %mul3A_5 = arith.muli %scan3A_3, %mul3A_4 : i32
    %add3A_6 = arith.addi %mul3A_2, %mul3A_5 : i32
    %multiple_of3A = tpu.assume_multiple %add3A_6, 64 : i32
    %run_scoped3A = arith.constant 0 : i32
    "tpu.region"() ({
      %run_scoped3A_186 = tpu.sem_alloc : memref<!tpu.dma_semaphore, #tpu.memory_space<semaphore_mem>>
      %dma_start3A_187 = arith.constant 0 : i32
      %dma_start3A_188 = arith.constant 0 : i32
      %dma_start3A_189 = tpu.memref_slice %arg10[%run_scoped3A, %dma_start3A_187, %dma_start3A_188] : memref<2x64x128xi32, #tpu.memory_space<vmem>> -> memref<1x64x128xi32, #tpu.memory_space<vmem>>
      %dma_start3A_190 = tpu.memref_squeeze %dma_start3A_189 : memref<1x64x128xi32, #tpu.memory_space<vmem>> -> memref<64x128xi32, #tpu.memory_space<vmem>>
      %dma_start3A_191 = arith.constant 0 : i32
      %dma_start3A_192 = tpu.memref_slice %arg3[%multiple_of3A, %dma_start3A_191] : memref<2048x128xi32, #tpu.memory_space<hbm>> -> memref<64x128xi32, #tpu.memory_space<hbm>>
      %dma_start3A_193 = arith.constant 0 : i32
      %dma_start3A_194 = arith.constant 0 : i32
      %dma_start3A_195 = tpu.memref_slice %arg10[%run_scoped3A, %dma_start3A_193, %dma_start3A_194] : memref<2x64x128xi32, #tpu.memory_space<vmem>> -> memref<1x64x128xi32, #tpu.memory_space<vmem>>
      %dma_start3A_196 = tpu.memref_squeeze %dma_start3A_195 : memref<1x64x128xi32, #tpu.memory_space<vmem>> -> memref<64x128xi32, #tpu.memory_space<vmem>>
      %dma_start3A_197 = arith.constant 0 : i32
      %dma_start3A_198 = tpu.memref_slice %arg3[%multiple_of3A, %dma_start3A_197] : memref<2048x128xi32, #tpu.memory_space<hbm>> -> memref<64x128xi32, #tpu.memory_space<hbm>>
      tpu.enqueue_dma source(%dma_start3A_198 : memref<64x128xi32, #tpu.memory_space<hbm>>) target(%dma_start3A_196 : memref<64x128xi32, #tpu.memory_space<vmem>>) target_semaphore(%run_scoped3A_186 : memref<!tpu.dma_semaphore, #tpu.memory_space<semaphore_mem>>)
      %dma_wait3A = arith.constant 0 : i32
      %dma_wait3A_199 = arith.constant 0 : i32
      %dma_wait3A_200 = tpu.memref_slice %arg10[%run_scoped3A, %dma_wait3A, %dma_wait3A_199] : memref<2x64x128xi32, #tpu.memory_space<vmem>> -> memref<1x64x128xi32, #tpu.memory_space<vmem>>
      %dma_wait3A_201 = tpu.memref_squeeze %dma_wait3A_200 : memref<1x64x128xi32, #tpu.memory_space<vmem>> -> memref<64x128xi32, #tpu.memory_space<vmem>>
      %dma_wait3A_202 = arith.constant 0 : i32
      %dma_wait3A_203 = tpu.memref_slice %arg3[%multiple_of3A, %dma_wait3A_202] : memref<2048x128xi32, #tpu.memory_space<hbm>> -> memref<64x128xi32, #tpu.memory_space<hbm>>
      %dma_wait3A_204 = arith.constant 0 : i32
      %dma_wait3A_205 = arith.constant 0 : i32
      %dma_wait3A_206 = tpu.memref_slice %arg10[%run_scoped3A, %dma_wait3A_204, %dma_wait3A_205] : memref<2x64x128xi32, #tpu.memory_space<vmem>> -> memref<1x64x128xi32, #tpu.memory_space<vmem>>
      %dma_wait3A_207 = tpu.memref_squeeze %dma_wait3A_206 : memref<1x64x128xi32, #tpu.memory_space<vmem>> -> memref<64x128xi32, #tpu.memory_space<vmem>>
      %dma_wait3A_208 = arith.constant 0 : i32
      %dma_wait3A_209 = tpu.memref_slice %arg3[%multiple_of3A, %dma_wait3A_208] : memref<2048x128xi32, #tpu.memory_space<hbm>> -> memref<64x128xi32, #tpu.memory_space<hbm>>
      tpu.wait_dma2 semaphore(%run_scoped3A_186 : memref<!tpu.dma_semaphore, #tpu.memory_space<semaphore_mem>>) src(%dma_wait3A_209 : memref<64x128xi32, #tpu.memory_space<hbm>>) dst(%dma_wait3A_207 : memref<64x128xi32, #tpu.memory_space<vmem>>)
      tpu.yield
    }) : () -> ()
    %run_scoped3A_7 = arith.constant 1 : i32
    "tpu.region"() ({
      %run_scoped3A_186 = tpu.sem_alloc : memref<!tpu.dma_semaphore, #tpu.memory_space<semaphore_mem>>
      %dma_start3A_187 = arith.constant 0 : i32
      %dma_start3A_188 = arith.constant 0 : i32
      %dma_start3A_189 = tpu.memref_slice %arg10[%run_scoped3A_7, %dma_start3A_187, %dma_start3A_188] : memref<2x64x128xi32, #tpu.memory_space<vmem>> -> memref<1x64x128xi32, #tpu.memory_space<vmem>>
      %dma_start3A_190 = tpu.memref_squeeze %dma_start3A_189 : memref<1x64x128xi32, #tpu.memory_space<vmem>> -> memref<64x128xi32, #tpu.memory_space<vmem>>
      %dma_start3A_191 = arith.constant 0 : i32
      %dma_start3A_192 = tpu.memref_slice %arg4[%multiple_of3A, %dma_start3A_191] : memref<2048x128xi32, #tpu.memory_space<hbm>> -> memref<64x128xi32, #tpu.memory_space<hbm>>
      %dma_start3A_193 = arith.constant 0 : i32
      %dma_start3A_194 = arith.constant 0 : i32
      %dma_start3A_195 = tpu.memref_slice %arg10[%run_scoped3A_7, %dma_start3A_193, %dma_start3A_194] : memref<2x64x128xi32, #tpu.memory_space<vmem>> -> memref<1x64x128xi32, #tpu.memory_space<vmem>>
      %dma_start3A_196 = tpu.memref_squeeze %dma_start3A_195 : memref<1x64x128xi32, #tpu.memory_space<vmem>> -> memref<64x128xi32, #tpu.memory_space<vmem>>
      %dma_start3A_197 = arith.constant 0 : i32
      %dma_start3A_198 = tpu.memref_slice %arg4[%multiple_of3A, %dma_start3A_197] : memref<2048x128xi32, #tpu.memory_space<hbm>> -> memref<64x128xi32, #tpu.memory_space<hbm>>
      tpu.enqueue_dma source(%dma_start3A_198 : memref<64x128xi32, #tpu.memory_space<hbm>>) target(%dma_start3A_196 : memref<64x128xi32, #tpu.memory_space<vmem>>) target_semaphore(%run_scoped3A_186 : memref<!tpu.dma_semaphore, #tpu.memory_space<semaphore_mem>>)
      %dma_wait3A = arith.constant 0 : i32
      %dma_wait3A_199 = arith.constant 0 : i32
      %dma_wait3A_200 = tpu.memref_slice %arg10[%run_scoped3A_7, %dma_wait3A, %dma_wait3A_199] : memref<2x64x128xi32, #tpu.memory_space<vmem>> -> memref<1x64x128xi32, #tpu.memory_space<vmem>>
      %dma_wait3A_201 = tpu.memref_squeeze %dma_wait3A_200 : memref<1x64x128xi32, #tpu.memory_space<vmem>> -> memref<64x128xi32, #tpu.memory_space<vmem>>
      %dma_wait3A_202 = arith.constant 0 : i32
      %dma_wait3A_203 = tpu.memref_slice %arg4[%multiple_of3A, %dma_wait3A_202] : memref<2048x128xi32, #tpu.memory_space<hbm>> -> memref<64x128xi32, #tpu.memory_space<hbm>>
      %dma_wait3A_204 = arith.constant 0 : i32
      %dma_wait3A_205 = arith.constant 0 : i32
      %dma_wait3A_206 = tpu.memref_slice %arg10[%run_scoped3A_7, %dma_wait3A_204, %dma_wait3A_205] : memref<2x64x128xi32, #tpu.memory_space<vmem>> -> memref<1x64x128xi32, #tpu.memory_space<vmem>>
      %dma_wait3A_207 = tpu.memref_squeeze %dma_wait3A_206 : memref<1x64x128xi32, #tpu.memory_space<vmem>> -> memref<64x128xi32, #tpu.memory_space<vmem>>
      %dma_wait3A_208 = arith.constant 0 : i32
      %dma_wait3A_209 = tpu.memref_slice %arg4[%multiple_of3A, %dma_wait3A_208] : memref<2048x128xi32, #tpu.memory_space<hbm>> -> memref<64x128xi32, #tpu.memory_space<hbm>>
      tpu.wait_dma2 semaphore(%run_scoped3A_186 : memref<!tpu.dma_semaphore, #tpu.memory_space<semaphore_mem>>) src(%dma_wait3A_209 : memref<64x128xi32, #tpu.memory_space<hbm>>) dst(%dma_wait3A_207 : memref<64x128xi32, #tpu.memory_space<vmem>>)
      tpu.yield
    }) : () -> ()
    %run_scoped3A_8 = arith.constant 0 : i32
    "tpu.region"() ({
      %run_scoped3A_186 = tpu.sem_alloc : memref<!tpu.dma_semaphore, #tpu.memory_space<semaphore_mem>>
      %dma_start3A_187 = arith.constant 0 : i32
      %dma_start3A_188 = arith.constant 0 : i32
      %dma_start3A_189 = tpu.memref_slice %arg11[%run_scoped3A_8, %dma_start3A_187, %dma_start3A_188] : memref<4x64x128xf32, #tpu.memory_space<vmem>> -> memref<1x64x128xf32, #tpu.memory_space<vmem>>
      %dma_start3A_190 = tpu.memref_squeeze %dma_start3A_189 : memref<1x64x128xf32, #tpu.memory_space<vmem>> -> memref<64x128xf32, #tpu.memory_space<vmem>>
      %dma_start3A_191 = arith.constant 0 : i32
      %dma_start3A_192 = tpu.memref_slice %arg5[%multiple_of3A, %dma_start3A_191] : memref<2048x128xf32, #tpu.memory_space<hbm>> -> memref<64x128xf32, #tpu.memory_space<hbm>>
      %dma_start3A_193 = arith.constant 0 : i32
      %dma_start3A_194 = arith.constant 0 : i32
      %dma_start3A_195 = tpu.memref_slice %arg11[%run_scoped3A_8, %dma_start3A_193, %dma_start3A_194] : memref<4x64x128xf32, #tpu.memory_space<vmem>> -> memref<1x64x128xf32, #tpu.memory_space<vmem>>
      %dma_start3A_196 = tpu.memref_squeeze %dma_start3A_195 : memref<1x64x128xf32, #tpu.memory_space<vmem>> -> memref<64x128xf32, #tpu.memory_space<vmem>>
      %dma_start3A_197 = arith.constant 0 : i32
      %dma_start3A_198 = tpu.memref_slice %arg5[%multiple_of3A, %dma_start3A_197] : memref<2048x128xf32, #tpu.memory_space<hbm>> -> memref<64x128xf32, #tpu.memory_space<hbm>>
      tpu.enqueue_dma source(%dma_start3A_198 : memref<64x128xf32, #tpu.memory_space<hbm>>) target(%dma_start3A_196 : memref<64x128xf32, #tpu.memory_space<vmem>>) target_semaphore(%run_scoped3A_186 : memref<!tpu.dma_semaphore, #tpu.memory_space<semaphore_mem>>)
      %dma_wait3A = arith.constant 0 : i32
      %dma_wait3A_199 = arith.constant 0 : i32
      %dma_wait3A_200 = tpu.memref_slice %arg11[%run_scoped3A_8, %dma_wait3A, %dma_wait3A_199] : memref<4x64x128xf32, #tpu.memory_space<vmem>> -> memref<1x64x128xf32, #tpu.memory_space<vmem>>
      %dma_wait3A_201 = tpu.memref_squeeze %dma_wait3A_200 : memref<1x64x128xf32, #tpu.memory_space<vmem>> -> memref<64x128xf32, #tpu.memory_space<vmem>>
      %dma_wait3A_202 = arith.constant 0 : i32
      %dma_wait3A_203 = tpu.memref_slice %arg5[%multiple_of3A, %dma_wait3A_202] : memref<2048x128xf32, #tpu.memory_space<hbm>> -> memref<64x128xf32, #tpu.memory_space<hbm>>
      %dma_wait3A_204 = arith.constant 0 : i32
      %dma_wait3A_205 = arith.constant 0 : i32
      %dma_wait3A_206 = tpu.memref_slice %arg11[%run_scoped3A_8, %dma_wait3A_204, %dma_wait3A_205] : memref<4x64x128xf32, #tpu.memory_space<vmem>> -> memref<1x64x128xf32, #tpu.memory_space<vmem>>
      %dma_wait3A_207 = tpu.memref_squeeze %dma_wait3A_206 : memref<1x64x128xf32, #tpu.memory_space<vmem>> -> memref<64x128xf32, #tpu.memory_space<vmem>>
      %dma_wait3A_208 = arith.constant 0 : i32
      %dma_wait3A_209 = tpu.memref_slice %arg5[%multiple_of3A, %dma_wait3A_208] : memref<2048x128xf32, #tpu.memory_space<hbm>> -> memref<64x128xf32, #tpu.memory_space<hbm>>
      tpu.wait_dma2 semaphore(%run_scoped3A_186 : memref<!tpu.dma_semaphore, #tpu.memory_space<semaphore_mem>>) src(%dma_wait3A_209 : memref<64x128xf32, #tpu.memory_space<hbm>>) dst(%dma_wait3A_207 : memref<64x128xf32, #tpu.memory_space<vmem>>)
      tpu.yield
    }) : () -> ()
    %run_scoped3A_9 = arith.constant 1 : i32
    "tpu.region"() ({
      %run_scoped3A_186 = tpu.sem_alloc : memref<!tpu.dma_semaphore, #tpu.memory_space<semaphore_mem>>
      %dma_start3A_187 = arith.constant 0 : i32
      %dma_start3A_188 = arith.constant 0 : i32
      %dma_start3A_189 = tpu.memref_slice %arg11[%run_scoped3A_9, %dma_start3A_187, %dma_start3A_188] : memref<4x64x128xf32, #tpu.memory_space<vmem>> -> memref<1x64x128xf32, #tpu.memory_space<vmem>>
      %dma_start3A_190 = tpu.memref_squeeze %dma_start3A_189 : memref<1x64x128xf32, #tpu.memory_space<vmem>> -> memref<64x128xf32, #tpu.memory_space<vmem>>
      %dma_start3A_191 = arith.constant 0 : i32
      %dma_start3A_192 = tpu.memref_slice %arg6[%multiple_of3A, %dma_start3A_191] : memref<2048x128xf32, #tpu.memory_space<hbm>> -> memref<64x128xf32, #tpu.memory_space<hbm>>
      %dma_start3A_193 = arith.constant 0 : i32
      %dma_start3A_194 = arith.constant 0 : i32
      %dma_start3A_195 = tpu.memref_slice %arg11[%run_scoped3A_9, %dma_start3A_193, %dma_start3A_194] : memref<4x64x128xf32, #tpu.memory_space<vmem>> -> memref<1x64x128xf32, #tpu.memory_space<vmem>>
      %dma_start3A_196 = tpu.memref_squeeze %dma_start3A_195 : memref<1x64x128xf32, #tpu.memory_space<vmem>> -> memref<64x128xf32, #tpu.memory_space<vmem>>
      %dma_start3A_197 = arith.constant 0 : i32
      %dma_start3A_198 = tpu.memref_slice %arg6[%multiple_of3A, %dma_start3A_197] : memref<2048x128xf32, #tpu.memory_space<hbm>> -> memref<64x128xf32, #tpu.memory_space<hbm>>
      tpu.enqueue_dma source(%dma_start3A_198 : memref<64x128xf32, #tpu.memory_space<hbm>>) target(%dma_start3A_196 : memref<64x128xf32, #tpu.memory_space<vmem>>) target_semaphore(%run_scoped3A_186 : memref<!tpu.dma_semaphore, #tpu.memory_space<semaphore_mem>>)
      %dma_wait3A = arith.constant 0 : i32
      %dma_wait3A_199 = arith.constant 0 : i32
      %dma_wait3A_200 = tpu.memref_slice %arg11[%run_scoped3A_9, %dma_wait3A, %dma_wait3A_199] : memref<4x64x128xf32, #tpu.memory_space<vmem>> -> memref<1x64x128xf32, #tpu.memory_space<vmem>>
      %dma_wait3A_201 = tpu.memref_squeeze %dma_wait3A_200 : memref<1x64x128xf32, #tpu.memory_space<vmem>> -> memref<64x128xf32, #tpu.memory_space<vmem>>
      %dma_wait3A_202 = arith.constant 0 : i32
      %dma_wait3A_203 = tpu.memref_slice %arg6[%multiple_of3A, %dma_wait3A_202] : memref<2048x128xf32, #tpu.memory_space<hbm>> -> memref<64x128xf32, #tpu.memory_space<hbm>>
      %dma_wait3A_204 = arith.constant 0 : i32
      %dma_wait3A_205 = arith.constant 0 : i32
      %dma_wait3A_206 = tpu.memref_slice %arg11[%run_scoped3A_9, %dma_wait3A_204, %dma_wait3A_205] : memref<4x64x128xf32, #tpu.memory_space<vmem>> -> memref<1x64x128xf32, #tpu.memory_space<vmem>>
      %dma_wait3A_207 = tpu.memref_squeeze %dma_wait3A_206 : memref<1x64x128xf32, #tpu.memory_space<vmem>> -> memref<64x128xf32, #tpu.memory_space<vmem>>
      %dma_wait3A_208 = arith.constant 0 : i32
      %dma_wait3A_209 = tpu.memref_slice %arg6[%multiple_of3A, %dma_wait3A_208] : memref<2048x128xf32, #tpu.memory_space<hbm>> -> memref<64x128xf32, #tpu.memory_space<hbm>>
      tpu.wait_dma2 semaphore(%run_scoped3A_186 : memref<!tpu.dma_semaphore, #tpu.memory_space<semaphore_mem>>) src(%dma_wait3A_209 : memref<64x128xf32, #tpu.memory_space<hbm>>) dst(%dma_wait3A_207 : memref<64x128xf32, #tpu.memory_space<vmem>>)
      tpu.yield
    }) : () -> ()
    %run_scoped3A_10 = arith.constant 2 : i32
    "tpu.region"() ({
      %run_scoped3A_186 = tpu.sem_alloc : memref<!tpu.dma_semaphore, #tpu.memory_space<semaphore_mem>>
      %dma_start3A_187 = arith.constant 0 : i32
      %dma_start3A_188 = arith.constant 0 : i32
      %dma_start3A_189 = tpu.memref_slice %arg11[%run_scoped3A_10, %dma_start3A_187, %dma_start3A_188] : memref<4x64x128xf32, #tpu.memory_space<vmem>> -> memref<1x64x128xf32, #tpu.memory_space<vmem>>
      %dma_start3A_190 = tpu.memref_squeeze %dma_start3A_189 : memref<1x64x128xf32, #tpu.memory_space<vmem>> -> memref<64x128xf32, #tpu.memory_space<vmem>>
      %dma_start3A_191 = arith.constant 0 : i32
      %dma_start3A_192 = tpu.memref_slice %arg7[%multiple_of3A, %dma_start3A_191] : memref<2048x128xf32, #tpu.memory_space<hbm>> -> memref<64x128xf32, #tpu.memory_space<hbm>>
      %dma_start3A_193 = arith.constant 0 : i32
      %dma_start3A_194 = arith.constant 0 : i32
      %dma_start3A_195 = tpu.memref_slice %arg11[%run_scoped3A_10, %dma_start3A_193, %dma_start3A_194] : memref<4x64x128xf32, #tpu.memory_space<vmem>> -> memref<1x64x128xf32, #tpu.memory_space<vmem>>
      %dma_start3A_196 = tpu.memref_squeeze %dma_start3A_195 : memref<1x64x128xf32, #tpu.memory_space<vmem>> -> memref<64x128xf32, #tpu.memory_space<vmem>>
      %dma_start3A_197 = arith.constant 0 : i32
      %dma_start3A_198 = tpu.memref_slice %arg7[%multiple_of3A, %dma_start3A_197] : memref<2048x128xf32, #tpu.memory_space<hbm>> -> memref<64x128xf32, #tpu.memory_space<hbm>>
      tpu.enqueue_dma source(%dma_start3A_198 : memref<64x128xf32, #tpu.memory_space<hbm>>) target(%dma_start3A_196 : memref<64x128xf32, #tpu.memory_space<vmem>>) target_semaphore(%run_scoped3A_186 : memref<!tpu.dma_semaphore, #tpu.memory_space<semaphore_mem>>)
      %dma_wait3A = arith.constant 0 : i32
      %dma_wait3A_199 = arith.constant 0 : i32
      %dma_wait3A_200 = tpu.memref_slice %arg11[%run_scoped3A_10, %dma_wait3A, %dma_wait3A_199] : memref<4x64x128xf32, #tpu.memory_space<vmem>> -> memref<1x64x128xf32, #tpu.memory_space<vmem>>
      %dma_wait3A_201 = tpu.memref_squeeze %dma_wait3A_200 : memref<1x64x128xf32, #tpu.memory_space<vmem>> -> memref<64x128xf32, #tpu.memory_space<vmem>>
      %dma_wait3A_202 = arith.constant 0 : i32
      %dma_wait3A_203 = tpu.memref_slice %arg7[%multiple_of3A, %dma_wait3A_202] : memref<2048x128xf32, #tpu.memory_space<hbm>> -> memref<64x128xf32, #tpu.memory_space<hbm>>
      %dma_wait3A_204 = arith.constant 0 : i32
      %dma_wait3A_205 = arith.constant 0 : i32
      %dma_wait3A_206 = tpu.memref_slice %arg11[%run_scoped3A_10, %dma_wait3A_204, %dma_wait3A_205] : memref<4x64x128xf32, #tpu.memory_space<vmem>> -> memref<1x64x128xf32, #tpu.memory_space<vmem>>
      %dma_wait3A_207 = tpu.memref_squeeze %dma_wait3A_206 : memref<1x64x128xf32, #tpu.memory_space<vmem>> -> memref<64x128xf32, #tpu.memory_space<vmem>>
      %dma_wait3A_208 = arith.constant 0 : i32
      %dma_wait3A_209 = tpu.memref_slice %arg7[%multiple_of3A, %dma_wait3A_208] : memref<2048x128xf32, #tpu.memory_space<hbm>> -> memref<64x128xf32, #tpu.memory_space<hbm>>
      tpu.wait_dma2 semaphore(%run_scoped3A_186 : memref<!tpu.dma_semaphore, #tpu.memory_space<semaphore_mem>>) src(%dma_wait3A_209 : memref<64x128xf32, #tpu.memory_space<hbm>>) dst(%dma_wait3A_207 : memref<64x128xf32, #tpu.memory_space<vmem>>)
      tpu.yield
    }) : () -> ()
    %run_scoped3A_11 = arith.constant 3 : i32
    "tpu.region"() ({
      %run_scoped3A_186 = tpu.sem_alloc : memref<!tpu.dma_semaphore, #tpu.memory_space<semaphore_mem>>
      %dma_start3A_187 = arith.constant 0 : i32
      %dma_start3A_188 = arith.constant 0 : i32
      %dma_start3A_189 = tpu.memref_slice %arg11[%run_scoped3A_11, %dma_start3A_187, %dma_start3A_188] : memref<4x64x128xf32, #tpu.memory_space<vmem>> -> memref<1x64x128xf32, #tpu.memory_space<vmem>>
      %dma_start3A_190 = tpu.memref_squeeze %dma_start3A_189 : memref<1x64x128xf32, #tpu.memory_space<vmem>> -> memref<64x128xf32, #tpu.memory_space<vmem>>
      %dma_start3A_191 = arith.constant 0 : i32
      %dma_start3A_192 = tpu.memref_slice %arg8[%multiple_of3A, %dma_start3A_191] : memref<2048x128xf32, #tpu.memory_space<hbm>> -> memref<64x128xf32, #tpu.memory_space<hbm>>
      %dma_start3A_193 = arith.constant 0 : i32
      %dma_start3A_194 = arith.constant 0 : i32
      %dma_start3A_195 = tpu.memref_slice %arg11[%run_scoped3A_11, %dma_start3A_193, %dma_start3A_194] : memref<4x64x128xf32, #tpu.memory_space<vmem>> -> memref<1x64x128xf32, #tpu.memory_space<vmem>>
      %dma_start3A_196 = tpu.memref_squeeze %dma_start3A_195 : memref<1x64x128xf32, #tpu.memory_space<vmem>> -> memref<64x128xf32, #tpu.memory_space<vmem>>
      %dma_start3A_197 = arith.constant 0 : i32
      %dma_start3A_198 = tpu.memref_slice %arg8[%multiple_of3A, %dma_start3A_197] : memref<2048x128xf32, #tpu.memory_space<hbm>> -> memref<64x128xf32, #tpu.memory_space<hbm>>
      tpu.enqueue_dma source(%dma_start3A_198 : memref<64x128xf32, #tpu.memory_space<hbm>>) target(%dma_start3A_196 : memref<64x128xf32, #tpu.memory_space<vmem>>) target_semaphore(%run_scoped3A_186 : memref<!tpu.dma_semaphore, #tpu.memory_space<semaphore_mem>>)
      %dma_wait3A = arith.constant 0 : i32
      %dma_wait3A_199 = arith.constant 0 : i32
      %dma_wait3A_200 = tpu.memref_slice %arg11[%run_scoped3A_11, %dma_wait3A, %dma_wait3A_199] : memref<4x64x128xf32, #tpu.memory_space<vmem>> -> memref<1x64x128xf32, #tpu.memory_space<vmem>>
      %dma_wait3A_201 = tpu.memref_squeeze %dma_wait3A_200 : memref<1x64x128xf32, #tpu.memory_space<vmem>> -> memref<64x128xf32, #tpu.memory_space<vmem>>
      %dma_wait3A_202 = arith.constant 0 : i32
      %dma_wait3A_203 = tpu.memref_slice %arg8[%multiple_of3A, %dma_wait3A_202] : memref<2048x128xf32, #tpu.memory_space<hbm>> -> memref<64x128xf32, #tpu.memory_space<hbm>>
      %dma_wait3A_204 = arith.constant 0 : i32
      %dma_wait3A_205 = arith.constant 0 : i32
      %dma_wait3A_206 = tpu.memref_slice %arg11[%run_scoped3A_11, %dma_wait3A_204, %dma_wait3A_205] : memref<4x64x128xf32, #tpu.memory_space<vmem>> -> memref<1x64x128xf32, #tpu.memory_space<vmem>>
      %dma_wait3A_207 = tpu.memref_squeeze %dma_wait3A_206 : memref<1x64x128xf32, #tpu.memory_space<vmem>> -> memref<64x128xf32, #tpu.memory_space<vmem>>
      %dma_wait3A_208 = arith.constant 0 : i32
      %dma_wait3A_209 = tpu.memref_slice %arg8[%multiple_of3A, %dma_wait3A_208] : memref<2048x128xf32, #tpu.memory_space<hbm>> -> memref<64x128xf32, #tpu.memory_space<hbm>>
      tpu.wait_dma2 semaphore(%run_scoped3A_186 : memref<!tpu.dma_semaphore, #tpu.memory_space<semaphore_mem>>) src(%dma_wait3A_209 : memref<64x128xf32, #tpu.memory_space<hbm>>) dst(%dma_wait3A_207 : memref<64x128xf32, #tpu.memory_space<vmem>>)
      tpu.yield
    }) : () -> ()
    %dma_start3A = arith.constant 0 : i32
    %dma_start3A_12 = arith.constant 0 : i32
    %dma_start3A_13 = arith.constant 0 : i32
    %dma_start3A_14 = arith.constant 0 : i32
    %dma_start3A_15 = arith.constant 0 : i32
    %dma_start3A_16 = arith.constant 0 : i32
    %dma_start3A_17 = tpu.memref_slice %arg12[%dma_start3A_13, %dma_start3A_14, %dma_start3A_15, %dma_start3A_16] : memref<7x2x128x64xbf16, #tpu.memory_space<vmem>> -> memref<1x1x128x64xbf16, #tpu.memory_space<vmem>>
    %dma_start3A_18 = tpu.memref_squeeze %dma_start3A_17 : memref<1x1x128x64xbf16, #tpu.memory_space<vmem>> -> memref<128x64xbf16, #tpu.memory_space<vmem>>
    %dma_start3A_19 = arith.constant 0 : i32
    %dma_start3A_20 = tpu.memref_slice %arg10[%dma_start3A, %dma_start3A_12, %dma_start3A_19] : memref<2x64x128xi32, #tpu.memory_space<vmem>> -> memref<1x1x128xi32, #tpu.memory_space<vmem>>
    %dma_start3A_21 = tpu.memref_squeeze %dma_start3A_20 : memref<1x1x128xi32, #tpu.memory_space<vmem>> -> memref<128xi32, #tpu.memory_space<vmem>>
    %dma_start3A_22 = arith.constant 0 : i32
    %dma_start3A_23 = arith.constant 0 : i32
    %dma_start3A_24 = tpu.memref_slice %arg2[%dma_start3A_22, %dma_start3A_23] : memref<87040x64xbf16, #tpu.memory_space<hbm>> -> memref<87040x64xbf16, #tpu.memory_space<hbm>>
    tpu.enqueue_indirect_dma source(%dma_start3A_24 : memref<87040x64xbf16, #tpu.memory_space<hbm>>) target(%dma_start3A_18 : memref<128x64xbf16, #tpu.memory_space<vmem>>) offsets(%dma_start3A_21 : memref<128xi32, #tpu.memory_space<vmem>>) semaphore(%arg14 : memref<!tpu.dma_semaphore, #tpu.memory_space<semaphore_mem>>)
    %dma_start3A_25 = arith.constant 1 : i32
    %dma_start3A_26 = arith.constant 0 : i32
    %dma_start3A_27 = arith.constant 0 : i32
    %dma_start3A_28 = arith.constant 1 : i32
    %dma_start3A_29 = arith.constant 0 : i32
    %dma_start3A_30 = arith.constant 0 : i32
    %dma_start3A_31 = tpu.memref_slice %arg12[%dma_start3A_27, %dma_start3A_28, %dma_start3A_29, %dma_start3A_30] : memref<7x2x128x64xbf16, #tpu.memory_space<vmem>> -> memref<1x1x128x64xbf16, #tpu.memory_space<vmem>>
    %dma_start3A_32 = tpu.memref_squeeze %dma_start3A_31 : memref<1x1x128x64xbf16, #tpu.memory_space<vmem>> -> memref<128x64xbf16, #tpu.memory_space<vmem>>
    %dma_start3A_33 = arith.constant 0 : i32
    %dma_start3A_34 = tpu.memref_slice %arg10[%dma_start3A_25, %dma_start3A_26, %dma_start3A_33] : memref<2x64x128xi32, #tpu.memory_space<vmem>> -> memref<1x1x128xi32, #tpu.memory_space<vmem>>
    %dma_start3A_35 = tpu.memref_squeeze %dma_start3A_34 : memref<1x1x128xi32, #tpu.memory_space<vmem>> -> memref<128xi32, #tpu.memory_space<vmem>>
    %dma_start3A_36 = arith.constant 0 : i32
    %dma_start3A_37 = arith.constant 0 : i32
    %dma_start3A_38 = tpu.memref_slice %arg2[%dma_start3A_36, %dma_start3A_37] : memref<87040x64xbf16, #tpu.memory_space<hbm>> -> memref<87040x64xbf16, #tpu.memory_space<hbm>>
    tpu.enqueue_indirect_dma source(%dma_start3A_38 : memref<87040x64xbf16, #tpu.memory_space<hbm>>) target(%dma_start3A_32 : memref<128x64xbf16, #tpu.memory_space<vmem>>) offsets(%dma_start3A_35 : memref<128xi32, #tpu.memory_space<vmem>>) semaphore(%arg14 : memref<!tpu.dma_semaphore, #tpu.memory_space<semaphore_mem>>)
    %dma_start3A_39 = arith.constant 0 : i32
    %dma_start3A_40 = arith.constant 1 : i32
    %dma_start3A_41 = arith.constant 1 : i32
    %dma_start3A_42 = arith.constant 0 : i32
    %dma_start3A_43 = arith.constant 0 : i32
    %dma_start3A_44 = arith.constant 0 : i32
    %dma_start3A_45 = tpu.memref_slice %arg12[%dma_start3A_41, %dma_start3A_42, %dma_start3A_43, %dma_start3A_44] : memref<7x2x128x64xbf16, #tpu.memory_space<vmem>> -> memref<1x1x128x64xbf16, #tpu.memory_space<vmem>>
    %dma_start3A_46 = tpu.memref_squeeze %dma_start3A_45 : memref<1x1x128x64xbf16, #tpu.memory_space<vmem>> -> memref<128x64xbf16, #tpu.memory_space<vmem>>
    %dma_start3A_47 = arith.constant 0 : i32
    %dma_start3A_48 = tpu.memref_slice %arg10[%dma_start3A_39, %dma_start3A_40, %dma_start3A_47] : memref<2x64x128xi32, #tpu.memory_space<vmem>> -> memref<1x1x128xi32, #tpu.memory_space<vmem>>
    %dma_start3A_49 = tpu.memref_squeeze %dma_start3A_48 : memref<1x1x128xi32, #tpu.memory_space<vmem>> -> memref<128xi32, #tpu.memory_space<vmem>>
    %dma_start3A_50 = arith.constant 0 : i32
    %dma_start3A_51 = arith.constant 0 : i32
    %dma_start3A_52 = tpu.memref_slice %arg2[%dma_start3A_50, %dma_start3A_51] : memref<87040x64xbf16, #tpu.memory_space<hbm>> -> memref<87040x64xbf16, #tpu.memory_space<hbm>>
    tpu.enqueue_indirect_dma source(%dma_start3A_52 : memref<87040x64xbf16, #tpu.memory_space<hbm>>) target(%dma_start3A_46 : memref<128x64xbf16, #tpu.memory_space<vmem>>) offsets(%dma_start3A_49 : memref<128xi32, #tpu.memory_space<vmem>>) semaphore(%arg14 : memref<!tpu.dma_semaphore, #tpu.memory_space<semaphore_mem>>)
    %dma_start3A_53 = arith.constant 1 : i32
    %dma_start3A_54 = arith.constant 1 : i32
    %dma_start3A_55 = arith.constant 1 : i32
    %dma_start3A_56 = arith.constant 1 : i32
    %dma_start3A_57 = arith.constant 0 : i32
    %dma_start3A_58 = arith.constant 0 : i32
    %dma_start3A_59 = tpu.memref_slice %arg12[%dma_start3A_55, %dma_start3A_56, %dma_start3A_57, %dma_start3A_58] : memref<7x2x128x64xbf16, #tpu.memory_space<vmem>> -> memref<1x1x128x64xbf16, #tpu.memory_space<vmem>>
    %dma_start3A_60 = tpu.memref_squeeze %dma_start3A_59 : memref<1x1x128x64xbf16, #tpu.memory_space<vmem>> -> memref<128x64xbf16, #tpu.memory_space<vmem>>
    %dma_start3A_61 = arith.constant 0 : i32
    %dma_start3A_62 = tpu.memref_slice %arg10[%dma_start3A_53, %dma_start3A_54, %dma_start3A_61] : memref<2x64x128xi32, #tpu.memory_space<vmem>> -> memref<1x1x128xi32, #tpu.memory_space<vmem>>
    %dma_start3A_63 = tpu.memref_squeeze %dma_start3A_62 : memref<1x1x128xi32, #tpu.memory_space<vmem>> -> memref<128xi32, #tpu.memory_space<vmem>>
    %dma_start3A_64 = arith.constant 0 : i32
    %dma_start3A_65 = arith.constant 0 : i32
    %dma_start3A_66 = tpu.memref_slice %arg2[%dma_start3A_64, %dma_start3A_65] : memref<87040x64xbf16, #tpu.memory_space<hbm>> -> memref<87040x64xbf16, #tpu.memory_space<hbm>>
    tpu.enqueue_indirect_dma source(%dma_start3A_66 : memref<87040x64xbf16, #tpu.memory_space<hbm>>) target(%dma_start3A_60 : memref<128x64xbf16, #tpu.memory_space<vmem>>) offsets(%dma_start3A_63 : memref<128xi32, #tpu.memory_space<vmem>>) semaphore(%arg14 : memref<!tpu.dma_semaphore, #tpu.memory_space<semaphore_mem>>)
    %dma_start3A_67 = arith.constant 0 : i32
    %dma_start3A_68 = arith.constant 2 : i32
    %dma_start3A_69 = arith.constant 2 : i32
    %dma_start3A_70 = arith.constant 0 : i32
    %dma_start3A_71 = arith.constant 0 : i32
    %dma_start3A_72 = arith.constant 0 : i32
    %dma_start3A_73 = tpu.memref_slice %arg12[%dma_start3A_69, %dma_start3A_70, %dma_start3A_71, %dma_start3A_72] : memref<7x2x128x64xbf16, #tpu.memory_space<vmem>> -> memref<1x1x128x64xbf16, #tpu.memory_space<vmem>>
    %dma_start3A_74 = tpu.memref_squeeze %dma_start3A_73 : memref<1x1x128x64xbf16, #tpu.memory_space<vmem>> -> memref<128x64xbf16, #tpu.memory_space<vmem>>
    %dma_start3A_75 = arith.constant 0 : i32
    %dma_start3A_76 = tpu.memref_slice %arg10[%dma_start3A_67, %dma_start3A_68, %dma_start3A_75] : memref<2x64x128xi32, #tpu.memory_space<vmem>> -> memref<1x1x128xi32, #tpu.memory_space<vmem>>
    %dma_start3A_77 = tpu.memref_squeeze %dma_start3A_76 : memref<1x1x128xi32, #tpu.memory_space<vmem>> -> memref<128xi32, #tpu.memory_space<vmem>>
    %dma_start3A_78 = arith.constant 0 : i32
    %dma_start3A_79 = arith.constant 0 : i32
    %dma_start3A_80 = tpu.memref_slice %arg2[%dma_start3A_78, %dma_start3A_79] : memref<87040x64xbf16, #tpu.memory_space<hbm>> -> memref<87040x64xbf16, #tpu.memory_space<hbm>>
    tpu.enqueue_indirect_dma source(%dma_start3A_80 : memref<87040x64xbf16, #tpu.memory_space<hbm>>) target(%dma_start3A_74 : memref<128x64xbf16, #tpu.memory_space<vmem>>) offsets(%dma_start3A_77 : memref<128xi32, #tpu.memory_space<vmem>>) semaphore(%arg14 : memref<!tpu.dma_semaphore, #tpu.memory_space<semaphore_mem>>)
    %dma_start3A_81 = arith.constant 1 : i32
    %dma_start3A_82 = arith.constant 2 : i32
    %dma_start3A_83 = arith.constant 2 : i32
    %dma_start3A_84 = arith.constant 1 : i32
    %dma_start3A_85 = arith.constant 0 : i32
    %dma_start3A_86 = arith.constant 0 : i32
    %dma_start3A_87 = tpu.memref_slice %arg12[%dma_start3A_83, %dma_start3A_84, %dma_start3A_85, %dma_start3A_86] : memref<7x2x128x64xbf16, #tpu.memory_space<vmem>> -> memref<1x1x128x64xbf16, #tpu.memory_space<vmem>>
    %dma_start3A_88 = tpu.memref_squeeze %dma_start3A_87 : memref<1x1x128x64xbf16, #tpu.memory_space<vmem>> -> memref<128x64xbf16, #tpu.memory_space<vmem>>
    %dma_start3A_89 = arith.constant 0 : i32
    %dma_start3A_90 = tpu.memref_slice %arg10[%dma_start3A_81, %dma_start3A_82, %dma_start3A_89] : memref<2x64x128xi32, #tpu.memory_space<vmem>> -> memref<1x1x128xi32, #tpu.memory_space<vmem>>
    %dma_start3A_91 = tpu.memref_squeeze %dma_start3A_90 : memref<1x1x128xi32, #tpu.memory_space<vmem>> -> memref<128xi32, #tpu.memory_space<vmem>>
    %dma_start3A_92 = arith.constant 0 : i32
    %dma_start3A_93 = arith.constant 0 : i32
    %dma_start3A_94 = tpu.memref_slice %arg2[%dma_start3A_92, %dma_start3A_93] : memref<87040x64xbf16, #tpu.memory_space<hbm>> -> memref<87040x64xbf16, #tpu.memory_space<hbm>>
    tpu.enqueue_indirect_dma source(%dma_start3A_94 : memref<87040x64xbf16, #tpu.memory_space<hbm>>) target(%dma_start3A_88 : memref<128x64xbf16, #tpu.memory_space<vmem>>) offsets(%dma_start3A_91 : memref<128xi32, #tpu.memory_space<vmem>>) semaphore(%arg14 : memref<!tpu.dma_semaphore, #tpu.memory_space<semaphore_mem>>)
    %dma_start3A_95 = arith.constant 0 : i32
    %dma_start3A_96 = arith.constant 3 : i32
    %dma_start3A_97 = arith.constant 3 : i32
    %dma_start3A_98 = arith.constant 0 : i32
    %dma_start3A_99 = arith.constant 0 : i32
    %dma_start3A_100 = arith.constant 0 : i32
    %dma_start3A_101 = tpu.memref_slice %arg12[%dma_start3A_97, %dma_start3A_98, %dma_start3A_99, %dma_start3A_100] : memref<7x2x128x64xbf16, #tpu.memory_space<vmem>> -> memref<1x1x128x64xbf16, #tpu.memory_space<vmem>>
    %dma_start3A_102 = tpu.memref_squeeze %dma_start3A_101 : memref<1x1x128x64xbf16, #tpu.memory_space<vmem>> -> memref<128x64xbf16, #tpu.memory_space<vmem>>
    %dma_start3A_103 = arith.constant 0 : i32
    %dma_start3A_104 = tpu.memref_slice %arg10[%dma_start3A_95, %dma_start3A_96, %dma_start3A_103] : memref<2x64x128xi32, #tpu.memory_space<vmem>> -> memref<1x1x128xi32, #tpu.memory_space<vmem>>
    %dma_start3A_105 = tpu.memref_squeeze %dma_start3A_104 : memref<1x1x128xi32, #tpu.memory_space<vmem>> -> memref<128xi32, #tpu.memory_space<vmem>>
    %dma_start3A_106 = arith.constant 0 : i32
    %dma_start3A_107 = arith.constant 0 : i32
    %dma_start3A_108 = tpu.memref_slice %arg2[%dma_start3A_106, %dma_start3A_107] : memref<87040x64xbf16, #tpu.memory_space<hbm>> -> memref<87040x64xbf16, #tpu.memory_space<hbm>>
    tpu.enqueue_indirect_dma source(%dma_start3A_108 : memref<87040x64xbf16, #tpu.memory_space<hbm>>) target(%dma_start3A_102 : memref<128x64xbf16, #tpu.memory_space<vmem>>) offsets(%dma_start3A_105 : memref<128xi32, #tpu.memory_space<vmem>>) semaphore(%arg14 : memref<!tpu.dma_semaphore, #tpu.memory_space<semaphore_mem>>)
    %dma_start3A_109 = arith.constant 1 : i32
    %dma_start3A_110 = arith.constant 3 : i32
    %dma_start3A_111 = arith.constant 3 : i32
    %dma_start3A_112 = arith.constant 1 : i32
    %dma_start3A_113 = arith.constant 0 : i32
    %dma_start3A_114 = arith.constant 0 : i32
    %dma_start3A_115 = tpu.memref_slice %arg12[%dma_start3A_111, %dma_start3A_112, %dma_start3A_113, %dma_start3A_114] : memref<7x2x128x64xbf16, #tpu.memory_space<vmem>> -> memref<1x1x128x64xbf16, #tpu.memory_space<vmem>>
    %dma_start3A_116 = tpu.memref_squeeze %dma_start3A_115 : memref<1x1x128x64xbf16, #tpu.memory_space<vmem>> -> memref<128x64xbf16, #tpu.memory_space<vmem>>
    %dma_start3A_117 = arith.constant 0 : i32
    %dma_start3A_118 = tpu.memref_slice %arg10[%dma_start3A_109, %dma_start3A_110, %dma_start3A_117] : memref<2x64x128xi32, #tpu.memory_space<vmem>> -> memref<1x1x128xi32, #tpu.memory_space<vmem>>
    %dma_start3A_119 = tpu.memref_squeeze %dma_start3A_118 : memref<1x1x128xi32, #tpu.memory_space<vmem>> -> memref<128xi32, #tpu.memory_space<vmem>>
    %dma_start3A_120 = arith.constant 0 : i32
    %dma_start3A_121 = arith.constant 0 : i32
    %dma_start3A_122 = tpu.memref_slice %arg2[%dma_start3A_120, %dma_start3A_121] : memref<87040x64xbf16, #tpu.memory_space<hbm>> -> memref<87040x64xbf16, #tpu.memory_space<hbm>>
    tpu.enqueue_indirect_dma source(%dma_start3A_122 : memref<87040x64xbf16, #tpu.memory_space<hbm>>) target(%dma_start3A_116 : memref<128x64xbf16, #tpu.memory_space<vmem>>) offsets(%dma_start3A_119 : memref<128xi32, #tpu.memory_space<vmem>>) semaphore(%arg14 : memref<!tpu.dma_semaphore, #tpu.memory_space<semaphore_mem>>)
    %dma_start3A_123 = arith.constant 0 : i32
    %dma_start3A_124 = arith.constant 4 : i32
    %dma_start3A_125 = arith.constant 4 : i32
    %dma_start3A_126 = arith.constant 0 : i32
    %dma_start3A_127 = arith.constant 0 : i32
    %dma_start3A_128 = arith.constant 0 : i32
    %dma_start3A_129 = tpu.memref_slice %arg12[%dma_start3A_125, %dma_start3A_126, %dma_start3A_127, %dma_start3A_128] : memref<7x2x128x64xbf16, #tpu.memory_space<vmem>> -> memref<1x1x128x64xbf16, #tpu.memory_space<vmem>>
    %dma_start3A_130 = tpu.memref_squeeze %dma_start3A_129 : memref<1x1x128x64xbf16, #tpu.memory_space<vmem>> -> memref<128x64xbf16, #tpu.memory_space<vmem>>
    %dma_start3A_131 = arith.constant 0 : i32
    %dma_start3A_132 = tpu.memref_slice %arg10[%dma_start3A_123, %dma_start3A_124, %dma_start3A_131] : memref<2x64x128xi32, #tpu.memory_space<vmem>> -> memref<1x1x128xi32, #tpu.memory_space<vmem>>
    %dma_start3A_133 = tpu.memref_squeeze %dma_start3A_132 : memref<1x1x128xi32, #tpu.memory_space<vmem>> -> memref<128xi32, #tpu.memory_space<vmem>>
    %dma_start3A_134 = arith.constant 0 : i32
    %dma_start3A_135 = arith.constant 0 : i32
    %dma_start3A_136 = tpu.memref_slice %arg2[%dma_start3A_134, %dma_start3A_135] : memref<87040x64xbf16, #tpu.memory_space<hbm>> -> memref<87040x64xbf16, #tpu.memory_space<hbm>>
    tpu.enqueue_indirect_dma source(%dma_start3A_136 : memref<87040x64xbf16, #tpu.memory_space<hbm>>) target(%dma_start3A_130 : memref<128x64xbf16, #tpu.memory_space<vmem>>) offsets(%dma_start3A_133 : memref<128xi32, #tpu.memory_space<vmem>>) semaphore(%arg14 : memref<!tpu.dma_semaphore, #tpu.memory_space<semaphore_mem>>)
    %dma_start3A_137 = arith.constant 1 : i32
    %dma_start3A_138 = arith.constant 4 : i32
    %dma_start3A_139 = arith.constant 4 : i32
    %dma_start3A_140 = arith.constant 1 : i32
    %dma_start3A_141 = arith.constant 0 : i32
    %dma_start3A_142 = arith.constant 0 : i32
    %dma_start3A_143 = tpu.memref_slice %arg12[%dma_start3A_139, %dma_start3A_140, %dma_start3A_141, %dma_start3A_142] : memref<7x2x128x64xbf16, #tpu.memory_space<vmem>> -> memref<1x1x128x64xbf16, #tpu.memory_space<vmem>>
    %dma_start3A_144 = tpu.memref_squeeze %dma_start3A_143 : memref<1x1x128x64xbf16, #tpu.memory_space<vmem>> -> memref<128x64xbf16, #tpu.memory_space<vmem>>
    %dma_start3A_145 = arith.constant 0 : i32
    %dma_start3A_146 = tpu.memref_slice %arg10[%dma_start3A_137, %dma_start3A_138, %dma_start3A_145] : memref<2x64x128xi32, #tpu.memory_space<vmem>> -> memref<1x1x128xi32, #tpu.memory_space<vmem>>
    %dma_start3A_147 = tpu.memref_squeeze %dma_start3A_146 : memref<1x1x128xi32, #tpu.memory_space<vmem>> -> memref<128xi32, #tpu.memory_space<vmem>>
    %dma_start3A_148 = arith.constant 0 : i32
    %dma_start3A_149 = arith.constant 0 : i32
    %dma_start3A_150 = tpu.memref_slice %arg2[%dma_start3A_148, %dma_start3A_149] : memref<87040x64xbf16, #tpu.memory_space<hbm>> -> memref<87040x64xbf16, #tpu.memory_space<hbm>>
    tpu.enqueue_indirect_dma source(%dma_start3A_150 : memref<87040x64xbf16, #tpu.memory_space<hbm>>) target(%dma_start3A_144 : memref<128x64xbf16, #tpu.memory_space<vmem>>) offsets(%dma_start3A_147 : memref<128xi32, #tpu.memory_space<vmem>>) semaphore(%arg14 : memref<!tpu.dma_semaphore, #tpu.memory_space<semaphore_mem>>)
    %dma_start3A_151 = arith.constant 0 : i32
    %dma_start3A_152 = arith.constant 5 : i32
    %dma_start3A_153 = arith.constant 5 : i32
    %dma_start3A_154 = arith.constant 0 : i32
    %dma_start3A_155 = arith.constant 0 : i32
    %dma_start3A_156 = arith.constant 0 : i32
    %dma_start3A_157 = tpu.memref_slice %arg12[%dma_start3A_153, %dma_start3A_154, %dma_start3A_155, %dma_start3A_156] : memref<7x2x128x64xbf16, #tpu.memory_space<vmem>> -> memref<1x1x128x64xbf16, #tpu.memory_space<vmem>>
    %dma_start3A_158 = tpu.memref_squeeze %dma_start3A_157 : memref<1x1x128x64xbf16, #tpu.memory_space<vmem>> -> memref<128x64xbf16, #tpu.memory_space<vmem>>
    %dma_start3A_159 = arith.constant 0 : i32
    %dma_start3A_160 = tpu.memref_slice %arg10[%dma_start3A_151, %dma_start3A_152, %dma_start3A_159] : memref<2x64x128xi32, #tpu.memory_space<vmem>> -> memref<1x1x128xi32, #tpu.memory_space<vmem>>
    %dma_start3A_161 = tpu.memref_squeeze %dma_start3A_160 : memref<1x1x128xi32, #tpu.memory_space<vmem>> -> memref<128xi32, #tpu.memory_space<vmem>>
    %dma_start3A_162 = arith.constant 0 : i32
    %dma_start3A_163 = arith.constant 0 : i32
    %dma_start3A_164 = tpu.memref_slice %arg2[%dma_start3A_162, %dma_start3A_163] : memref<87040x64xbf16, #tpu.memory_space<hbm>> -> memref<87040x64xbf16, #tpu.memory_space<hbm>>
    tpu.enqueue_indirect_dma source(%dma_start3A_164 : memref<87040x64xbf16, #tpu.memory_space<hbm>>) target(%dma_start3A_158 : memref<128x64xbf16, #tpu.memory_space<vmem>>) offsets(%dma_start3A_161 : memref<128xi32, #tpu.memory_space<vmem>>) semaphore(%arg14 : memref<!tpu.dma_semaphore, #tpu.memory_space<semaphore_mem>>)
    %dma_start3A_165 = arith.constant 1 : i32
    %dma_start3A_166 = arith.constant 5 : i32
    %dma_start3A_167 = arith.constant 5 : i32
    %dma_start3A_168 = arith.constant 1 : i32
    %dma_start3A_169 = arith.constant 0 : i32
    %dma_start3A_170 = arith.constant 0 : i32
    %dma_start3A_171 = tpu.memref_slice %arg12[%dma_start3A_167, %dma_start3A_168, %dma_start3A_169, %dma_start3A_170] : memref<7x2x128x64xbf16, #tpu.memory_space<vmem>> -> memref<1x1x128x64xbf16, #tpu.memory_space<vmem>>
    %dma_start3A_172 = tpu.memref_squeeze %dma_start3A_171 : memref<1x1x128x64xbf16, #tpu.memory_space<vmem>> -> memref<128x64xbf16, #tpu.memory_space<vmem>>
    %dma_start3A_173 = arith.constant 0 : i32
    %dma_start3A_174 = tpu.memref_slice %arg10[%dma_start3A_165, %dma_start3A_166, %dma_start3A_173] : memref<2x64x128xi32, #tpu.memory_space<vmem>> -> memref<1x1x128xi32, #tpu.memory_space<vmem>>
    %dma_start3A_175 = tpu.memref_squeeze %dma_start3A_174 : memref<1x1x128xi32, #tpu.memory_space<vmem>> -> memref<128xi32, #tpu.memory_space<vmem>>
    %dma_start3A_176 = arith.constant 0 : i32
    %dma_start3A_177 = arith.constant 0 : i32
    %dma_start3A_178 = tpu.memref_slice %arg2[%dma_start3A_176, %dma_start3A_177] : memref<87040x64xbf16, #tpu.memory_space<hbm>> -> memref<87040x64xbf16, #tpu.memory_space<hbm>>
    tpu.enqueue_indirect_dma source(%dma_start3A_178 : memref<87040x64xbf16, #tpu.memory_space<hbm>>) target(%dma_start3A_172 : memref<128x64xbf16, #tpu.memory_space<vmem>>) offsets(%dma_start3A_175 : memref<128xi32, #tpu.memory_space<vmem>>) semaphore(%arg14 : memref<!tpu.dma_semaphore, #tpu.memory_space<semaphore_mem>>)
    %scan3A_179 = arith.constant 0 : i32
    %scan3A_180 = arith.constant 0 : i32
    %scan3A_181 = arith.constant 64 : i32
    %scan3A_182 = arith.addi %scan3A_180, %scan3A_181 : i32
    %scan3A_183 = arith.constant 1 : i32
    scf.for %scan3A_186 = %scan3A_180 to %scan3A_182 step %scan3A_183  : i32 {
      %rem3A = arith.constant 7 : i32
      %rem3A_187 = arith.remsi %scan3A_186, %rem3A : i32
      %dma_wait3A = arith.constant 0 : i32
      %dma_wait3A_188 = arith.constant 0 : i32
      %dma_wait3A_189 = arith.constant 0 : i32
      %dma_wait3A_190 = arith.constant 0 : i32
      %dma_wait3A_191 = tpu.memref_slice %arg12[%rem3A_187, %dma_wait3A_188, %dma_wait3A_189, %dma_wait3A_190] : memref<7x2x128x64xbf16, #tpu.memory_space<vmem>> -> memref<1x1x128x64xbf16, #tpu.memory_space<vmem>>
      %dma_wait3A_192 = tpu.memref_squeeze %dma_wait3A_191 : memref<1x1x128x64xbf16, #tpu.memory_space<vmem>> -> memref<128x64xbf16, #tpu.memory_space<vmem>>
      %dma_wait3A_193 = arith.constant 0 : i32
      %dma_wait3A_194 = tpu.memref_slice %arg10[%dma_wait3A, %scan3A_186, %dma_wait3A_193] : memref<2x64x128xi32, #tpu.memory_space<vmem>> -> memref<1x1x128xi32, #tpu.memory_space<vmem>>
      %dma_wait3A_195 = tpu.memref_squeeze %dma_wait3A_194 : memref<1x1x128xi32, #tpu.memory_space<vmem>> -> memref<128xi32, #tpu.memory_space<vmem>>
      %dma_wait3A_196 = arith.constant 0 : i32
      %dma_wait3A_197 = arith.constant 0 : i32
      %dma_wait3A_198 = tpu.memref_slice %arg2[%dma_wait3A_196, %dma_wait3A_197] : memref<87040x64xbf16, #tpu.memory_space<hbm>> -> memref<87040x64xbf16, #tpu.memory_space<hbm>>
      tpu.wait_indirect_dma semaphore(%arg14 : memref<!tpu.dma_semaphore, #tpu.memory_space<semaphore_mem>>) src(%dma_wait3A_198 : memref<87040x64xbf16, #tpu.memory_space<hbm>>) dst(%dma_wait3A_192 : memref<128x64xbf16, #tpu.memory_space<vmem>>)
      %dma_wait3A_199 = arith.constant 1 : i32
      %dma_wait3A_200 = arith.constant 1 : i32
      %dma_wait3A_201 = arith.constant 0 : i32
      %dma_wait3A_202 = arith.constant 0 : i32
      %dma_wait3A_203 = tpu.memref_slice %arg12[%rem3A_187, %dma_wait3A_200, %dma_wait3A_201, %dma_wait3A_202] : memref<7x2x128x64xbf16, #tpu.memory_space<vmem>> -> memref<1x1x128x64xbf16, #tpu.memory_space<vmem>>
      %dma_wait3A_204 = tpu.memref_squeeze %dma_wait3A_203 : memref<1x1x128x64xbf16, #tpu.memory_space<vmem>> -> memref<128x64xbf16, #tpu.memory_space<vmem>>
      %dma_wait3A_205 = arith.constant 0 : i32
      %dma_wait3A_206 = tpu.memref_slice %arg10[%dma_wait3A_199, %scan3A_186, %dma_wait3A_205] : memref<2x64x128xi32, #tpu.memory_space<vmem>> -> memref<1x1x128xi32, #tpu.memory_space<vmem>>
      %dma_wait3A_207 = tpu.memref_squeeze %dma_wait3A_206 : memref<1x1x128xi32, #tpu.memory_space<vmem>> -> memref<128xi32, #tpu.memory_space<vmem>>
      %dma_wait3A_208 = arith.constant 0 : i32
      %dma_wait3A_209 = arith.constant 0 : i32
      %dma_wait3A_210 = tpu.memref_slice %arg2[%dma_wait3A_208, %dma_wait3A_209] : memref<87040x64xbf16, #tpu.memory_space<hbm>> -> memref<87040x64xbf16, #tpu.memory_space<hbm>>
      tpu.wait_indirect_dma semaphore(%arg14 : memref<!tpu.dma_semaphore, #tpu.memory_space<semaphore_mem>>) src(%dma_wait3A_210 : memref<87040x64xbf16, #tpu.memory_space<hbm>>) dst(%dma_wait3A_204 : memref<128x64xbf16, #tpu.memory_space<vmem>>)
      %lt3A = arith.constant 58 : i32
      %lt3A_211 = arith.cmpi slt, %scan3A_186, %lt3A : i32
      %convert_element_type3A = arith.extui %lt3A_211 : i1 to i32
      %cond3A = arith.constant 0 : i32
      %cond3A_212 = arith.cmpi ne, %convert_element_type3A, %cond3A : i32
      scf.if %cond3A_212 {
        %add3A_224 = arith.constant 7 : i32
        %add3A_225 = arith.addi %scan3A_186, %add3A_224 : i32
        %sub3A = arith.constant 1 : i32
        %sub3A_226 = arith.subi %add3A_225, %sub3A : i32
        %add3A_227 = arith.constant 7 : i32
        %add3A_228 = arith.addi %scan3A_186, %add3A_227 : i32
        %sub3A_229 = arith.constant 1 : i32
        %sub3A_230 = arith.subi %add3A_228, %sub3A_229 : i32
        %rem3A_231 = arith.constant 7 : i32
        %rem3A_232 = arith.remsi %sub3A_230, %rem3A_231 : i32
        %dma_start3A_233 = arith.constant 0 : i32
        %dma_start3A_234 = arith.constant 0 : i32
        %dma_start3A_235 = arith.constant 0 : i32
        %dma_start3A_236 = arith.constant 0 : i32
        %dma_start3A_237 = tpu.memref_slice %arg12[%rem3A_232, %dma_start3A_234, %dma_start3A_235, %dma_start3A_236] : memref<7x2x128x64xbf16, #tpu.memory_space<vmem>> -> memref<1x1x128x64xbf16, #tpu.memory_space<vmem>>
        %dma_start3A_238 = tpu.memref_squeeze %dma_start3A_237 : memref<1x1x128x64xbf16, #tpu.memory_space<vmem>> -> memref<128x64xbf16, #tpu.memory_space<vmem>>
        %dma_start3A_239 = arith.constant 0 : i32
        %dma_start3A_240 = tpu.memref_slice %arg10[%dma_start3A_233, %sub3A_226, %dma_start3A_239] : memref<2x64x128xi32, #tpu.memory_space<vmem>> -> memref<1x1x128xi32, #tpu.memory_space<vmem>>
        %dma_start3A_241 = tpu.memref_squeeze %dma_start3A_240 : memref<1x1x128xi32, #tpu.memory_space<vmem>> -> memref<128xi32, #tpu.memory_space<vmem>>
        %dma_start3A_242 = arith.constant 0 : i32
        %dma_start3A_243 = arith.constant 0 : i32
        %dma_start3A_244 = tpu.memref_slice %arg2[%dma_start3A_242, %dma_start3A_243] : memref<87040x64xbf16, #tpu.memory_space<hbm>> -> memref<87040x64xbf16, #tpu.memory_space<hbm>>
        tpu.enqueue_indirect_dma source(%dma_start3A_244 : memref<87040x64xbf16, #tpu.memory_space<hbm>>) target(%dma_start3A_238 : memref<128x64xbf16, #tpu.memory_space<vmem>>) offsets(%dma_start3A_241 : memref<128xi32, #tpu.memory_space<vmem>>) semaphore(%arg14 : memref<!tpu.dma_semaphore, #tpu.memory_space<semaphore_mem>>)
        %dma_start3A_245 = arith.constant 1 : i32
        %dma_start3A_246 = arith.constant 1 : i32
        %dma_start3A_247 = arith.constant 0 : i32
        %dma_start3A_248 = arith.constant 0 : i32
        %dma_start3A_249 = tpu.memref_slice %arg12[%rem3A_232, %dma_start3A_246, %dma_start3A_247, %dma_start3A_248] : memref<7x2x128x64xbf16, #tpu.memory_space<vmem>> -> memref<1x1x128x64xbf16, #tpu.memory_space<vmem>>
        %dma_start3A_250 = tpu.memref_squeeze %dma_start3A_249 : memref<1x1x128x64xbf16, #tpu.memory_space<vmem>> -> memref<128x64xbf16, #tpu.memory_space<vmem>>
        %dma_start3A_251 = arith.constant 0 : i32
        %dma_start3A_252 = tpu.memref_slice %arg10[%dma_start3A_245, %sub3A_226, %dma_start3A_251] : memref<2x64x128xi32, #tpu.memory_space<vmem>> -> memref<1x1x128xi32, #tpu.memory_space<vmem>>
        %dma_start3A_253 = tpu.memref_squeeze %dma_start3A_252 : memref<1x1x128xi32, #tpu.memory_space<vmem>> -> memref<128xi32, #tpu.memory_space<vmem>>
        %dma_start3A_254 = arith.constant 0 : i32
        %dma_start3A_255 = arith.constant 0 : i32
        %dma_start3A_256 = tpu.memref_slice %arg2[%dma_start3A_254, %dma_start3A_255] : memref<87040x64xbf16, #tpu.memory_space<hbm>> -> memref<87040x64xbf16, #tpu.memory_space<hbm>>
        tpu.enqueue_indirect_dma source(%dma_start3A_256 : memref<87040x64xbf16, #tpu.memory_space<hbm>>) target(%dma_start3A_250 : memref<128x64xbf16, #tpu.memory_space<vmem>>) offsets(%dma_start3A_253 : memref<128xi32, #tpu.memory_space<vmem>>) semaphore(%arg14 : memref<!tpu.dma_semaphore, #tpu.memory_space<semaphore_mem>>)
      } else {
      }
      %rem3A_213 = arith.constant 7 : i32
      %rem3A_214 = arith.remsi %scan3A_186, %rem3A_213 : i32
      %iota3A = tpu.iota {dimensions = array<i32: 0>} : vector<16xi32>
      %mul3A_215 = arith.constant 2 : i32
      %mul3A_216 = vector.broadcast %mul3A_215 : i32 to vector<16xi32>
      %mul3A_217 = arith.muli %iota3A, %mul3A_216 : vector<16xi32>
      %scan3A_218 = arith.constant 0 : i32
      %scan3A_219 = arith.constant 0 : i32
      %scan3A_220 = arith.constant 8 : i32
      %scan3A_221 = arith.addi %scan3A_219, %scan3A_220 : i32
      %scan3A_222 = arith.constant 1 : i32
      scf.for %scan3A_224 = %scan3A_219 to %scan3A_221 step %scan3A_222  : i32 {
        %mul3A_225 = arith.constant 16 : i32
        %mul3A_226 = arith.muli %scan3A_224, %mul3A_225 : i32
        %get3A = arith.constant 0 : i32
        %get3A_227 = arith.index_cast %get3A : i32 to index
        %get3A_228 = arith.index_cast %scan3A_186 : i32 to index
        %get3A_229 = arith.index_cast %mul3A_226 : i32 to index
        %get3A_230 = tpu.vector_load %arg11[%get3A_227, %get3A_228, %get3A_229] {strides = array<i32>} : memref<4x64x128xf32, #tpu.memory_space<vmem>>, vector<16xf32>,
        %mul3A_231 = arith.constant 16 : i32
        %mul3A_232 = arith.muli %scan3A_224, %mul3A_231 : i32
        %get3A_233 = arith.constant 1 : i32
        %get3A_234 = arith.index_cast %get3A_233 : i32 to index
        %get3A_235 = arith.index_cast %scan3A_186 : i32 to index
        %get3A_236 = arith.index_cast %mul3A_232 : i32 to index
        %get3A_237 = tpu.vector_load %arg11[%get3A_234, %get3A_235, %get3A_236] {strides = array<i32>} : memref<4x64x128xf32, #tpu.memory_space<vmem>>, vector<16xf32>,
        %mul3A_238 = arith.constant 16 : i32
        %mul3A_239 = arith.muli %scan3A_224, %mul3A_238 : i32
        %get3A_240 = arith.constant 2 : i32
        %get3A_241 = arith.index_cast %get3A_240 : i32 to index
        %get3A_242 = arith.index_cast %scan3A_186 : i32 to index
        %get3A_243 = arith.index_cast %mul3A_239 : i32 to index
        %get3A_244 = tpu.vector_load %arg11[%get3A_241, %get3A_242, %get3A_243] {strides = array<i32>} : memref<4x64x128xf32, #tpu.memory_space<vmem>>, vector<16xf32>,
        %mul3A_245 = arith.constant 16 : i32
        %mul3A_246 = arith.muli %scan3A_224, %mul3A_245 : i32
        %get3A_247 = arith.constant 3 : i32
        %get3A_248 = arith.index_cast %get3A_247 : i32 to index
        %get3A_249 = arith.index_cast %scan3A_186 : i32 to index
        %get3A_250 = arith.index_cast %mul3A_246 : i32 to index
        %get3A_251 = tpu.vector_load %arg11[%get3A_248, %get3A_249, %get3A_250] {strides = array<i32>} : memref<4x64x128xf32, #tpu.memory_space<vmem>>, vector<16xf32>,
        %broadcast_in_dim3A = arith.constant 0.000000e+00 : f32
        %broadcast_in_dim3A_252 = vector.broadcast %broadcast_in_dim3A : f32 to vector<16xf32>
        %broadcast_in_dim3A_253 = arith.constant 0.000000e+00 : f32
        %broadcast_in_dim3A_254 = vector.broadcast %broadcast_in_dim3A_253 : f32 to vector<16xf32>
        %mul3A_255 = arith.constant 16 : i32
        %mul3A_256 = arith.muli %scan3A_224, %mul3A_255 : i32
        %add3A_257 = arith.constant 0 : i32
        %add3A_258 = arith.addi %mul3A_256, %add3A_257 : i32
        %get3A_259 = arith.constant 0 : i32
        %get3A_260 = arith.index_cast %rem3A_214 : i32 to index
        %get3A_261 = arith.index_cast %get3A_259 : i32 to index
        %get3A_262 = arith.index_cast %add3A_258 : i32 to index
        %get3A_263 = arith.constant 0 : index
        %get3A_264 = tpu.vector_load %arg12[%get3A_260, %get3A_261, %get3A_262, %get3A_263] {strides = array<i32>} : memref<7x2x128x64xbf16, #tpu.memory_space<vmem>>, vector<32xbf16>,
        %unpack3A = tpu.unpack_subelements %get3A_264, 0 {pack_format = #tpu.pack_format<interleaved>} : vector<32xbf16> -> vector<16xf32>
        %unpack3A_265 = tpu.unpack_subelements %get3A_264, 1 {pack_format = #tpu.pack_format<interleaved>} : vector<32xbf16> -> vector<16xf32>
        %get3A_266 = arith.constant 0 : i32
        %get3A_267 = arith.index_cast %rem3A_214 : i32 to index
        %get3A_268 = arith.index_cast %get3A_266 : i32 to index
        %get3A_269 = arith.index_cast %add3A_258 : i32 to index
        %get3A_270 = arith.constant 32 : index
        %get3A_271 = tpu.vector_load %arg12[%get3A_267, %get3A_268, %get3A_269, %get3A_270] {strides = array<i32>} : memref<7x2x128x64xbf16, #tpu.memory_space<vmem>>, vector<32xbf16>,
        %unpack3A_272 = tpu.unpack_subelements %get3A_271, 0 {pack_format = #tpu.pack_format<interleaved>} : vector<32xbf16> -> vector<16xf32>
        %unpack3A_273 = tpu.unpack_subelements %get3A_271, 1 {pack_format = #tpu.pack_format<interleaved>} : vector<32xbf16> -> vector<16xf32>
        %get3A_274 = arith.constant 1 : i32
        %get3A_275 = arith.index_cast %rem3A_214 : i32 to index
        %get3A_276 = arith.index_cast %get3A_274 : i32 to index
        %get3A_277 = arith.index_cast %add3A_258 : i32 to index
        %get3A_278 = arith.constant 0 : index
        %get3A_279 = tpu.vector_load %arg12[%get3A_275, %get3A_276, %get3A_277, %get3A_278] {strides = array<i32>} : memref<7x2x128x64xbf16, #tpu.memory_space<vmem>>, vector<32xbf16>,
        %unpack3A_280 = tpu.unpack_subelements %get3A_279, 0 {pack_format = #tpu.pack_format<interleaved>} : vector<32xbf16> -> vector<16xf32>
        %unpack3A_281 = tpu.unpack_subelements %get3A_279, 1 {pack_format = #tpu.pack_format<interleaved>} : vector<32xbf16> -> vector<16xf32>
        %get3A_282 = arith.constant 1 : i32
        %get3A_283 = arith.index_cast %rem3A_214 : i32 to index
        %get3A_284 = arith.index_cast %get3A_282 : i32 to index
        %get3A_285 = arith.index_cast %add3A_258 : i32 to index
        %get3A_286 = arith.constant 32 : index
        %get3A_287 = tpu.vector_load %arg12[%get3A_283, %get3A_284, %get3A_285, %get3A_286] {strides = array<i32>} : memref<7x2x128x64xbf16, #tpu.memory_space<vmem>>, vector<32xbf16>,
        %unpack3A_288 = tpu.unpack_subelements %get3A_287, 0 {pack_format = #tpu.pack_format<interleaved>} : vector<32xbf16> -> vector<16xf32>
        %unpack3A_289 = tpu.unpack_subelements %get3A_287, 1 {pack_format = #tpu.pack_format<interleaved>} : vector<32xbf16> -> vector<16xf32>
        %slice3A = vector.extract_strided_slice %get3A_230 {offsets = [0], sizes = [1], strides = [1]} : vector<16xf32> to vector<1xf32>
        %squeeze3A = vector.extract %slice3A[0] : f32 from vector<1xf32>
        %mul3A_290 = vector.broadcast %squeeze3A : f32 to vector<16xf32>
        %mul3A_291 = arith.mulf %mul3A_290, %unpack3A : vector<16xf32>
        %add3A_292 = arith.addf %broadcast_in_dim3A_252, %mul3A_291 : vector<16xf32>
        %slice3A_293 = vector.extract_strided_slice %get3A_230 {offsets = [0], sizes = [1], strides = [1]} : vector<16xf32> to vector<1xf32>
        %squeeze3A_294 = vector.extract %slice3A_293[0] : f32 from vector<1xf32>
        %mul3A_295 = vector.broadcast %squeeze3A_294 : f32 to vector<16xf32>
        %mul3A_296 = arith.mulf %mul3A_295, %unpack3A_265 : vector<16xf32>
        %add3A_297 = arith.addf %broadcast_in_dim3A_254, %mul3A_296 : vector<16xf32>
        %slice3A_298 = vector.extract_strided_slice %get3A_237 {offsets = [0], sizes = [1], strides = [1]} : vector<16xf32> to vector<1xf32>
        %squeeze3A_299 = vector.extract %slice3A_298[0] : f32 from vector<1xf32>
        %mul3A_300 = vector.broadcast %squeeze3A_299 : f32 to vector<16xf32>
        %mul3A_301 = arith.mulf %mul3A_300, %unpack3A_272 : vector<16xf32>
        %add3A_302 = arith.addf %broadcast_in_dim3A_252, %mul3A_301 : vector<16xf32>
        %slice3A_303 = vector.extract_strided_slice %get3A_237 {offsets = [0], sizes = [1], strides = [1]} : vector<16xf32> to vector<1xf32>
        %squeeze3A_304 = vector.extract %slice3A_303[0] : f32 from vector<1xf32>
        %mul3A_305 = vector.broadcast %squeeze3A_304 : f32 to vector<16xf32>
        %mul3A_306 = arith.mulf %mul3A_305, %unpack3A_273 : vector<16xf32>
        %add3A_307 = arith.addf %broadcast_in_dim3A_254, %mul3A_306 : vector<16xf32>
        %slice3A_308 = vector.extract_strided_slice %get3A_244 {offsets = [0], sizes = [1], strides = [1]} : vector<16xf32> to vector<1xf32>
        %squeeze3A_309 = vector.extract %slice3A_308[0] : f32 from vector<1xf32>
        %mul3A_310 = vector.broadcast %squeeze3A_309 : f32 to vector<16xf32>
        %mul3A_311 = arith.mulf %mul3A_310, %unpack3A_280 : vector<16xf32>
        %add3A_312 = arith.addf %broadcast_in_dim3A_252, %mul3A_311 : vector<16xf32>
        %slice3A_313 = vector.extract_strided_slice %get3A_244 {offsets = [0], sizes = [1], strides = [1]} : vector<16xf32> to vector<1xf32>
        %squeeze3A_314 = vector.extract %slice3A_313[0] : f32 from vector<1xf32>
        %mul3A_315 = vector.broadcast %squeeze3A_314 : f32 to vector<16xf32>
        %mul3A_316 = arith.mulf %mul3A_315, %unpack3A_281 : vector<16xf32>
        %add3A_317 = arith.addf %broadcast_in_dim3A_254, %mul3A_316 : vector<16xf32>
        %slice3A_318 = vector.extract_strided_slice %get3A_251 {offsets = [0], sizes = [1], strides = [1]} : vector<16xf32> to vector<1xf32>
        %squeeze3A_319 = vector.extract %slice3A_318[0] : f32 from vector<1xf32>
        %mul3A_320 = vector.broadcast %squeeze3A_319 : f32 to vector<16xf32>
        %mul3A_321 = arith.mulf %mul3A_320, %unpack3A_288 : vector<16xf32>
        %add3A_322 = arith.addf %broadcast_in_dim3A_252, %mul3A_321 : vector<16xf32>
        %slice3A_323 = vector.extract_strided_slice %get3A_251 {offsets = [0], sizes = [1], strides = [1]} : vector<16xf32> to vector<1xf32>
        %squeeze3A_324 = vector.extract %slice3A_323[0] : f32 from vector<1xf32>
        %mul3A_325 = vector.broadcast %squeeze3A_324 : f32 to vector<16xf32>
        %mul3A_326 = arith.mulf %mul3A_325, %unpack3A_289 : vector<16xf32>
        %add3A_327 = arith.addf %broadcast_in_dim3A_254, %mul3A_326 : vector<16xf32>
        %mul3A_328 = arith.constant 16 : i32
        %mul3A_329 = arith.muli %scan3A_224, %mul3A_328 : i32
        %add3A_330 = arith.constant 1 : i32
        %add3A_331 = arith.addi %mul3A_329, %add3A_330 : i32
        %get3A_332 = arith.constant 0 : i32
        %get3A_333 = arith.index_cast %rem3A_214 : i32 to index
        %get3A_334 = arith.index_cast %get3A_332 : i32 to index
        %get3A_335 = arith.index_cast %add3A_331 : i32 to index
        %get3A_336 = arith.constant 0 : index
        %get3A_337 = tpu.vector_load %arg12[%get3A_333, %get3A_334, %get3A_335, %get3A_336] {strides = array<i32>} : memref<7x2x128x64xbf16, #tpu.memory_space<vmem>>, vector<32xbf16>,
        %unpack3A_338 = tpu.unpack_subelements %get3A_337, 0 {pack_format = #tpu.pack_format<interleaved>} : vector<32xbf16> -> vector<16xf32>
        %unpack3A_339 = tpu.unpack_subelements %get3A_337, 1 {pack_format = #tpu.pack_format<interleaved>} : vector<32xbf16> -> vector<16xf32>
        %get3A_340 = arith.constant 0 : i32
        %get3A_341 = arith.index_cast %rem3A_214 : i32 to index
        %get3A_342 = arith.index_cast %get3A_340 : i32 to index
        %get3A_343 = arith.index_cast %add3A_331 : i32 to index
        %get3A_344 = arith.constant 32 : index
        %get3A_345 = tpu.vector_load %arg12[%get3A_341, %get3A_342, %get3A_343, %get3A_344] {strides = array<i32>} : memref<7x2x128x64xbf16, #tpu.memory_space<vmem>>, vector<32xbf16>,
        %unpack3A_346 = tpu.unpack_subelements %get3A_345, 0 {pack_format = #tpu.pack_format<interleaved>} : vector<32xbf16> -> vector<16xf32>
        %unpack3A_347 = tpu.unpack_subelements %get3A_345, 1 {pack_format = #tpu.pack_format<interleaved>} : vector<32xbf16> -> vector<16xf32>
        %get3A_348 = arith.constant 1 : i32
        %get3A_349 = arith.index_cast %rem3A_214 : i32 to index
        %get3A_350 = arith.index_cast %get3A_348 : i32 to index
        %get3A_351 = arith.index_cast %add3A_331 : i32 to index
        %get3A_352 = arith.constant 0 : index
        %get3A_353 = tpu.vector_load %arg12[%get3A_349, %get3A_350, %get3A_351, %get3A_352] {strides = array<i32>} : memref<7x2x128x64xbf16, #tpu.memory_space<vmem>>, vector<32xbf16>,
        %unpack3A_354 = tpu.unpack_subelements %get3A_353, 0 {pack_format = #tpu.pack_format<interleaved>} : vector<32xbf16> -> vector<16xf32>
        %unpack3A_355 = tpu.unpack_subelements %get3A_353, 1 {pack_format = #tpu.pack_format<interleaved>} : vector<32xbf16> -> vector<16xf32>
        %get3A_356 = arith.constant 1 : i32
        %get3A_357 = arith.index_cast %rem3A_214 : i32 to index
        %get3A_358 = arith.index_cast %get3A_356 : i32 to index
        %get3A_359 = arith.index_cast %add3A_331 : i32 to index
        %get3A_360 = arith.constant 32 : index
        %get3A_361 = tpu.vector_load %arg12[%get3A_357, %get3A_358, %get3A_359, %get3A_360] {strides = array<i32>} : memref<7x2x128x64xbf16, #tpu.memory_space<vmem>>, vector<32xbf16>,
        %unpack3A_362 = tpu.unpack_subelements %get3A_361, 0 {pack_format = #tpu.pack_format<interleaved>} : vector<32xbf16> -> vector<16xf32>
        %unpack3A_363 = tpu.unpack_subelements %get3A_361, 1 {pack_format = #tpu.pack_format<interleaved>} : vector<32xbf16> -> vector<16xf32>
        %slice3A_364 = vector.extract_strided_slice %get3A_230 {offsets = [1], sizes = [1], strides = [1]} : vector<16xf32> to vector<1xf32>
        %squeeze3A_365 = vector.extract %slice3A_364[0] : f32 from vector<1xf32>
        %mul3A_366 = vector.broadcast %squeeze3A_365 : f32 to vector<16xf32>
        %mul3A_367 = arith.mulf %mul3A_366, %unpack3A_338 : vector<16xf32>
        %add3A_368 = arith.addf %add3A_292, %mul3A_367 : vector<16xf32>
        %slice3A_369 = vector.extract_strided_slice %get3A_230 {offsets = [1], sizes = [1], strides = [1]} : vector<16xf32> to vector<1xf32>
        %squeeze3A_370 = vector.extract %slice3A_369[0] : f32 from vector<1xf32>
        %mul3A_371 = vector.broadcast %squeeze3A_370 : f32 to vector<16xf32>
        %mul3A_372 = arith.mulf %mul3A_371, %unpack3A_339 : vector<16xf32>
        %add3A_373 = arith.addf %add3A_297, %mul3A_372 : vector<16xf32>
        %slice3A_374 = vector.extract_strided_slice %get3A_237 {offsets = [1], sizes = [1], strides = [1]} : vector<16xf32> to vector<1xf32>
        %squeeze3A_375 = vector.extract %slice3A_374[0] : f32 from vector<1xf32>
        %mul3A_376 = vector.broadcast %squeeze3A_375 : f32 to vector<16xf32>
        %mul3A_377 = arith.mulf %mul3A_376, %unpack3A_346 : vector<16xf32>
        %add3A_378 = arith.addf %add3A_302, %mul3A_377 : vector<16xf32>
        %slice3A_379 = vector.extract_strided_slice %get3A_237 {offsets = [1], sizes = [1], strides = [1]} : vector<16xf32> to vector<1xf32>
        %squeeze3A_380 = vector.extract %slice3A_379[0] : f32 from vector<1xf32>
        %mul3A_381 = vector.broadcast %squeeze3A_380 : f32 to vector<16xf32>
        %mul3A_382 = arith.mulf %mul3A_381, %unpack3A_347 : vector<16xf32>
        %add3A_383 = arith.addf %add3A_307, %mul3A_382 : vector<16xf32>
        %slice3A_384 = vector.extract_strided_slice %get3A_244 {offsets = [1], sizes = [1], strides = [1]} : vector<16xf32> to vector<1xf32>
        %squeeze3A_385 = vector.extract %slice3A_384[0] : f32 from vector<1xf32>
        %mul3A_386 = vector.broadcast %squeeze3A_385 : f32 to vector<16xf32>
        %mul3A_387 = arith.mulf %mul3A_386, %unpack3A_354 : vector<16xf32>
        %add3A_388 = arith.addf %add3A_312, %mul3A_387 : vector<16xf32>
        %slice3A_389 = vector.extract_strided_slice %get3A_244 {offsets = [1], sizes = [1], strides = [1]} : vector<16xf32> to vector<1xf32>
        %squeeze3A_390 = vector.extract %slice3A_389[0] : f32 from vector<1xf32>
        %mul3A_391 = vector.broadcast %squeeze3A_390 : f32 to vector<16xf32>
        %mul3A_392 = arith.mulf %mul3A_391, %unpack3A_355 : vector<16xf32>
        %add3A_393 = arith.addf %add3A_317, %mul3A_392 : vector<16xf32>
        %slice3A_394 = vector.extract_strided_slice %get3A_251 {offsets = [1], sizes = [1], strides = [1]} : vector<16xf32> to vector<1xf32>
        %squeeze3A_395 = vector.extract %slice3A_394[0] : f32 from vector<1xf32>
        %mul3A_396 = vector.broadcast %squeeze3A_395 : f32 to vector<16xf32>
        %mul3A_397 = arith.mulf %mul3A_396, %unpack3A_362 : vector<16xf32>
        %add3A_398 = arith.addf %add3A_322, %mul3A_397 : vector<16xf32>
        %slice3A_399 = vector.extract_strided_slice %get3A_251 {offsets = [1], sizes = [1], strides = [1]} : vector<16xf32> to vector<1xf32>
        %squeeze3A_400 = vector.extract %slice3A_399[0] : f32 from vector<1xf32>
        %mul3A_401 = vector.broadcast %squeeze3A_400 : f32 to vector<16xf32>
        %mul3A_402 = arith.mulf %mul3A_401, %unpack3A_363 : vector<16xf32>
        %add3A_403 = arith.addf %add3A_327, %mul3A_402 : vector<16xf32>
        %mul3A_404 = arith.constant 16 : i32
        %mul3A_405 = arith.muli %scan3A_224, %mul3A_404 : i32
        %add3A_406 = arith.constant 2 : i32
        %add3A_407 = arith.addi %mul3A_405, %add3A_406 : i32
        %get3A_408 = arith.constant 0 : i32
        %get3A_409 = arith.index_cast %rem3A_214 : i32 to index
        %get3A_410 = arith.index_cast %get3A_408 : i32 to index
        %get3A_411 = arith.index_cast %add3A_407 : i32 to index
        %get3A_412 = arith.constant 0 : index
        %get3A_413 = tpu.vector_load %arg12[%get3A_409, %get3A_410, %get3A_411, %get3A_412] {strides = array<i32>} : memref<7x2x128x64xbf16, #tpu.memory_space<vmem>>, vector<32xbf16>,
        %unpack3A_414 = tpu.unpack_subelements %get3A_413, 0 {pack_format = #tpu.pack_format<interleaved>} : vector<32xbf16> -> vector<16xf32>
        %unpack3A_415 = tpu.unpack_subelements %get3A_413, 1 {pack_format = #tpu.pack_format<interleaved>} : vector<32xbf16> -> vector<16xf32>
        %get3A_416 = arith.constant 0 : i32
        %get3A_417 = arith.index_cast %rem3A_214 : i32 to index
        %get3A_418 = arith.index_cast %get3A_416 : i32 to index
        %get3A_419 = arith.index_cast %add3A_407 : i32 to index
        %get3A_420 = arith.constant 32 : index
        %get3A_421 = tpu.vector_load %arg12[%get3A_417, %get3A_418, %get3A_419, %get3A_420] {strides = array<i32>} : memref<7x2x128x64xbf16, #tpu.memory_space<vmem>>, vector<32xbf16>,
        %unpack3A_422 = tpu.unpack_subelements %get3A_421, 0 {pack_format = #tpu.pack_format<interleaved>} : vector<32xbf16> -> vector<16xf32>
        %unpack3A_423 = tpu.unpack_subelements %get3A_421, 1 {pack_format = #tpu.pack_format<interleaved>} : vector<32xbf16> -> vector<16xf32>
        %get3A_424 = arith.constant 1 : i32
        %get3A_425 = arith.index_cast %rem3A_214 : i32 to index
        %get3A_426 = arith.index_cast %get3A_424 : i32 to index
        %get3A_427 = arith.index_cast %add3A_407 : i32 to index
        %get3A_428 = arith.constant 0 : index
        %get3A_429 = tpu.vector_load %arg12[%get3A_425, %get3A_426, %get3A_427, %get3A_428] {strides = array<i32>} : memref<7x2x128x64xbf16, #tpu.memory_space<vmem>>, vector<32xbf16>,
        %unpack3A_430 = tpu.unpack_subelements %get3A_429, 0 {pack_format = #tpu.pack_format<interleaved>} : vector<32xbf16> -> vector<16xf32>
        %unpack3A_431 = tpu.unpack_subelements %get3A_429, 1 {pack_format = #tpu.pack_format<interleaved>} : vector<32xbf16> -> vector<16xf32>
        %get3A_432 = arith.constant 1 : i32
        %get3A_433 = arith.index_cast %rem3A_214 : i32 to index
        %get3A_434 = arith.index_cast %get3A_432 : i32 to index
        %get3A_435 = arith.index_cast %add3A_407 : i32 to index
        %get3A_436 = arith.constant 32 : index
        %get3A_437 = tpu.vector_load %arg12[%get3A_433, %get3A_434, %get3A_435, %get3A_436] {strides = array<i32>} : memref<7x2x128x64xbf16, #tpu.memory_space<vmem>>, vector<32xbf16>,
        %unpack3A_438 = tpu.unpack_subelements %get3A_437, 0 {pack_format = #tpu.pack_format<interleaved>} : vector<32xbf16> -> vector<16xf32>
        %unpack3A_439 = tpu.unpack_subelements %get3A_437, 1 {pack_format = #tpu.pack_format<interleaved>} : vector<32xbf16> -> vector<16xf32>
        %slice3A_440 = vector.extract_strided_slice %get3A_230 {offsets = [2], sizes = [1], strides = [1]} : vector<16xf32> to vector<1xf32>
        %squeeze3A_441 = vector.extract %slice3A_440[0] : f32 from vector<1xf32>
        %mul3A_442 = vector.broadcast %squeeze3A_441 : f32 to vector<16xf32>
        %mul3A_443 = arith.mulf %mul3A_442, %unpack3A_414 : vector<16xf32>
        %add3A_444 = arith.addf %add3A_368, %mul3A_443 : vector<16xf32>
        %slice3A_445 = vector.extract_strided_slice %get3A_230 {offsets = [2], sizes = [1], strides = [1]} : vector<16xf32> to vector<1xf32>
        %squeeze3A_446 = vector.extract %slice3A_445[0] : f32 from vector<1xf32>
        %mul3A_447 = vector.broadcast %squeeze3A_446 : f32 to vector<16xf32>
        %mul3A_448 = arith.mulf %mul3A_447, %unpack3A_415 : vector<16xf32>
        %add3A_449 = arith.addf %add3A_373, %mul3A_448 : vector<16xf32>
        %slice3A_450 = vector.extract_strided_slice %get3A_237 {offsets = [2], sizes = [1], strides = [1]} : vector<16xf32> to vector<1xf32>
        %squeeze3A_451 = vector.extract %slice3A_450[0] : f32 from vector<1xf32>
        %mul3A_452 = vector.broadcast %squeeze3A_451 : f32 to vector<16xf32>
        %mul3A_453 = arith.mulf %mul3A_452, %unpack3A_422 : vector<16xf32>
        %add3A_454 = arith.addf %add3A_378, %mul3A_453 : vector<16xf32>
        %slice3A_455 = vector.extract_strided_slice %get3A_237 {offsets = [2], sizes = [1], strides = [1]} : vector<16xf32> to vector<1xf32>
        %squeeze3A_456 = vector.extract %slice3A_455[0] : f32 from vector<1xf32>
        %mul3A_457 = vector.broadcast %squeeze3A_456 : f32 to vector<16xf32>
        %mul3A_458 = arith.mulf %mul3A_457, %unpack3A_423 : vector<16xf32>
        %add3A_459 = arith.addf %add3A_383, %mul3A_458 : vector<16xf32>
        %slice3A_460 = vector.extract_strided_slice %get3A_244 {offsets = [2], sizes = [1], strides = [1]} : vector<16xf32> to vector<1xf32>
        %squeeze3A_461 = vector.extract %slice3A_460[0] : f32 from vector<1xf32>
        %mul3A_462 = vector.broadcast %squeeze3A_461 : f32 to vector<16xf32>
        %mul3A_463 = arith.mulf %mul3A_462, %unpack3A_430 : vector<16xf32>
        %add3A_464 = arith.addf %add3A_388, %mul3A_463 : vector<16xf32>
        %slice3A_465 = vector.extract_strided_slice %get3A_244 {offsets = [2], sizes = [1], strides = [1]} : vector<16xf32> to vector<1xf32>
        %squeeze3A_466 = vector.extract %slice3A_465[0] : f32 from vector<1xf32>
        %mul3A_467 = vector.broadcast %squeeze3A_466 : f32 to vector<16xf32>
        %mul3A_468 = arith.mulf %mul3A_467, %unpack3A_431 : vector<16xf32>
        %add3A_469 = arith.addf %add3A_393, %mul3A_468 : vector<16xf32>
        %slice3A_470 = vector.extract_strided_slice %get3A_251 {offsets = [2], sizes = [1], strides = [1]} : vector<16xf32> to vector<1xf32>
        %squeeze3A_471 = vector.extract %slice3A_470[0] : f32 from vector<1xf32>
        %mul3A_472 = vector.broadcast %squeeze3A_471 : f32 to vector<16xf32>
        %mul3A_473 = arith.mulf %mul3A_472, %unpack3A_438 : vector<16xf32>
        %add3A_474 = arith.addf %add3A_398, %mul3A_473 : vector<16xf32>
        %slice3A_475 = vector.extract_strided_slice %get3A_251 {offsets = [2], sizes = [1], strides = [1]} : vector<16xf32> to vector<1xf32>
        %squeeze3A_476 = vector.extract %slice3A_475[0] : f32 from vector<1xf32>
        %mul3A_477 = vector.broadcast %squeeze3A_476 : f32 to vector<16xf32>
        %mul3A_478 = arith.mulf %mul3A_477, %unpack3A_439 : vector<16xf32>
        %add3A_479 = arith.addf %add3A_403, %mul3A_478 : vector<16xf32>
        %mul3A_480 = arith.constant 16 : i32
        %mul3A_481 = arith.muli %scan3A_224, %mul3A_480 : i32
        %add3A_482 = arith.constant 3 : i32
        %add3A_483 = arith.addi %mul3A_481, %add3A_482 : i32
        %get3A_484 = arith.constant 0 : i32
        %get3A_485 = arith.index_cast %rem3A_214 : i32 to index
        %get3A_486 = arith.index_cast %get3A_484 : i32 to index
        %get3A_487 = arith.index_cast %add3A_483 : i32 to index
        %get3A_488 = arith.constant 0 : index
        %get3A_489 = tpu.vector_load %arg12[%get3A_485, %get3A_486, %get3A_487, %get3A_488] {strides = array<i32>} : memref<7x2x128x64xbf16, #tpu.memory_space<vmem>>, vector<32xbf16>,
        %unpack3A_490 = tpu.unpack_subelements %get3A_489, 0 {pack_format = #tpu.pack_format<interleaved>} : vector<32xbf16> -> vector<16xf32>
        %unpack3A_491 = tpu.unpack_subelements %get3A_489, 1 {pack_format = #tpu.pack_format<interleaved>} : vector<32xbf16> -> vector<16xf32>
        %get3A_492 = arith.constant 0 : i32
        %get3A_493 = arith.index_cast %rem3A_214 : i32 to index
        %get3A_494 = arith.index_cast %get3A_492 : i32 to index
        %get3A_495 = arith.index_cast %add3A_483 : i32 to index
        %get3A_496 = arith.constant 32 : index
        %get3A_497 = tpu.vector_load %arg12[%get3A_493, %get3A_494, %get3A_495, %get3A_496] {strides = array<i32>} : memref<7x2x128x64xbf16, #tpu.memory_space<vmem>>, vector<32xbf16>,
        %unpack3A_498 = tpu.unpack_subelements %get3A_497, 0 {pack_format = #tpu.pack_format<interleaved>} : vector<32xbf16> -> vector<16xf32>
        %unpack3A_499 = tpu.unpack_subelements %get3A_497, 1 {pack_format = #tpu.pack_format<interleaved>} : vector<32xbf16> -> vector<16xf32>
        %get3A_500 = arith.constant 1 : i32
        %get3A_501 = arith.index_cast %rem3A_214 : i32 to index
        %get3A_502 = arith.index_cast %get3A_500 : i32 to index
        %get3A_503 = arith.index_cast %add3A_483 : i32 to index
        %get3A_504 = arith.constant 0 : index
        %get3A_505 = tpu.vector_load %arg12[%get3A_501, %get3A_502, %get3A_503, %get3A_504] {strides = array<i32>} : memref<7x2x128x64xbf16, #tpu.memory_space<vmem>>, vector<32xbf16>,
        %unpack3A_506 = tpu.unpack_subelements %get3A_505, 0 {pack_format = #tpu.pack_format<interleaved>} : vector<32xbf16> -> vector<16xf32>
        %unpack3A_507 = tpu.unpack_subelements %get3A_505, 1 {pack_format = #tpu.pack_format<interleaved>} : vector<32xbf16> -> vector<16xf32>
        %get3A_508 = arith.constant 1 : i32
        %get3A_509 = arith.index_cast %rem3A_214 : i32 to index
        %get3A_510 = arith.index_cast %get3A_508 : i32 to index
        %get3A_511 = arith.index_cast %add3A_483 : i32 to index
        %get3A_512 = arith.constant 32 : index
        %get3A_513 = tpu.vector_load %arg12[%get3A_509, %get3A_510, %get3A_511, %get3A_512] {strides = array<i32>} : memref<7x2x128x64xbf16, #tpu.memory_space<vmem>>, vector<32xbf16>,
        %unpack3A_514 = tpu.unpack_subelements %get3A_513, 0 {pack_format = #tpu.pack_format<interleaved>} : vector<32xbf16> -> vector<16xf32>
        %unpack3A_515 = tpu.unpack_subelements %get3A_513, 1 {pack_format = #tpu.pack_format<interleaved>} : vector<32xbf16> -> vector<16xf32>
        %slice3A_516 = vector.extract_strided_slice %get3A_230 {offsets = [3], sizes = [1], strides = [1]} : vector<16xf32> to vector<1xf32>
        %squeeze3A_517 = vector.extract %slice3A_516[0] : f32 from vector<1xf32>
        %mul3A_518 = vector.broadcast %squeeze3A_517 : f32 to vector<16xf32>
        %mul3A_519 = arith.mulf %mul3A_518, %unpack3A_490 : vector<16xf32>
        %add3A_520 = arith.addf %add3A_444, %mul3A_519 : vector<16xf32>
        %slice3A_521 = vector.extract_strided_slice %get3A_230 {offsets = [3], sizes = [1], strides = [1]} : vector<16xf32> to vector<1xf32>
        %squeeze3A_522 = vector.extract %slice3A_521[0] : f32 from vector<1xf32>
        %mul3A_523 = vector.broadcast %squeeze3A_522 : f32 to vector<16xf32>
        %mul3A_524 = arith.mulf %mul3A_523, %unpack3A_491 : vector<16xf32>
        %add3A_525 = arith.addf %add3A_449, %mul3A_524 : vector<16xf32>
        %slice3A_526 = vector.extract_strided_slice %get3A_237 {offsets = [3], sizes = [1], strides = [1]} : vector<16xf32> to vector<1xf32>
        %squeeze3A_527 = vector.extract %slice3A_526[0] : f32 from vector<1xf32>
        %mul3A_528 = vector.broadcast %squeeze3A_527 : f32 to vector<16xf32>
        %mul3A_529 = arith.mulf %mul3A_528, %unpack3A_498 : vector<16xf32>
        %add3A_530 = arith.addf %add3A_454, %mul3A_529 : vector<16xf32>
        %slice3A_531 = vector.extract_strided_slice %get3A_237 {offsets = [3], sizes = [1], strides = [1]} : vector<16xf32> to vector<1xf32>
        %squeeze3A_532 = vector.extract %slice3A_531[0] : f32 from vector<1xf32>
        %mul3A_533 = vector.broadcast %squeeze3A_532 : f32 to vector<16xf32>
        %mul3A_534 = arith.mulf %mul3A_533, %unpack3A_499 : vector<16xf32>
        %add3A_535 = arith.addf %add3A_459, %mul3A_534 : vector<16xf32>
        %slice3A_536 = vector.extract_strided_slice %get3A_244 {offsets = [3], sizes = [1], strides = [1]} : vector<16xf32> to vector<1xf32>
        %squeeze3A_537 = vector.extract %slice3A_536[0] : f32 from vector<1xf32>
        %mul3A_538 = vector.broadcast %squeeze3A_537 : f32 to vector<16xf32>
        %mul3A_539 = arith.mulf %mul3A_538, %unpack3A_506 : vector<16xf32>
        %add3A_540 = arith.addf %add3A_464, %mul3A_539 : vector<16xf32>
        %slice3A_541 = vector.extract_strided_slice %get3A_244 {offsets = [3], sizes = [1], strides = [1]} : vector<16xf32> to vector<1xf32>
        %squeeze3A_542 = vector.extract %slice3A_541[0] : f32 from vector<1xf32>
        %mul3A_543 = vector.broadcast %squeeze3A_542 : f32 to vector<16xf32>
        %mul3A_544 = arith.mulf %mul3A_543, %unpack3A_507 : vector<16xf32>
        %add3A_545 = arith.addf %add3A_469, %mul3A_544 : vector<16xf32>
        %slice3A_546 = vector.extract_strided_slice %get3A_251 {offsets = [3], sizes = [1], strides = [1]} : vector<16xf32> to vector<1xf32>
        %squeeze3A_547 = vector.extract %slice3A_546[0] : f32 from vector<1xf32>
        %mul3A_548 = vector.broadcast %squeeze3A_547 : f32 to vector<16xf32>
        %mul3A_549 = arith.mulf %mul3A_548, %unpack3A_514 : vector<16xf32>
        %add3A_550 = arith.addf %add3A_474, %mul3A_549 : vector<16xf32>
        %slice3A_551 = vector.extract_strided_slice %get3A_251 {offsets = [3], sizes = [1], strides = [1]} : vector<16xf32> to vector<1xf32>
        %squeeze3A_552 = vector.extract %slice3A_551[0] : f32 from vector<1xf32>
        %mul3A_553 = vector.broadcast %squeeze3A_552 : f32 to vector<16xf32>
        %mul3A_554 = arith.mulf %mul3A_553, %unpack3A_515 : vector<16xf32>
        %add3A_555 = arith.addf %add3A_479, %mul3A_554 : vector<16xf32>
        %mul3A_556 = arith.constant 16 : i32
        %mul3A_557 = arith.muli %scan3A_224, %mul3A_556 : i32
        %add3A_558 = arith.constant 4 : i32
        %add3A_559 = arith.addi %mul3A_557, %add3A_558 : i32
        %get3A_560 = arith.constant 0 : i32
        %get3A_561 = arith.index_cast %rem3A_214 : i32 to index
        %get3A_562 = arith.index_cast %get3A_560 : i32 to index
        %get3A_563 = arith.index_cast %add3A_559 : i32 to index
        %get3A_564 = arith.constant 0 : index
        %get3A_565 = tpu.vector_load %arg12[%get3A_561, %get3A_562, %get3A_563, %get3A_564] {strides = array<i32>} : memref<7x2x128x64xbf16, #tpu.memory_space<vmem>>, vector<32xbf16>,
        %unpack3A_566 = tpu.unpack_subelements %get3A_565, 0 {pack_format = #tpu.pack_format<interleaved>} : vector<32xbf16> -> vector<16xf32>
        %unpack3A_567 = tpu.unpack_subelements %get3A_565, 1 {pack_format = #tpu.pack_format<interleaved>} : vector<32xbf16> -> vector<16xf32>
        %get3A_568 = arith.constant 0 : i32
        %get3A_569 = arith.index_cast %rem3A_214 : i32 to index
        %get3A_570 = arith.index_cast %get3A_568 : i32 to index
        %get3A_571 = arith.index_cast %add3A_559 : i32 to index
        %get3A_572 = arith.constant 32 : index
        %get3A_573 = tpu.vector_load %arg12[%get3A_569, %get3A_570, %get3A_571, %get3A_572] {strides = array<i32>} : memref<7x2x128x64xbf16, #tpu.memory_space<vmem>>, vector<32xbf16>,
        %unpack3A_574 = tpu.unpack_subelements %get3A_573, 0 {pack_format = #tpu.pack_format<interleaved>} : vector<32xbf16> -> vector<16xf32>
        %unpack3A_575 = tpu.unpack_subelements %get3A_573, 1 {pack_format = #tpu.pack_format<interleaved>} : vector<32xbf16> -> vector<16xf32>
        %get3A_576 = arith.constant 1 : i32
        %get3A_577 = arith.index_cast %rem3A_214 : i32 to index
        %get3A_578 = arith.index_cast %get3A_576 : i32 to index
        %get3A_579 = arith.index_cast %add3A_559 : i32 to index
        %get3A_580 = arith.constant 0 : index
        %get3A_581 = tpu.vector_load %arg12[%get3A_577, %get3A_578, %get3A_579, %get3A_580] {strides = array<i32>} : memref<7x2x128x64xbf16, #tpu.memory_space<vmem>>, vector<32xbf16>,
        %unpack3A_582 = tpu.unpack_subelements %get3A_581, 0 {pack_format = #tpu.pack_format<interleaved>} : vector<32xbf16> -> vector<16xf32>
        %unpack3A_583 = tpu.unpack_subelements %get3A_581, 1 {pack_format = #tpu.pack_format<interleaved>} : vector<32xbf16> -> vector<16xf32>
        %get3A_584 = arith.constant 1 : i32
        %get3A_585 = arith.index_cast %rem3A_214 : i32 to index
        %get3A_586 = arith.index_cast %get3A_584 : i32 to index
        %get3A_587 = arith.index_cast %add3A_559 : i32 to index
        %get3A_588 = arith.constant 32 : index
        %get3A_589 = tpu.vector_load %arg12[%get3A_585, %get3A_586, %get3A_587, %get3A_588] {strides = array<i32>} : memref<7x2x128x64xbf16, #tpu.memory_space<vmem>>, vector<32xbf16>,
        %unpack3A_590 = tpu.unpack_subelements %get3A_589, 0 {pack_format = #tpu.pack_format<interleaved>} : vector<32xbf16> -> vector<16xf32>
        %unpack3A_591 = tpu.unpack_subelements %get3A_589, 1 {pack_format = #tpu.pack_format<interleaved>} : vector<32xbf16> -> vector<16xf32>
        %slice3A_592 = vector.extract_strided_slice %get3A_230 {offsets = [4], sizes = [1], strides = [1]} : vector<16xf32> to vector<1xf32>
        %squeeze3A_593 = vector.extract %slice3A_592[0] : f32 from vector<1xf32>
        %mul3A_594 = vector.broadcast %squeeze3A_593 : f32 to vector<16xf32>
        %mul3A_595 = arith.mulf %mul3A_594, %unpack3A_566 : vector<16xf32>
        %add3A_596 = arith.addf %add3A_520, %mul3A_595 : vector<16xf32>
        %slice3A_597 = vector.extract_strided_slice %get3A_230 {offsets = [4], sizes = [1], strides = [1]} : vector<16xf32> to vector<1xf32>
        %squeeze3A_598 = vector.extract %slice3A_597[0] : f32 from vector<1xf32>
        %mul3A_599 = vector.broadcast %squeeze3A_598 : f32 to vector<16xf32>
        %mul3A_600 = arith.mulf %mul3A_599, %unpack3A_567 : vector<16xf32>
        %add3A_601 = arith.addf %add3A_525, %mul3A_600 : vector<16xf32>
        %slice3A_602 = vector.extract_strided_slice %get3A_237 {offsets = [4], sizes = [1], strides = [1]} : vector<16xf32> to vector<1xf32>
        %squeeze3A_603 = vector.extract %slice3A_602[0] : f32 from vector<1xf32>
        %mul3A_604 = vector.broadcast %squeeze3A_603 : f32 to vector<16xf32>
        %mul3A_605 = arith.mulf %mul3A_604, %unpack3A_574 : vector<16xf32>
        %add3A_606 = arith.addf %add3A_530, %mul3A_605 : vector<16xf32>
        %slice3A_607 = vector.extract_strided_slice %get3A_237 {offsets = [4], sizes = [1], strides = [1]} : vector<16xf32> to vector<1xf32>
        %squeeze3A_608 = vector.extract %slice3A_607[0] : f32 from vector<1xf32>
        %mul3A_609 = vector.broadcast %squeeze3A_608 : f32 to vector<16xf32>
        %mul3A_610 = arith.mulf %mul3A_609, %unpack3A_575 : vector<16xf32>
        %add3A_611 = arith.addf %add3A_535, %mul3A_610 : vector<16xf32>
        %slice3A_612 = vector.extract_strided_slice %get3A_244 {offsets = [4], sizes = [1], strides = [1]} : vector<16xf32> to vector<1xf32>
        %squeeze3A_613 = vector.extract %slice3A_612[0] : f32 from vector<1xf32>
        %mul3A_614 = vector.broadcast %squeeze3A_613 : f32 to vector<16xf32>
        %mul3A_615 = arith.mulf %mul3A_614, %unpack3A_582 : vector<16xf32>
        %add3A_616 = arith.addf %add3A_540, %mul3A_615 : vector<16xf32>
        %slice3A_617 = vector.extract_strided_slice %get3A_244 {offsets = [4], sizes = [1], strides = [1]} : vector<16xf32> to vector<1xf32>
        %squeeze3A_618 = vector.extract %slice3A_617[0] : f32 from vector<1xf32>
        %mul3A_619 = vector.broadcast %squeeze3A_618 : f32 to vector<16xf32>
        %mul3A_620 = arith.mulf %mul3A_619, %unpack3A_583 : vector<16xf32>
        %add3A_621 = arith.addf %add3A_545, %mul3A_620 : vector<16xf32>
        %slice3A_622 = vector.extract_strided_slice %get3A_251 {offsets = [4], sizes = [1], strides = [1]} : vector<16xf32> to vector<1xf32>
        %squeeze3A_623 = vector.extract %slice3A_622[0] : f32 from vector<1xf32>
        %mul3A_624 = vector.broadcast %squeeze3A_623 : f32 to vector<16xf32>
        %mul3A_625 = arith.mulf %mul3A_624, %unpack3A_590 : vector<16xf32>
        %add3A_626 = arith.addf %add3A_550, %mul3A_625 : vector<16xf32>
        %slice3A_627 = vector.extract_strided_slice %get3A_251 {offsets = [4], sizes = [1], strides = [1]} : vector<16xf32> to vector<1xf32>
        %squeeze3A_628 = vector.extract %slice3A_627[0] : f32 from vector<1xf32>
        %mul3A_629 = vector.broadcast %squeeze3A_628 : f32 to vector<16xf32>
        %mul3A_630 = arith.mulf %mul3A_629, %unpack3A_591 : vector<16xf32>
        %add3A_631 = arith.addf %add3A_555, %mul3A_630 : vector<16xf32>
        %mul3A_632 = arith.constant 16 : i32
        %mul3A_633 = arith.muli %scan3A_224, %mul3A_632 : i32
        %add3A_634 = arith.constant 5 : i32
        %add3A_635 = arith.addi %mul3A_633, %add3A_634 : i32
        %get3A_636 = arith.constant 0 : i32
        %get3A_637 = arith.index_cast %rem3A_214 : i32 to index
        %get3A_638 = arith.index_cast %get3A_636 : i32 to index
        %get3A_639 = arith.index_cast %add3A_635 : i32 to index
        %get3A_640 = arith.constant 0 : index
        %get3A_641 = tpu.vector_load %arg12[%get3A_637, %get3A_638, %get3A_639, %get3A_640] {strides = array<i32>} : memref<7x2x128x64xbf16, #tpu.memory_space<vmem>>, vector<32xbf16>,
        %unpack3A_642 = tpu.unpack_subelements %get3A_641, 0 {pack_format = #tpu.pack_format<interleaved>} : vector<32xbf16> -> vector<16xf32>
        %unpack3A_643 = tpu.unpack_subelements %get3A_641, 1 {pack_format = #tpu.pack_format<interleaved>} : vector<32xbf16> -> vector<16xf32>
        %get3A_644 = arith.constant 0 : i32
        %get3A_645 = arith.index_cast %rem3A_214 : i32 to index
        %get3A_646 = arith.index_cast %get3A_644 : i32 to index
        %get3A_647 = arith.index_cast %add3A_635 : i32 to index
        %get3A_648 = arith.constant 32 : index
        %get3A_649 = tpu.vector_load %arg12[%get3A_645, %get3A_646, %get3A_647, %get3A_648] {strides = array<i32>} : memref<7x2x128x64xbf16, #tpu.memory_space<vmem>>, vector<32xbf16>,
        %unpack3A_650 = tpu.unpack_subelements %get3A_649, 0 {pack_format = #tpu.pack_format<interleaved>} : vector<32xbf16> -> vector<16xf32>
        %unpack3A_651 = tpu.unpack_subelements %get3A_649, 1 {pack_format = #tpu.pack_format<interleaved>} : vector<32xbf16> -> vector<16xf32>
        %get3A_652 = arith.constant 1 : i32
        %get3A_653 = arith.index_cast %rem3A_214 : i32 to index
        %get3A_654 = arith.index_cast %get3A_652 : i32 to index
        %get3A_655 = arith.index_cast %add3A_635 : i32 to index
        %get3A_656 = arith.constant 0 : index
        %get3A_657 = tpu.vector_load %arg12[%get3A_653, %get3A_654, %get3A_655, %get3A_656] {strides = array<i32>} : memref<7x2x128x64xbf16, #tpu.memory_space<vmem>>, vector<32xbf16>,
        %unpack3A_658 = tpu.unpack_subelements %get3A_657, 0 {pack_format = #tpu.pack_format<interleaved>} : vector<32xbf16> -> vector<16xf32>
        %unpack3A_659 = tpu.unpack_subelements %get3A_657, 1 {pack_format = #tpu.pack_format<interleaved>} : vector<32xbf16> -> vector<16xf32>
        %get3A_660 = arith.constant 1 : i32
        %get3A_661 = arith.index_cast %rem3A_214 : i32 to index
        %get3A_662 = arith.index_cast %get3A_660 : i32 to index
        %get3A_663 = arith.index_cast %add3A_635 : i32 to index
        %get3A_664 = arith.constant 32 : index
        %get3A_665 = tpu.vector_load %arg12[%get3A_661, %get3A_662, %get3A_663, %get3A_664] {strides = array<i32>} : memref<7x2x128x64xbf16, #tpu.memory_space<vmem>>, vector<32xbf16>,
        %unpack3A_666 = tpu.unpack_subelements %get3A_665, 0 {pack_format = #tpu.pack_format<interleaved>} : vector<32xbf16> -> vector<16xf32>
        %unpack3A_667 = tpu.unpack_subelements %get3A_665, 1 {pack_format = #tpu.pack_format<interleaved>} : vector<32xbf16> -> vector<16xf32>
        %slice3A_668 = vector.extract_strided_slice %get3A_230 {offsets = [5], sizes = [1], strides = [1]} : vector<16xf32> to vector<1xf32>
        %squeeze3A_669 = vector.extract %slice3A_668[0] : f32 from vector<1xf32>
        %mul3A_670 = vector.broadcast %squeeze3A_669 : f32 to vector<16xf32>
        %mul3A_671 = arith.mulf %mul3A_670, %unpack3A_642 : vector<16xf32>
        %add3A_672 = arith.addf %add3A_596, %mul3A_671 : vector<16xf32>
        %slice3A_673 = vector.extract_strided_slice %get3A_230 {offsets = [5], sizes = [1], strides = [1]} : vector<16xf32> to vector<1xf32>
        %squeeze3A_674 = vector.extract %slice3A_673[0] : f32 from vector<1xf32>
        %mul3A_675 = vector.broadcast %squeeze3A_674 : f32 to vector<16xf32>
        %mul3A_676 = arith.mulf %mul3A_675, %unpack3A_643 : vector<16xf32>
        %add3A_677 = arith.addf %add3A_601, %mul3A_676 : vector<16xf32>
        %slice3A_678 = vector.extract_strided_slice %get3A_237 {offsets = [5], sizes = [1], strides = [1]} : vector<16xf32> to vector<1xf32>
        %squeeze3A_679 = vector.extract %slice3A_678[0] : f32 from vector<1xf32>
        %mul3A_680 = vector.broadcast %squeeze3A_679 : f32 to vector<16xf32>
        %mul3A_681 = arith.mulf %mul3A_680, %unpack3A_650 : vector<16xf32>
        %add3A_682 = arith.addf %add3A_606, %mul3A_681 : vector<16xf32>
        %slice3A_683 = vector.extract_strided_slice %get3A_237 {offsets = [5], sizes = [1], strides = [1]} : vector<16xf32> to vector<1xf32>
        %squeeze3A_684 = vector.extract %slice3A_683[0] : f32 from vector<1xf32>
        %mul3A_685 = vector.broadcast %squeeze3A_684 : f32 to vector<16xf32>
        %mul3A_686 = arith.mulf %mul3A_685, %unpack3A_651 : vector<16xf32>
        %add3A_687 = arith.addf %add3A_611, %mul3A_686 : vector<16xf32>
        %slice3A_688 = vector.extract_strided_slice %get3A_244 {offsets = [5], sizes = [1], strides = [1]} : vector<16xf32> to vector<1xf32>
        %squeeze3A_689 = vector.extract %slice3A_688[0] : f32 from vector<1xf32>
        %mul3A_690 = vector.broadcast %squeeze3A_689 : f32 to vector<16xf32>
        %mul3A_691 = arith.mulf %mul3A_690, %unpack3A_658 : vector<16xf32>
        %add3A_692 = arith.addf %add3A_616, %mul3A_691 : vector<16xf32>
        %slice3A_693 = vector.extract_strided_slice %get3A_244 {offsets = [5], sizes = [1], strides = [1]} : vector<16xf32> to vector<1xf32>
        %squeeze3A_694 = vector.extract %slice3A_693[0] : f32 from vector<1xf32>
        %mul3A_695 = vector.broadcast %squeeze3A_694 : f32 to vector<16xf32>
        %mul3A_696 = arith.mulf %mul3A_695, %unpack3A_659 : vector<16xf32>
        %add3A_697 = arith.addf %add3A_621, %mul3A_696 : vector<16xf32>
        %slice3A_698 = vector.extract_strided_slice %get3A_251 {offsets = [5], sizes = [1], strides = [1]} : vector<16xf32> to vector<1xf32>
        %squeeze3A_699 = vector.extract %slice3A_698[0] : f32 from vector<1xf32>
        %mul3A_700 = vector.broadcast %squeeze3A_699 : f32 to vector<16xf32>
        %mul3A_701 = arith.mulf %mul3A_700, %unpack3A_666 : vector<16xf32>
        %add3A_702 = arith.addf %add3A_626, %mul3A_701 : vector<16xf32>
        %slice3A_703 = vector.extract_strided_slice %get3A_251 {offsets = [5], sizes = [1], strides = [1]} : vector<16xf32> to vector<1xf32>
        %squeeze3A_704 = vector.extract %slice3A_703[0] : f32 from vector<1xf32>
        %mul3A_705 = vector.broadcast %squeeze3A_704 : f32 to vector<16xf32>
        %mul3A_706 = arith.mulf %mul3A_705, %unpack3A_667 : vector<16xf32>
        %add3A_707 = arith.addf %add3A_631, %mul3A_706 : vector<16xf32>
        %mul3A_708 = arith.constant 16 : i32
        %mul3A_709 = arith.muli %scan3A_224, %mul3A_708 : i32
        %add3A_710 = arith.constant 6 : i32
        %add3A_711 = arith.addi %mul3A_709, %add3A_710 : i32
        %get3A_712 = arith.constant 0 : i32
        %get3A_713 = arith.index_cast %rem3A_214 : i32 to index
        %get3A_714 = arith.index_cast %get3A_712 : i32 to index
        %get3A_715 = arith.index_cast %add3A_711 : i32 to index
        %get3A_716 = arith.constant 0 : index
        %get3A_717 = tpu.vector_load %arg12[%get3A_713, %get3A_714, %get3A_715, %get3A_716] {strides = array<i32>} : memref<7x2x128x64xbf16, #tpu.memory_space<vmem>>, vector<32xbf16>,
        %unpack3A_718 = tpu.unpack_subelements %get3A_717, 0 {pack_format = #tpu.pack_format<interleaved>} : vector<32xbf16> -> vector<16xf32>
        %unpack3A_719 = tpu.unpack_subelements %get3A_717, 1 {pack_format = #tpu.pack_format<interleaved>} : vector<32xbf16> -> vector<16xf32>
        %get3A_720 = arith.constant 0 : i32
        %get3A_721 = arith.index_cast %rem3A_214 : i32 to index
        %get3A_722 = arith.index_cast %get3A_720 : i32 to index
        %get3A_723 = arith.index_cast %add3A_711 : i32 to index
        %get3A_724 = arith.constant 32 : index
        %get3A_725 = tpu.vector_load %arg12[%get3A_721, %get3A_722, %get3A_723, %get3A_724] {strides = array<i32>} : memref<7x2x128x64xbf16, #tpu.memory_space<vmem>>, vector<32xbf16>,
        %unpack3A_726 = tpu.unpack_subelements %get3A_725, 0 {pack_format = #tpu.pack_format<interleaved>} : vector<32xbf16> -> vector<16xf32>
        %unpack3A_727 = tpu.unpack_subelements %get3A_725, 1 {pack_format = #tpu.pack_format<interleaved>} : vector<32xbf16> -> vector<16xf32>
        %get3A_728 = arith.constant 1 : i32
        %get3A_729 = arith.index_cast %rem3A_214 : i32 to index
        %get3A_730 = arith.index_cast %get3A_728 : i32 to index
        %get3A_731 = arith.index_cast %add3A_711 : i32 to index
        %get3A_732 = arith.constant 0 : index
        %get3A_733 = tpu.vector_load %arg12[%get3A_729, %get3A_730, %get3A_731, %get3A_732] {strides = array<i32>} : memref<7x2x128x64xbf16, #tpu.memory_space<vmem>>, vector<32xbf16>,
        %unpack3A_734 = tpu.unpack_subelements %get3A_733, 0 {pack_format = #tpu.pack_format<interleaved>} : vector<32xbf16> -> vector<16xf32>
        %unpack3A_735 = tpu.unpack_subelements %get3A_733, 1 {pack_format = #tpu.pack_format<interleaved>} : vector<32xbf16> -> vector<16xf32>
        %get3A_736 = arith.constant 1 : i32
        %get3A_737 = arith.index_cast %rem3A_214 : i32 to index
        %get3A_738 = arith.index_cast %get3A_736 : i32 to index
        %get3A_739 = arith.index_cast %add3A_711 : i32 to index
        %get3A_740 = arith.constant 32 : index
        %get3A_741 = tpu.vector_load %arg12[%get3A_737, %get3A_738, %get3A_739, %get3A_740] {strides = array<i32>} : memref<7x2x128x64xbf16, #tpu.memory_space<vmem>>, vector<32xbf16>,
        %unpack3A_742 = tpu.unpack_subelements %get3A_741, 0 {pack_format = #tpu.pack_format<interleaved>} : vector<32xbf16> -> vector<16xf32>
        %unpack3A_743 = tpu.unpack_subelements %get3A_741, 1 {pack_format = #tpu.pack_format<interleaved>} : vector<32xbf16> -> vector<16xf32>
        %slice3A_744 = vector.extract_strided_slice %get3A_230 {offsets = [6], sizes = [1], strides = [1]} : vector<16xf32> to vector<1xf32>
        %squeeze3A_745 = vector.extract %slice3A_744[0] : f32 from vector<1xf32>
        %mul3A_746 = vector.broadcast %squeeze3A_745 : f32 to vector<16xf32>
        %mul3A_747 = arith.mulf %mul3A_746, %unpack3A_718 : vector<16xf32>
        %add3A_748 = arith.addf %add3A_672, %mul3A_747 : vector<16xf32>
        %slice3A_749 = vector.extract_strided_slice %get3A_230 {offsets = [6], sizes = [1], strides = [1]} : vector<16xf32> to vector<1xf32>
        %squeeze3A_750 = vector.extract %slice3A_749[0] : f32 from vector<1xf32>
        %mul3A_751 = vector.broadcast %squeeze3A_750 : f32 to vector<16xf32>
        %mul3A_752 = arith.mulf %mul3A_751, %unpack3A_719 : vector<16xf32>
        %add3A_753 = arith.addf %add3A_677, %mul3A_752 : vector<16xf32>
        %slice3A_754 = vector.extract_strided_slice %get3A_237 {offsets = [6], sizes = [1], strides = [1]} : vector<16xf32> to vector<1xf32>
        %squeeze3A_755 = vector.extract %slice3A_754[0] : f32 from vector<1xf32>
        %mul3A_756 = vector.broadcast %squeeze3A_755 : f32 to vector<16xf32>
        %mul3A_757 = arith.mulf %mul3A_756, %unpack3A_726 : vector<16xf32>
        %add3A_758 = arith.addf %add3A_682, %mul3A_757 : vector<16xf32>
        %slice3A_759 = vector.extract_strided_slice %get3A_237 {offsets = [6], sizes = [1], strides = [1]} : vector<16xf32> to vector<1xf32>
        %squeeze3A_760 = vector.extract %slice3A_759[0] : f32 from vector<1xf32>
        %mul3A_761 = vector.broadcast %squeeze3A_760 : f32 to vector<16xf32>
        %mul3A_762 = arith.mulf %mul3A_761, %unpack3A_727 : vector<16xf32>
        %add3A_763 = arith.addf %add3A_687, %mul3A_762 : vector<16xf32>
        %slice3A_764 = vector.extract_strided_slice %get3A_244 {offsets = [6], sizes = [1], strides = [1]} : vector<16xf32> to vector<1xf32>
        %squeeze3A_765 = vector.extract %slice3A_764[0] : f32 from vector<1xf32>
        %mul3A_766 = vector.broadcast %squeeze3A_765 : f32 to vector<16xf32>
        %mul3A_767 = arith.mulf %mul3A_766, %unpack3A_734 : vector<16xf32>
        %add3A_768 = arith.addf %add3A_692, %mul3A_767 : vector<16xf32>
        %slice3A_769 = vector.extract_strided_slice %get3A_244 {offsets = [6], sizes = [1], strides = [1]} : vector<16xf32> to vector<1xf32>
        %squeeze3A_770 = vector.extract %slice3A_769[0] : f32 from vector<1xf32>
        %mul3A_771 = vector.broadcast %squeeze3A_770 : f32 to vector<16xf32>
        %mul3A_772 = arith.mulf %mul3A_771, %unpack3A_735 : vector<16xf32>
        %add3A_773 = arith.addf %add3A_697, %mul3A_772 : vector<16xf32>
        %slice3A_774 = vector.extract_strided_slice %get3A_251 {offsets = [6], sizes = [1], strides = [1]} : vector<16xf32> to vector<1xf32>
        %squeeze3A_775 = vector.extract %slice3A_774[0] : f32 from vector<1xf32>
        %mul3A_776 = vector.broadcast %squeeze3A_775 : f32 to vector<16xf32>
        %mul3A_777 = arith.mulf %mul3A_776, %unpack3A_742 : vector<16xf32>
        %add3A_778 = arith.addf %add3A_702, %mul3A_777 : vector<16xf32>
        %slice3A_779 = vector.extract_strided_slice %get3A_251 {offsets = [6], sizes = [1], strides = [1]} : vector<16xf32> to vector<1xf32>
        %squeeze3A_780 = vector.extract %slice3A_779[0] : f32 from vector<1xf32>
        %mul3A_781 = vector.broadcast %squeeze3A_780 : f32 to vector<16xf32>
        %mul3A_782 = arith.mulf %mul3A_781, %unpack3A_743 : vector<16xf32>
        %add3A_783 = arith.addf %add3A_707, %mul3A_782 : vector<16xf32>
        %mul3A_784 = arith.constant 16 : i32
        %mul3A_785 = arith.muli %scan3A_224, %mul3A_784 : i32
        %add3A_786 = arith.constant 7 : i32
        %add3A_787 = arith.addi %mul3A_785, %add3A_786 : i32
        %get3A_788 = arith.constant 0 : i32
        %get3A_789 = arith.index_cast %rem3A_214 : i32 to index
        %get3A_790 = arith.index_cast %get3A_788 : i32 to index
        %get3A_791 = arith.index_cast %add3A_787 : i32 to index
        %get3A_792 = arith.constant 0 : index
        %get3A_793 = tpu.vector_load %arg12[%get3A_789, %get3A_790, %get3A_791, %get3A_792] {strides = array<i32>} : memref<7x2x128x64xbf16, #tpu.memory_space<vmem>>, vector<32xbf16>,
        %unpack3A_794 = tpu.unpack_subelements %get3A_793, 0 {pack_format = #tpu.pack_format<interleaved>} : vector<32xbf16> -> vector<16xf32>
        %unpack3A_795 = tpu.unpack_subelements %get3A_793, 1 {pack_format = #tpu.pack_format<interleaved>} : vector<32xbf16> -> vector<16xf32>
        %get3A_796 = arith.constant 0 : i32
        %get3A_797 = arith.index_cast %rem3A_214 : i32 to index
        %get3A_798 = arith.index_cast %get3A_796 : i32 to index
        %get3A_799 = arith.index_cast %add3A_787 : i32 to index
        %get3A_800 = arith.constant 32 : index
        %get3A_801 = tpu.vector_load %arg12[%get3A_797, %get3A_798, %get3A_799, %get3A_800] {strides = array<i32>} : memref<7x2x128x64xbf16, #tpu.memory_space<vmem>>, vector<32xbf16>,
        %unpack3A_802 = tpu.unpack_subelements %get3A_801, 0 {pack_format = #tpu.pack_format<interleaved>} : vector<32xbf16> -> vector<16xf32>
        %unpack3A_803 = tpu.unpack_subelements %get3A_801, 1 {pack_format = #tpu.pack_format<interleaved>} : vector<32xbf16> -> vector<16xf32>
        %get3A_804 = arith.constant 1 : i32
        %get3A_805 = arith.index_cast %rem3A_214 : i32 to index
        %get3A_806 = arith.index_cast %get3A_804 : i32 to index
        %get3A_807 = arith.index_cast %add3A_787 : i32 to index
        %get3A_808 = arith.constant 0 : index
        %get3A_809 = tpu.vector_load %arg12[%get3A_805, %get3A_806, %get3A_807, %get3A_808] {strides = array<i32>} : memref<7x2x128x64xbf16, #tpu.memory_space<vmem>>, vector<32xbf16>,
        %unpack3A_810 = tpu.unpack_subelements %get3A_809, 0 {pack_format = #tpu.pack_format<interleaved>} : vector<32xbf16> -> vector<16xf32>
        %unpack3A_811 = tpu.unpack_subelements %get3A_809, 1 {pack_format = #tpu.pack_format<interleaved>} : vector<32xbf16> -> vector<16xf32>
        %get3A_812 = arith.constant 1 : i32
        %get3A_813 = arith.index_cast %rem3A_214 : i32 to index
        %get3A_814 = arith.index_cast %get3A_812 : i32 to index
        %get3A_815 = arith.index_cast %add3A_787 : i32 to index
        %get3A_816 = arith.constant 32 : index
        %get3A_817 = tpu.vector_load %arg12[%get3A_813, %get3A_814, %get3A_815, %get3A_816] {strides = array<i32>} : memref<7x2x128x64xbf16, #tpu.memory_space<vmem>>, vector<32xbf16>,
        %unpack3A_818 = tpu.unpack_subelements %get3A_817, 0 {pack_format = #tpu.pack_format<interleaved>} : vector<32xbf16> -> vector<16xf32>
        %unpack3A_819 = tpu.unpack_subelements %get3A_817, 1 {pack_format = #tpu.pack_format<interleaved>} : vector<32xbf16> -> vector<16xf32>
        %slice3A_820 = vector.extract_strided_slice %get3A_230 {offsets = [7], sizes = [1], strides = [1]} : vector<16xf32> to vector<1xf32>
        %squeeze3A_821 = vector.extract %slice3A_820[0] : f32 from vector<1xf32>
        %mul3A_822 = vector.broadcast %squeeze3A_821 : f32 to vector<16xf32>
        %mul3A_823 = arith.mulf %mul3A_822, %unpack3A_794 : vector<16xf32>
        %add3A_824 = arith.addf %add3A_748, %mul3A_823 : vector<16xf32>
        %slice3A_825 = vector.extract_strided_slice %get3A_230 {offsets = [7], sizes = [1], strides = [1]} : vector<16xf32> to vector<1xf32>
        %squeeze3A_826 = vector.extract %slice3A_825[0] : f32 from vector<1xf32>
        %mul3A_827 = vector.broadcast %squeeze3A_826 : f32 to vector<16xf32>
        %mul3A_828 = arith.mulf %mul3A_827, %unpack3A_795 : vector<16xf32>
        %add3A_829 = arith.addf %add3A_753, %mul3A_828 : vector<16xf32>
        %slice3A_830 = vector.extract_strided_slice %get3A_237 {offsets = [7], sizes = [1], strides = [1]} : vector<16xf32> to vector<1xf32>
        %squeeze3A_831 = vector.extract %slice3A_830[0] : f32 from vector<1xf32>
        %mul3A_832 = vector.broadcast %squeeze3A_831 : f32 to vector<16xf32>
        %mul3A_833 = arith.mulf %mul3A_832, %unpack3A_802 : vector<16xf32>
        %add3A_834 = arith.addf %add3A_758, %mul3A_833 : vector<16xf32>
        %slice3A_835 = vector.extract_strided_slice %get3A_237 {offsets = [7], sizes = [1], strides = [1]} : vector<16xf32> to vector<1xf32>
        %squeeze3A_836 = vector.extract %slice3A_835[0] : f32 from vector<1xf32>
        %mul3A_837 = vector.broadcast %squeeze3A_836 : f32 to vector<16xf32>
        %mul3A_838 = arith.mulf %mul3A_837, %unpack3A_803 : vector<16xf32>
        %add3A_839 = arith.addf %add3A_763, %mul3A_838 : vector<16xf32>
        %slice3A_840 = vector.extract_strided_slice %get3A_244 {offsets = [7], sizes = [1], strides = [1]} : vector<16xf32> to vector<1xf32>
        %squeeze3A_841 = vector.extract %slice3A_840[0] : f32 from vector<1xf32>
        %mul3A_842 = vector.broadcast %squeeze3A_841 : f32 to vector<16xf32>
        %mul3A_843 = arith.mulf %mul3A_842, %unpack3A_810 : vector<16xf32>
        %add3A_844 = arith.addf %add3A_768, %mul3A_843 : vector<16xf32>
        %slice3A_845 = vector.extract_strided_slice %get3A_244 {offsets = [7], sizes = [1], strides = [1]} : vector<16xf32> to vector<1xf32>
        %squeeze3A_846 = vector.extract %slice3A_845[0] : f32 from vector<1xf32>
        %mul3A_847 = vector.broadcast %squeeze3A_846 : f32 to vector<16xf32>
        %mul3A_848 = arith.mulf %mul3A_847, %unpack3A_811 : vector<16xf32>
        %add3A_849 = arith.addf %add3A_773, %mul3A_848 : vector<16xf32>
        %slice3A_850 = vector.extract_strided_slice %get3A_251 {offsets = [7], sizes = [1], strides = [1]} : vector<16xf32> to vector<1xf32>
        %squeeze3A_851 = vector.extract %slice3A_850[0] : f32 from vector<1xf32>
        %mul3A_852 = vector.broadcast %squeeze3A_851 : f32 to vector<16xf32>
        %mul3A_853 = arith.mulf %mul3A_852, %unpack3A_818 : vector<16xf32>
        %add3A_854 = arith.addf %add3A_778, %mul3A_853 : vector<16xf32>
        %slice3A_855 = vector.extract_strided_slice %get3A_251 {offsets = [7], sizes = [1], strides = [1]} : vector<16xf32> to vector<1xf32>
        %squeeze3A_856 = vector.extract %slice3A_855[0] : f32 from vector<1xf32>
        %mul3A_857 = vector.broadcast %squeeze3A_856 : f32 to vector<16xf32>
        %mul3A_858 = arith.mulf %mul3A_857, %unpack3A_819 : vector<16xf32>
        %add3A_859 = arith.addf %add3A_783, %mul3A_858 : vector<16xf32>
        %mul3A_860 = arith.constant 16 : i32
        %mul3A_861 = arith.muli %scan3A_224, %mul3A_860 : i32
        %add3A_862 = arith.constant 8 : i32
        %add3A_863 = arith.addi %mul3A_861, %add3A_862 : i32
        %get3A_864 = arith.constant 0 : i32
        %get3A_865 = arith.index_cast %rem3A_214 : i32 to index
        %get3A_866 = arith.index_cast %get3A_864 : i32 to index
        %get3A_867 = arith.index_cast %add3A_863 : i32 to index
        %get3A_868 = arith.constant 0 : index
        %get3A_869 = tpu.vector_load %arg12[%get3A_865, %get3A_866, %get3A_867, %get3A_868] {strides = array<i32>} : memref<7x2x128x64xbf16, #tpu.memory_space<vmem>>, vector<32xbf16>,
        %unpack3A_870 = tpu.unpack_subelements %get3A_869, 0 {pack_format = #tpu.pack_format<interleaved>} : vector<32xbf16> -> vector<16xf32>
        %unpack3A_871 = tpu.unpack_subelements %get3A_869, 1 {pack_format = #tpu.pack_format<interleaved>} : vector<32xbf16> -> vector<16xf32>
        %get3A_872 = arith.constant 0 : i32
        %get3A_873 = arith.index_cast %rem3A_214 : i32 to index
        %get3A_874 = arith.index_cast %get3A_872 : i32 to index
        %get3A_875 = arith.index_cast %add3A_863 : i32 to index
        %get3A_876 = arith.constant 32 : index
        %get3A_877 = tpu.vector_load %arg12[%get3A_873, %get3A_874, %get3A_875, %get3A_876] {strides = array<i32>} : memref<7x2x128x64xbf16, #tpu.memory_space<vmem>>, vector<32xbf16>,
        %unpack3A_878 = tpu.unpack_subelements %get3A_877, 0 {pack_format = #tpu.pack_format<interleaved>} : vector<32xbf16> -> vector<16xf32>
        %unpack3A_879 = tpu.unpack_subelements %get3A_877, 1 {pack_format = #tpu.pack_format<interleaved>} : vector<32xbf16> -> vector<16xf32>
        %get3A_880 = arith.constant 1 : i32
        %get3A_881 = arith.index_cast %rem3A_214 : i32 to index
        %get3A_882 = arith.index_cast %get3A_880 : i32 to index
        %get3A_883 = arith.index_cast %add3A_863 : i32 to index
        %get3A_884 = arith.constant 0 : index
        %get3A_885 = tpu.vector_load %arg12[%get3A_881, %get3A_882, %get3A_883, %get3A_884] {strides = array<i32>} : memref<7x2x128x64xbf16, #tpu.memory_space<vmem>>, vector<32xbf16>,
        %unpack3A_886 = tpu.unpack_subelements %get3A_885, 0 {pack_format = #tpu.pack_format<interleaved>} : vector<32xbf16> -> vector<16xf32>
        %unpack3A_887 = tpu.unpack_subelements %get3A_885, 1 {pack_format = #tpu.pack_format<interleaved>} : vector<32xbf16> -> vector<16xf32>
        %get3A_888 = arith.constant 1 : i32
        %get3A_889 = arith.index_cast %rem3A_214 : i32 to index
        %get3A_890 = arith.index_cast %get3A_888 : i32 to index
        %get3A_891 = arith.index_cast %add3A_863 : i32 to index
        %get3A_892 = arith.constant 32 : index
        %get3A_893 = tpu.vector_load %arg12[%get3A_889, %get3A_890, %get3A_891, %get3A_892] {strides = array<i32>} : memref<7x2x128x64xbf16, #tpu.memory_space<vmem>>, vector<32xbf16>,
        %unpack3A_894 = tpu.unpack_subelements %get3A_893, 0 {pack_format = #tpu.pack_format<interleaved>} : vector<32xbf16> -> vector<16xf32>
        %unpack3A_895 = tpu.unpack_subelements %get3A_893, 1 {pack_format = #tpu.pack_format<interleaved>} : vector<32xbf16> -> vector<16xf32>
        %slice3A_896 = vector.extract_strided_slice %get3A_230 {offsets = [8], sizes = [1], strides = [1]} : vector<16xf32> to vector<1xf32>
        %squeeze3A_897 = vector.extract %slice3A_896[0] : f32 from vector<1xf32>
        %mul3A_898 = vector.broadcast %squeeze3A_897 : f32 to vector<16xf32>
        %mul3A_899 = arith.mulf %mul3A_898, %unpack3A_870 : vector<16xf32>
        %add3A_900 = arith.addf %add3A_824, %mul3A_899 : vector<16xf32>
        %slice3A_901 = vector.extract_strided_slice %get3A_230 {offsets = [8], sizes = [1], strides = [1]} : vector<16xf32> to vector<1xf32>
        %squeeze3A_902 = vector.extract %slice3A_901[0] : f32 from vector<1xf32>
        %mul3A_903 = vector.broadcast %squeeze3A_902 : f32 to vector<16xf32>
        %mul3A_904 = arith.mulf %mul3A_903, %unpack3A_871 : vector<16xf32>
        %add3A_905 = arith.addf %add3A_829, %mul3A_904 : vector<16xf32>
        %slice3A_906 = vector.extract_strided_slice %get3A_237 {offsets = [8], sizes = [1], strides = [1]} : vector<16xf32> to vector<1xf32>
        %squeeze3A_907 = vector.extract %slice3A_906[0] : f32 from vector<1xf32>
        %mul3A_908 = vector.broadcast %squeeze3A_907 : f32 to vector<16xf32>
        %mul3A_909 = arith.mulf %mul3A_908, %unpack3A_878 : vector<16xf32>
        %add3A_910 = arith.addf %add3A_834, %mul3A_909 : vector<16xf32>
        %slice3A_911 = vector.extract_strided_slice %get3A_237 {offsets = [8], sizes = [1], strides = [1]} : vector<16xf32> to vector<1xf32>
        %squeeze3A_912 = vector.extract %slice3A_911[0] : f32 from vector<1xf32>
        %mul3A_913 = vector.broadcast %squeeze3A_912 : f32 to vector<16xf32>
        %mul3A_914 = arith.mulf %mul3A_913, %unpack3A_879 : vector<16xf32>
        %add3A_915 = arith.addf %add3A_839, %mul3A_914 : vector<16xf32>
        %slice3A_916 = vector.extract_strided_slice %get3A_244 {offsets = [8], sizes = [1], strides = [1]} : vector<16xf32> to vector<1xf32>
        %squeeze3A_917 = vector.extract %slice3A_916[0] : f32 from vector<1xf32>
        %mul3A_918 = vector.broadcast %squeeze3A_917 : f32 to vector<16xf32>
        %mul3A_919 = arith.mulf %mul3A_918, %unpack3A_886 : vector<16xf32>
        %add3A_920 = arith.addf %add3A_844, %mul3A_919 : vector<16xf32>
        %slice3A_921 = vector.extract_strided_slice %get3A_244 {offsets = [8], sizes = [1], strides = [1]} : vector<16xf32> to vector<1xf32>
        %squeeze3A_922 = vector.extract %slice3A_921[0] : f32 from vector<1xf32>
        %mul3A_923 = vector.broadcast %squeeze3A_922 : f32 to vector<16xf32>
        %mul3A_924 = arith.mulf %mul3A_923, %unpack3A_887 : vector<16xf32>
        %add3A_925 = arith.addf %add3A_849, %mul3A_924 : vector<16xf32>
        %slice3A_926 = vector.extract_strided_slice %get3A_251 {offsets = [8], sizes = [1], strides = [1]} : vector<16xf32> to vector<1xf32>
        %squeeze3A_927 = vector.extract %slice3A_926[0] : f32 from vector<1xf32>
        %mul3A_928 = vector.broadcast %squeeze3A_927 : f32 to vector<16xf32>
        %mul3A_929 = arith.mulf %mul3A_928, %unpack3A_894 : vector<16xf32>
        %add3A_930 = arith.addf %add3A_854, %mul3A_929 : vector<16xf32>
        %slice3A_931 = vector.extract_strided_slice %get3A_251 {offsets = [8], sizes = [1], strides = [1]} : vector<16xf32> to vector<1xf32>
        %squeeze3A_932 = vector.extract %slice3A_931[0] : f32 from vector<1xf32>
        %mul3A_933 = vector.broadcast %squeeze3A_932 : f32 to vector<16xf32>
        %mul3A_934 = arith.mulf %mul3A_933, %unpack3A_895 : vector<16xf32>
        %add3A_935 = arith.addf %add3A_859, %mul3A_934 : vector<16xf32>
        %mul3A_936 = arith.constant 16 : i32
        %mul3A_937 = arith.muli %scan3A_224, %mul3A_936 : i32
        %add3A_938 = arith.constant 9 : i32
        %add3A_939 = arith.addi %mul3A_937, %add3A_938 : i32
        %get3A_940 = arith.constant 0 : i32
        %get3A_941 = arith.index_cast %rem3A_214 : i32 to index
        %get3A_942 = arith.index_cast %get3A_940 : i32 to index
        %get3A_943 = arith.index_cast %add3A_939 : i32 to index
        %get3A_944 = arith.constant 0 : index
        %get3A_945 = tpu.vector_load %arg12[%get3A_941, %get3A_942, %get3A_943, %get3A_944] {strides = array<i32>} : memref<7x2x128x64xbf16, #tpu.memory_space<vmem>>, vector<32xbf16>,
        %unpack3A_946 = tpu.unpack_subelements %get3A_945, 0 {pack_format = #tpu.pack_format<interleaved>} : vector<32xbf16> -> vector<16xf32>
        %unpack3A_947 = tpu.unpack_subelements %get3A_945, 1 {pack_format = #tpu.pack_format<interleaved>} : vector<32xbf16> -> vector<16xf32>
        %get3A_948 = arith.constant 0 : i32
        %get3A_949 = arith.index_cast %rem3A_214 : i32 to index
        %get3A_950 = arith.index_cast %get3A_948 : i32 to index
        %get3A_951 = arith.index_cast %add3A_939 : i32 to index
        %get3A_952 = arith.constant 32 : index
        %get3A_953 = tpu.vector_load %arg12[%get3A_949, %get3A_950, %get3A_951, %get3A_952] {strides = array<i32>} : memref<7x2x128x64xbf16, #tpu.memory_space<vmem>>, vector<32xbf16>,
        %unpack3A_954 = tpu.unpack_subelements %get3A_953, 0 {pack_format = #tpu.pack_format<interleaved>} : vector<32xbf16> -> vector<16xf32>
        %unpack3A_955 = tpu.unpack_subelements %get3A_953, 1 {pack_format = #tpu.pack_format<interleaved>} : vector<32xbf16> -> vector<16xf32>
        %get3A_956 = arith.constant 1 : i32
        %get3A_957 = arith.index_cast %rem3A_214 : i32 to index
        %get3A_958 = arith.index_cast %get3A_956 : i32 to index
        %get3A_959 = arith.index_cast %add3A_939 : i32 to index
        %get3A_960 = arith.constant 0 : index
        %get3A_961 = tpu.vector_load %arg12[%get3A_957, %get3A_958, %get3A_959, %get3A_960] {strides = array<i32>} : memref<7x2x128x64xbf16, #tpu.memory_space<vmem>>, vector<32xbf16>,
        %unpack3A_962 = tpu.unpack_subelements %get3A_961, 0 {pack_format = #tpu.pack_format<interleaved>} : vector<32xbf16> -> vector<16xf32>
        %unpack3A_963 = tpu.unpack_subelements %get3A_961, 1 {pack_format = #tpu.pack_format<interleaved>} : vector<32xbf16> -> vector<16xf32>
        %get3A_964 = arith.constant 1 : i32
        %get3A_965 = arith.index_cast %rem3A_214 : i32 to index
        %get3A_966 = arith.index_cast %get3A_964 : i32 to index
        %get3A_967 = arith.index_cast %add3A_939 : i32 to index
        %get3A_968 = arith.constant 32 : index
        %get3A_969 = tpu.vector_load %arg12[%get3A_965, %get3A_966, %get3A_967, %get3A_968] {strides = array<i32>} : memref<7x2x128x64xbf16, #tpu.memory_space<vmem>>, vector<32xbf16>,
        %unpack3A_970 = tpu.unpack_subelements %get3A_969, 0 {pack_format = #tpu.pack_format<interleaved>} : vector<32xbf16> -> vector<16xf32>
        %unpack3A_971 = tpu.unpack_subelements %get3A_969, 1 {pack_format = #tpu.pack_format<interleaved>} : vector<32xbf16> -> vector<16xf32>
        %slice3A_972 = vector.extract_strided_slice %get3A_230 {offsets = [9], sizes = [1], strides = [1]} : vector<16xf32> to vector<1xf32>
        %squeeze3A_973 = vector.extract %slice3A_972[0] : f32 from vector<1xf32>
        %mul3A_974 = vector.broadcast %squeeze3A_973 : f32 to vector<16xf32>
        %mul3A_975 = arith.mulf %mul3A_974, %unpack3A_946 : vector<16xf32>
        %add3A_976 = arith.addf %add3A_900, %mul3A_975 : vector<16xf32>
        %slice3A_977 = vector.extract_strided_slice %get3A_230 {offsets = [9], sizes = [1], strides = [1]} : vector<16xf32> to vector<1xf32>
        %squeeze3A_978 = vector.extract %slice3A_977[0] : f32 from vector<1xf32>
        %mul3A_979 = vector.broadcast %squeeze3A_978 : f32 to vector<16xf32>
        %mul3A_980 = arith.mulf %mul3A_979, %unpack3A_947 : vector<16xf32>
        %add3A_981 = arith.addf %add3A_905, %mul3A_980 : vector<16xf32>
        %slice3A_982 = vector.extract_strided_slice %get3A_237 {offsets = [9], sizes = [1], strides = [1]} : vector<16xf32> to vector<1xf32>
        %squeeze3A_983 = vector.extract %slice3A_982[0] : f32 from vector<1xf32>
        %mul3A_984 = vector.broadcast %squeeze3A_983 : f32 to vector<16xf32>
        %mul3A_985 = arith.mulf %mul3A_984, %unpack3A_954 : vector<16xf32>
        %add3A_986 = arith.addf %add3A_910, %mul3A_985 : vector<16xf32>
        %slice3A_987 = vector.extract_strided_slice %get3A_237 {offsets = [9], sizes = [1], strides = [1]} : vector<16xf32> to vector<1xf32>
        %squeeze3A_988 = vector.extract %slice3A_987[0] : f32 from vector<1xf32>
        %mul3A_989 = vector.broadcast %squeeze3A_988 : f32 to vector<16xf32>
        %mul3A_990 = arith.mulf %mul3A_989, %unpack3A_955 : vector<16xf32>
        %add3A_991 = arith.addf %add3A_915, %mul3A_990 : vector<16xf32>
        %slice3A_992 = vector.extract_strided_slice %get3A_244 {offsets = [9], sizes = [1], strides = [1]} : vector<16xf32> to vector<1xf32>
        %squeeze3A_993 = vector.extract %slice3A_992[0] : f32 from vector<1xf32>
        %mul3A_994 = vector.broadcast %squeeze3A_993 : f32 to vector<16xf32>
        %mul3A_995 = arith.mulf %mul3A_994, %unpack3A_962 : vector<16xf32>
        %add3A_996 = arith.addf %add3A_920, %mul3A_995 : vector<16xf32>
        %slice3A_997 = vector.extract_strided_slice %get3A_244 {offsets = [9], sizes = [1], strides = [1]} : vector<16xf32> to vector<1xf32>
        %squeeze3A_998 = vector.extract %slice3A_997[0] : f32 from vector<1xf32>
        %mul3A_999 = vector.broadcast %squeeze3A_998 : f32 to vector<16xf32>
        %mul3A_1000 = arith.mulf %mul3A_999, %unpack3A_963 : vector<16xf32>
        %add3A_1001 = arith.addf %add3A_925, %mul3A_1000 : vector<16xf32>
        %slice3A_1002 = vector.extract_strided_slice %get3A_251 {offsets = [9], sizes = [1], strides = [1]} : vector<16xf32> to vector<1xf32>
        %squeeze3A_1003 = vector.extract %slice3A_1002[0] : f32 from vector<1xf32>
        %mul3A_1004 = vector.broadcast %squeeze3A_1003 : f32 to vector<16xf32>
        %mul3A_1005 = arith.mulf %mul3A_1004, %unpack3A_970 : vector<16xf32>
        %add3A_1006 = arith.addf %add3A_930, %mul3A_1005 : vector<16xf32>
        %slice3A_1007 = vector.extract_strided_slice %get3A_251 {offsets = [9], sizes = [1], strides = [1]} : vector<16xf32> to vector<1xf32>
        %squeeze3A_1008 = vector.extract %slice3A_1007[0] : f32 from vector<1xf32>
        %mul3A_1009 = vector.broadcast %squeeze3A_1008 : f32 to vector<16xf32>
        %mul3A_1010 = arith.mulf %mul3A_1009, %unpack3A_971 : vector<16xf32>
        %add3A_1011 = arith.addf %add3A_935, %mul3A_1010 : vector<16xf32>
        %mul3A_1012 = arith.constant 16 : i32
        %mul3A_1013 = arith.muli %scan3A_224, %mul3A_1012 : i32
        %add3A_1014 = arith.constant 10 : i32
        %add3A_1015 = arith.addi %mul3A_1013, %add3A_1014 : i32
        %get3A_1016 = arith.constant 0 : i32
        %get3A_1017 = arith.index_cast %rem3A_214 : i32 to index
        %get3A_1018 = arith.index_cast %get3A_1016 : i32 to index
        %get3A_1019 = arith.index_cast %add3A_1015 : i32 to index
        %get3A_1020 = arith.constant 0 : index
        %get3A_1021 = tpu.vector_load %arg12[%get3A_1017, %get3A_1018, %get3A_1019, %get3A_1020] {strides = array<i32>} : memref<7x2x128x64xbf16, #tpu.memory_space<vmem>>, vector<32xbf16>,
        %unpack3A_1022 = tpu.unpack_subelements %get3A_1021, 0 {pack_format = #tpu.pack_format<interleaved>} : vector<32xbf16> -> vector<16xf32>
        %unpack3A_1023 = tpu.unpack_subelements %get3A_1021, 1 {pack_format = #tpu.pack_format<interleaved>} : vector<32xbf16> -> vector<16xf32>
        %get3A_1024 = arith.constant 0 : i32
        %get3A_1025 = arith.index_cast %rem3A_214 : i32 to index
        %get3A_1026 = arith.index_cast %get3A_1024 : i32 to index
        %get3A_1027 = arith.index_cast %add3A_1015 : i32 to index
        %get3A_1028 = arith.constant 32 : index
        %get3A_1029 = tpu.vector_load %arg12[%get3A_1025, %get3A_1026, %get3A_1027, %get3A_1028] {strides = array<i32>} : memref<7x2x128x64xbf16, #tpu.memory_space<vmem>>, vector<32xbf16>,
        %unpack3A_1030 = tpu.unpack_subelements %get3A_1029, 0 {pack_format = #tpu.pack_format<interleaved>} : vector<32xbf16> -> vector<16xf32>
        %unpack3A_1031 = tpu.unpack_subelements %get3A_1029, 1 {pack_format = #tpu.pack_format<interleaved>} : vector<32xbf16> -> vector<16xf32>
        %get3A_1032 = arith.constant 1 : i32
        %get3A_1033 = arith.index_cast %rem3A_214 : i32 to index
        %get3A_1034 = arith.index_cast %get3A_1032 : i32 to index
        %get3A_1035 = arith.index_cast %add3A_1015 : i32 to index
        %get3A_1036 = arith.constant 0 : index
        %get3A_1037 = tpu.vector_load %arg12[%get3A_1033, %get3A_1034, %get3A_1035, %get3A_1036] {strides = array<i32>} : memref<7x2x128x64xbf16, #tpu.memory_space<vmem>>, vector<32xbf16>,
        %unpack3A_1038 = tpu.unpack_subelements %get3A_1037, 0 {pack_format = #tpu.pack_format<interleaved>} : vector<32xbf16> -> vector<16xf32>
        %unpack3A_1039 = tpu.unpack_subelements %get3A_1037, 1 {pack_format = #tpu.pack_format<interleaved>} : vector<32xbf16> -> vector<16xf32>
        %get3A_1040 = arith.constant 1 : i32
        %get3A_1041 = arith.index_cast %rem3A_214 : i32 to index
        %get3A_1042 = arith.index_cast %get3A_1040 : i32 to index
        %get3A_1043 = arith.index_cast %add3A_1015 : i32 to index
        %get3A_1044 = arith.constant 32 : index
        %get3A_1045 = tpu.vector_load %arg12[%get3A_1041, %get3A_1042, %get3A_1043, %get3A_1044] {strides = array<i32>} : memref<7x2x128x64xbf16, #tpu.memory_space<vmem>>, vector<32xbf16>,
        %unpack3A_1046 = tpu.unpack_subelements %get3A_1045, 0 {pack_format = #tpu.pack_format<interleaved>} : vector<32xbf16> -> vector<16xf32>
        %unpack3A_1047 = tpu.unpack_subelements %get3A_1045, 1 {pack_format = #tpu.pack_format<interleaved>} : vector<32xbf16> -> vector<16xf32>
        %slice3A_1048 = vector.extract_strided_slice %get3A_230 {offsets = [10], sizes = [1], strides = [1]} : vector<16xf32> to vector<1xf32>
        %squeeze3A_1049 = vector.extract %slice3A_1048[0] : f32 from vector<1xf32>
        %mul3A_1050 = vector.broadcast %squeeze3A_1049 : f32 to vector<16xf32>
        %mul3A_1051 = arith.mulf %mul3A_1050, %unpack3A_1022 : vector<16xf32>
        %add3A_1052 = arith.addf %add3A_976, %mul3A_1051 : vector<16xf32>
        %slice3A_1053 = vector.extract_strided_slice %get3A_230 {offsets = [10], sizes = [1], strides = [1]} : vector<16xf32> to vector<1xf32>
        %squeeze3A_1054 = vector.extract %slice3A_1053[0] : f32 from vector<1xf32>
        %mul3A_1055 = vector.broadcast %squeeze3A_1054 : f32 to vector<16xf32>
        %mul3A_1056 = arith.mulf %mul3A_1055, %unpack3A_1023 : vector<16xf32>
        %add3A_1057 = arith.addf %add3A_981, %mul3A_1056 : vector<16xf32>
        %slice3A_1058 = vector.extract_strided_slice %get3A_237 {offsets = [10], sizes = [1], strides = [1]} : vector<16xf32> to vector<1xf32>
        %squeeze3A_1059 = vector.extract %slice3A_1058[0] : f32 from vector<1xf32>
        %mul3A_1060 = vector.broadcast %squeeze3A_1059 : f32 to vector<16xf32>
        %mul3A_1061 = arith.mulf %mul3A_1060, %unpack3A_1030 : vector<16xf32>
        %add3A_1062 = arith.addf %add3A_986, %mul3A_1061 : vector<16xf32>
        %slice3A_1063 = vector.extract_strided_slice %get3A_237 {offsets = [10], sizes = [1], strides = [1]} : vector<16xf32> to vector<1xf32>
        %squeeze3A_1064 = vector.extract %slice3A_1063[0] : f32 from vector<1xf32>
        %mul3A_1065 = vector.broadcast %squeeze3A_1064 : f32 to vector<16xf32>
        %mul3A_1066 = arith.mulf %mul3A_1065, %unpack3A_1031 : vector<16xf32>
        %add3A_1067 = arith.addf %add3A_991, %mul3A_1066 : vector<16xf32>
        %slice3A_1068 = vector.extract_strided_slice %get3A_244 {offsets = [10], sizes = [1], strides = [1]} : vector<16xf32> to vector<1xf32>
        %squeeze3A_1069 = vector.extract %slice3A_1068[0] : f32 from vector<1xf32>
        %mul3A_1070 = vector.broadcast %squeeze3A_1069 : f32 to vector<16xf32>
        %mul3A_1071 = arith.mulf %mul3A_1070, %unpack3A_1038 : vector<16xf32>
        %add3A_1072 = arith.addf %add3A_996, %mul3A_1071 : vector<16xf32>
        %slice3A_1073 = vector.extract_strided_slice %get3A_244 {offsets = [10], sizes = [1], strides = [1]} : vector<16xf32> to vector<1xf32>
        %squeeze3A_1074 = vector.extract %slice3A_1073[0] : f32 from vector<1xf32>
        %mul3A_1075 = vector.broadcast %squeeze3A_1074 : f32 to vector<16xf32>
        %mul3A_1076 = arith.mulf %mul3A_1075, %unpack3A_1039 : vector<16xf32>
        %add3A_1077 = arith.addf %add3A_1001, %mul3A_1076 : vector<16xf32>
        %slice3A_1078 = vector.extract_strided_slice %get3A_251 {offsets = [10], sizes = [1], strides = [1]} : vector<16xf32> to vector<1xf32>
        %squeeze3A_1079 = vector.extract %slice3A_1078[0] : f32 from vector<1xf32>
        %mul3A_1080 = vector.broadcast %squeeze3A_1079 : f32 to vector<16xf32>
        %mul3A_1081 = arith.mulf %mul3A_1080, %unpack3A_1046 : vector<16xf32>
        %add3A_1082 = arith.addf %add3A_1006, %mul3A_1081 : vector<16xf32>
        %slice3A_1083 = vector.extract_strided_slice %get3A_251 {offsets = [10], sizes = [1], strides = [1]} : vector<16xf32> to vector<1xf32>
        %squeeze3A_1084 = vector.extract %slice3A_1083[0] : f32 from vector<1xf32>
        %mul3A_1085 = vector.broadcast %squeeze3A_1084 : f32 to vector<16xf32>
        %mul3A_1086 = arith.mulf %mul3A_1085, %unpack3A_1047 : vector<16xf32>
        %add3A_1087 = arith.addf %add3A_1011, %mul3A_1086 : vector<16xf32>
        %mul3A_1088 = arith.constant 16 : i32
        %mul3A_1089 = arith.muli %scan3A_224, %mul3A_1088 : i32
        %add3A_1090 = arith.constant 11 : i32
        %add3A_1091 = arith.addi %mul3A_1089, %add3A_1090 : i32
        %get3A_1092 = arith.constant 0 : i32
        %get3A_1093 = arith.index_cast %rem3A_214 : i32 to index
        %get3A_1094 = arith.index_cast %get3A_1092 : i32 to index
        %get3A_1095 = arith.index_cast %add3A_1091 : i32 to index
        %get3A_1096 = arith.constant 0 : index
        %get3A_1097 = tpu.vector_load %arg12[%get3A_1093, %get3A_1094, %get3A_1095, %get3A_1096] {strides = array<i32>} : memref<7x2x128x64xbf16, #tpu.memory_space<vmem>>, vector<32xbf16>,
        %unpack3A_1098 = tpu.unpack_subelements %get3A_1097, 0 {pack_format = #tpu.pack_format<interleaved>} : vector<32xbf16> -> vector<16xf32>
        %unpack3A_1099 = tpu.unpack_subelements %get3A_1097, 1 {pack_format = #tpu.pack_format<interleaved>} : vector<32xbf16> -> vector<16xf32>
        %get3A_1100 = arith.constant 0 : i32
        %get3A_1101 = arith.index_cast %rem3A_214 : i32 to index
        %get3A_1102 = arith.index_cast %get3A_1100 : i32 to index
        %get3A_1103 = arith.index_cast %add3A_1091 : i32 to index
        %get3A_1104 = arith.constant 32 : index
        %get3A_1105 = tpu.vector_load %arg12[%get3A_1101, %get3A_1102, %get3A_1103, %get3A_1104] {strides = array<i32>} : memref<7x2x128x64xbf16, #tpu.memory_space<vmem>>, vector<32xbf16>,
        %unpack3A_1106 = tpu.unpack_subelements %get3A_1105, 0 {pack_format = #tpu.pack_format<interleaved>} : vector<32xbf16> -> vector<16xf32>
        %unpack3A_1107 = tpu.unpack_subelements %get3A_1105, 1 {pack_format = #tpu.pack_format<interleaved>} : vector<32xbf16> -> vector<16xf32>
        %get3A_1108 = arith.constant 1 : i32
        %get3A_1109 = arith.index_cast %rem3A_214 : i32 to index
        %get3A_1110 = arith.index_cast %get3A_1108 : i32 to index
        %get3A_1111 = arith.index_cast %add3A_1091 : i32 to index
        %get3A_1112 = arith.constant 0 : index
        %get3A_1113 = tpu.vector_load %arg12[%get3A_1109, %get3A_1110, %get3A_1111, %get3A_1112] {strides = array<i32>} : memref<7x2x128x64xbf16, #tpu.memory_space<vmem>>, vector<32xbf16>,
        %unpack3A_1114 = tpu.unpack_subelements %get3A_1113, 0 {pack_format = #tpu.pack_format<interleaved>} : vector<32xbf16> -> vector<16xf32>
        %unpack3A_1115 = tpu.unpack_subelements %get3A_1113, 1 {pack_format = #tpu.pack_format<interleaved>} : vector<32xbf16> -> vector<16xf32>
        %get3A_1116 = arith.constant 1 : i32
        %get3A_1117 = arith.index_cast %rem3A_214 : i32 to index
        %get3A_1118 = arith.index_cast %get3A_1116 : i32 to index
        %get3A_1119 = arith.index_cast %add3A_1091 : i32 to index
        %get3A_1120 = arith.constant 32 : index
        %get3A_1121 = tpu.vector_load %arg12[%get3A_1117, %get3A_1118, %get3A_1119, %get3A_1120] {strides = array<i32>} : memref<7x2x128x64xbf16, #tpu.memory_space<vmem>>, vector<32xbf16>,
        %unpack3A_1122 = tpu.unpack_subelements %get3A_1121, 0 {pack_format = #tpu.pack_format<interleaved>} : vector<32xbf16> -> vector<16xf32>
        %unpack3A_1123 = tpu.unpack_subelements %get3A_1121, 1 {pack_format = #tpu.pack_format<interleaved>} : vector<32xbf16> -> vector<16xf32>
        %slice3A_1124 = vector.extract_strided_slice %get3A_230 {offsets = [11], sizes = [1], strides = [1]} : vector<16xf32> to vector<1xf32>
        %squeeze3A_1125 = vector.extract %slice3A_1124[0] : f32 from vector<1xf32>
        %mul3A_1126 = vector.broadcast %squeeze3A_1125 : f32 to vector<16xf32>
        %mul3A_1127 = arith.mulf %mul3A_1126, %unpack3A_1098 : vector<16xf32>
        %add3A_1128 = arith.addf %add3A_1052, %mul3A_1127 : vector<16xf32>
        %slice3A_1129 = vector.extract_strided_slice %get3A_230 {offsets = [11], sizes = [1], strides = [1]} : vector<16xf32> to vector<1xf32>
        %squeeze3A_1130 = vector.extract %slice3A_1129[0] : f32 from vector<1xf32>
        %mul3A_1131 = vector.broadcast %squeeze3A_1130 : f32 to vector<16xf32>
        %mul3A_1132 = arith.mulf %mul3A_1131, %unpack3A_1099 : vector<16xf32>
        %add3A_1133 = arith.addf %add3A_1057, %mul3A_1132 : vector<16xf32>
        %slice3A_1134 = vector.extract_strided_slice %get3A_237 {offsets = [11], sizes = [1], strides = [1]} : vector<16xf32> to vector<1xf32>
        %squeeze3A_1135 = vector.extract %slice3A_1134[0] : f32 from vector<1xf32>
        %mul3A_1136 = vector.broadcast %squeeze3A_1135 : f32 to vector<16xf32>
        %mul3A_1137 = arith.mulf %mul3A_1136, %unpack3A_1106 : vector<16xf32>
        %add3A_1138 = arith.addf %add3A_1062, %mul3A_1137 : vector<16xf32>
        %slice3A_1139 = vector.extract_strided_slice %get3A_237 {offsets = [11], sizes = [1], strides = [1]} : vector<16xf32> to vector<1xf32>
        %squeeze3A_1140 = vector.extract %slice3A_1139[0] : f32 from vector<1xf32>
        %mul3A_1141 = vector.broadcast %squeeze3A_1140 : f32 to vector<16xf32>
        %mul3A_1142 = arith.mulf %mul3A_1141, %unpack3A_1107 : vector<16xf32>
        %add3A_1143 = arith.addf %add3A_1067, %mul3A_1142 : vector<16xf32>
        %slice3A_1144 = vector.extract_strided_slice %get3A_244 {offsets = [11], sizes = [1], strides = [1]} : vector<16xf32> to vector<1xf32>
        %squeeze3A_1145 = vector.extract %slice3A_1144[0] : f32 from vector<1xf32>
        %mul3A_1146 = vector.broadcast %squeeze3A_1145 : f32 to vector<16xf32>
        %mul3A_1147 = arith.mulf %mul3A_1146, %unpack3A_1114 : vector<16xf32>
        %add3A_1148 = arith.addf %add3A_1072, %mul3A_1147 : vector<16xf32>
        %slice3A_1149 = vector.extract_strided_slice %get3A_244 {offsets = [11], sizes = [1], strides = [1]} : vector<16xf32> to vector<1xf32>
        %squeeze3A_1150 = vector.extract %slice3A_1149[0] : f32 from vector<1xf32>
        %mul3A_1151 = vector.broadcast %squeeze3A_1150 : f32 to vector<16xf32>
        %mul3A_1152 = arith.mulf %mul3A_1151, %unpack3A_1115 : vector<16xf32>
        %add3A_1153 = arith.addf %add3A_1077, %mul3A_1152 : vector<16xf32>
        %slice3A_1154 = vector.extract_strided_slice %get3A_251 {offsets = [11], sizes = [1], strides = [1]} : vector<16xf32> to vector<1xf32>
        %squeeze3A_1155 = vector.extract %slice3A_1154[0] : f32 from vector<1xf32>
        %mul3A_1156 = vector.broadcast %squeeze3A_1155 : f32 to vector<16xf32>
        %mul3A_1157 = arith.mulf %mul3A_1156, %unpack3A_1122 : vector<16xf32>
        %add3A_1158 = arith.addf %add3A_1082, %mul3A_1157 : vector<16xf32>
        %slice3A_1159 = vector.extract_strided_slice %get3A_251 {offsets = [11], sizes = [1], strides = [1]} : vector<16xf32> to vector<1xf32>
        %squeeze3A_1160 = vector.extract %slice3A_1159[0] : f32 from vector<1xf32>
        %mul3A_1161 = vector.broadcast %squeeze3A_1160 : f32 to vector<16xf32>
        %mul3A_1162 = arith.mulf %mul3A_1161, %unpack3A_1123 : vector<16xf32>
        %add3A_1163 = arith.addf %add3A_1087, %mul3A_1162 : vector<16xf32>
        %mul3A_1164 = arith.constant 16 : i32
        %mul3A_1165 = arith.muli %scan3A_224, %mul3A_1164 : i32
        %add3A_1166 = arith.constant 12 : i32
        %add3A_1167 = arith.addi %mul3A_1165, %add3A_1166 : i32
        %get3A_1168 = arith.constant 0 : i32
        %get3A_1169 = arith.index_cast %rem3A_214 : i32 to index
        %get3A_1170 = arith.index_cast %get3A_1168 : i32 to index
        %get3A_1171 = arith.index_cast %add3A_1167 : i32 to index
        %get3A_1172 = arith.constant 0 : index
        %get3A_1173 = tpu.vector_load %arg12[%get3A_1169, %get3A_1170, %get3A_1171, %get3A_1172] {strides = array<i32>} : memref<7x2x128x64xbf16, #tpu.memory_space<vmem>>, vector<32xbf16>,
        %unpack3A_1174 = tpu.unpack_subelements %get3A_1173, 0 {pack_format = #tpu.pack_format<interleaved>} : vector<32xbf16> -> vector<16xf32>
        %unpack3A_1175 = tpu.unpack_subelements %get3A_1173, 1 {pack_format = #tpu.pack_format<interleaved>} : vector<32xbf16> -> vector<16xf32>
        %get3A_1176 = arith.constant 0 : i32
        %get3A_1177 = arith.index_cast %rem3A_214 : i32 to index
        %get3A_1178 = arith.index_cast %get3A_1176 : i32 to index
        %get3A_1179 = arith.index_cast %add3A_1167 : i32 to index
        %get3A_1180 = arith.constant 32 : index
        %get3A_1181 = tpu.vector_load %arg12[%get3A_1177, %get3A_1178, %get3A_1179, %get3A_1180] {strides = array<i32>} : memref<7x2x128x64xbf16, #tpu.memory_space<vmem>>, vector<32xbf16>,
        %unpack3A_1182 = tpu.unpack_subelements %get3A_1181, 0 {pack_format = #tpu.pack_format<interleaved>} : vector<32xbf16> -> vector<16xf32>
        %unpack3A_1183 = tpu.unpack_subelements %get3A_1181, 1 {pack_format = #tpu.pack_format<interleaved>} : vector<32xbf16> -> vector<16xf32>
        %get3A_1184 = arith.constant 1 : i32
        %get3A_1185 = arith.index_cast %rem3A_214 : i32 to index
        %get3A_1186 = arith.index_cast %get3A_1184 : i32 to index
        %get3A_1187 = arith.index_cast %add3A_1167 : i32 to index
        %get3A_1188 = arith.constant 0 : index
        %get3A_1189 = tpu.vector_load %arg12[%get3A_1185, %get3A_1186, %get3A_1187, %get3A_1188] {strides = array<i32>} : memref<7x2x128x64xbf16, #tpu.memory_space<vmem>>, vector<32xbf16>,
        %unpack3A_1190 = tpu.unpack_subelements %get3A_1189, 0 {pack_format = #tpu.pack_format<interleaved>} : vector<32xbf16> -> vector<16xf32>
        %unpack3A_1191 = tpu.unpack_subelements %get3A_1189, 1 {pack_format = #tpu.pack_format<interleaved>} : vector<32xbf16> -> vector<16xf32>
        %get3A_1192 = arith.constant 1 : i32
        %get3A_1193 = arith.index_cast %rem3A_214 : i32 to index
        %get3A_1194 = arith.index_cast %get3A_1192 : i32 to index
        %get3A_1195 = arith.index_cast %add3A_1167 : i32 to index
        %get3A_1196 = arith.constant 32 : index
        %get3A_1197 = tpu.vector_load %arg12[%get3A_1193, %get3A_1194, %get3A_1195, %get3A_1196] {strides = array<i32>} : memref<7x2x128x64xbf16, #tpu.memory_space<vmem>>, vector<32xbf16>,
        %unpack3A_1198 = tpu.unpack_subelements %get3A_1197, 0 {pack_format = #tpu.pack_format<interleaved>} : vector<32xbf16> -> vector<16xf32>
        %unpack3A_1199 = tpu.unpack_subelements %get3A_1197, 1 {pack_format = #tpu.pack_format<interleaved>} : vector<32xbf16> -> vector<16xf32>
        %slice3A_1200 = vector.extract_strided_slice %get3A_230 {offsets = [12], sizes = [1], strides = [1]} : vector<16xf32> to vector<1xf32>
        %squeeze3A_1201 = vector.extract %slice3A_1200[0] : f32 from vector<1xf32>
        %mul3A_1202 = vector.broadcast %squeeze3A_1201 : f32 to vector<16xf32>
        %mul3A_1203 = arith.mulf %mul3A_1202, %unpack3A_1174 : vector<16xf32>
        %add3A_1204 = arith.addf %add3A_1128, %mul3A_1203 : vector<16xf32>
        %slice3A_1205 = vector.extract_strided_slice %get3A_230 {offsets = [12], sizes = [1], strides = [1]} : vector<16xf32> to vector<1xf32>
        %squeeze3A_1206 = vector.extract %slice3A_1205[0] : f32 from vector<1xf32>
        %mul3A_1207 = vector.broadcast %squeeze3A_1206 : f32 to vector<16xf32>
        %mul3A_1208 = arith.mulf %mul3A_1207, %unpack3A_1175 : vector<16xf32>
        %add3A_1209 = arith.addf %add3A_1133, %mul3A_1208 : vector<16xf32>
        %slice3A_1210 = vector.extract_strided_slice %get3A_237 {offsets = [12], sizes = [1], strides = [1]} : vector<16xf32> to vector<1xf32>
        %squeeze3A_1211 = vector.extract %slice3A_1210[0] : f32 from vector<1xf32>
        %mul3A_1212 = vector.broadcast %squeeze3A_1211 : f32 to vector<16xf32>
        %mul3A_1213 = arith.mulf %mul3A_1212, %unpack3A_1182 : vector<16xf32>
        %add3A_1214 = arith.addf %add3A_1138, %mul3A_1213 : vector<16xf32>
        %slice3A_1215 = vector.extract_strided_slice %get3A_237 {offsets = [12], sizes = [1], strides = [1]} : vector<16xf32> to vector<1xf32>
        %squeeze3A_1216 = vector.extract %slice3A_1215[0] : f32 from vector<1xf32>
        %mul3A_1217 = vector.broadcast %squeeze3A_1216 : f32 to vector<16xf32>
        %mul3A_1218 = arith.mulf %mul3A_1217, %unpack3A_1183 : vector<16xf32>
        %add3A_1219 = arith.addf %add3A_1143, %mul3A_1218 : vector<16xf32>
        %slice3A_1220 = vector.extract_strided_slice %get3A_244 {offsets = [12], sizes = [1], strides = [1]} : vector<16xf32> to vector<1xf32>
        %squeeze3A_1221 = vector.extract %slice3A_1220[0] : f32 from vector<1xf32>
        %mul3A_1222 = vector.broadcast %squeeze3A_1221 : f32 to vector<16xf32>
        %mul3A_1223 = arith.mulf %mul3A_1222, %unpack3A_1190 : vector<16xf32>
        %add3A_1224 = arith.addf %add3A_1148, %mul3A_1223 : vector<16xf32>
        %slice3A_1225 = vector.extract_strided_slice %get3A_244 {offsets = [12], sizes = [1], strides = [1]} : vector<16xf32> to vector<1xf32>
        %squeeze3A_1226 = vector.extract %slice3A_1225[0] : f32 from vector<1xf32>
        %mul3A_1227 = vector.broadcast %squeeze3A_1226 : f32 to vector<16xf32>
        %mul3A_1228 = arith.mulf %mul3A_1227, %unpack3A_1191 : vector<16xf32>
        %add3A_1229 = arith.addf %add3A_1153, %mul3A_1228 : vector<16xf32>
        %slice3A_1230 = vector.extract_strided_slice %get3A_251 {offsets = [12], sizes = [1], strides = [1]} : vector<16xf32> to vector<1xf32>
        %squeeze3A_1231 = vector.extract %slice3A_1230[0] : f32 from vector<1xf32>
        %mul3A_1232 = vector.broadcast %squeeze3A_1231 : f32 to vector<16xf32>
        %mul3A_1233 = arith.mulf %mul3A_1232, %unpack3A_1198 : vector<16xf32>
        %add3A_1234 = arith.addf %add3A_1158, %mul3A_1233 : vector<16xf32>
        %slice3A_1235 = vector.extract_strided_slice %get3A_251 {offsets = [12], sizes = [1], strides = [1]} : vector<16xf32> to vector<1xf32>
        %squeeze3A_1236 = vector.extract %slice3A_1235[0] : f32 from vector<1xf32>
        %mul3A_1237 = vector.broadcast %squeeze3A_1236 : f32 to vector<16xf32>
        %mul3A_1238 = arith.mulf %mul3A_1237, %unpack3A_1199 : vector<16xf32>
        %add3A_1239 = arith.addf %add3A_1163, %mul3A_1238 : vector<16xf32>
        %mul3A_1240 = arith.constant 16 : i32
        %mul3A_1241 = arith.muli %scan3A_224, %mul3A_1240 : i32
        %add3A_1242 = arith.constant 13 : i32
        %add3A_1243 = arith.addi %mul3A_1241, %add3A_1242 : i32
        %get3A_1244 = arith.constant 0 : i32
        %get3A_1245 = arith.index_cast %rem3A_214 : i32 to index
        %get3A_1246 = arith.index_cast %get3A_1244 : i32 to index
        %get3A_1247 = arith.index_cast %add3A_1243 : i32 to index
        %get3A_1248 = arith.constant 0 : index
        %get3A_1249 = tpu.vector_load %arg12[%get3A_1245, %get3A_1246, %get3A_1247, %get3A_1248] {strides = array<i32>} : memref<7x2x128x64xbf16, #tpu.memory_space<vmem>>, vector<32xbf16>,
        %unpack3A_1250 = tpu.unpack_subelements %get3A_1249, 0 {pack_format = #tpu.pack_format<interleaved>} : vector<32xbf16> -> vector<16xf32>
        %unpack3A_1251 = tpu.unpack_subelements %get3A_1249, 1 {pack_format = #tpu.pack_format<interleaved>} : vector<32xbf16> -> vector<16xf32>
        %get3A_1252 = arith.constant 0 : i32
        %get3A_1253 = arith.index_cast %rem3A_214 : i32 to index
        %get3A_1254 = arith.index_cast %get3A_1252 : i32 to index
        %get3A_1255 = arith.index_cast %add3A_1243 : i32 to index
        %get3A_1256 = arith.constant 32 : index
        %get3A_1257 = tpu.vector_load %arg12[%get3A_1253, %get3A_1254, %get3A_1255, %get3A_1256] {strides = array<i32>} : memref<7x2x128x64xbf16, #tpu.memory_space<vmem>>, vector<32xbf16>,
        %unpack3A_1258 = tpu.unpack_subelements %get3A_1257, 0 {pack_format = #tpu.pack_format<interleaved>} : vector<32xbf16> -> vector<16xf32>
        %unpack3A_1259 = tpu.unpack_subelements %get3A_1257, 1 {pack_format = #tpu.pack_format<interleaved>} : vector<32xbf16> -> vector<16xf32>
        %get3A_1260 = arith.constant 1 : i32
        %get3A_1261 = arith.index_cast %rem3A_214 : i32 to index
        %get3A_1262 = arith.index_cast %get3A_1260 : i32 to index
        %get3A_1263 = arith.index_cast %add3A_1243 : i32 to index
        %get3A_1264 = arith.constant 0 : index
        %get3A_1265 = tpu.vector_load %arg12[%get3A_1261, %get3A_1262, %get3A_1263, %get3A_1264] {strides = array<i32>} : memref<7x2x128x64xbf16, #tpu.memory_space<vmem>>, vector<32xbf16>,
        %unpack3A_1266 = tpu.unpack_subelements %get3A_1265, 0 {pack_format = #tpu.pack_format<interleaved>} : vector<32xbf16> -> vector<16xf32>
        %unpack3A_1267 = tpu.unpack_subelements %get3A_1265, 1 {pack_format = #tpu.pack_format<interleaved>} : vector<32xbf16> -> vector<16xf32>
        %get3A_1268 = arith.constant 1 : i32
        %get3A_1269 = arith.index_cast %rem3A_214 : i32 to index
        %get3A_1270 = arith.index_cast %get3A_1268 : i32 to index
        %get3A_1271 = arith.index_cast %add3A_1243 : i32 to index
        %get3A_1272 = arith.constant 32 : index
        %get3A_1273 = tpu.vector_load %arg12[%get3A_1269, %get3A_1270, %get3A_1271, %get3A_1272] {strides = array<i32>} : memref<7x2x128x64xbf16, #tpu.memory_space<vmem>>, vector<32xbf16>,
        %unpack3A_1274 = tpu.unpack_subelements %get3A_1273, 0 {pack_format = #tpu.pack_format<interleaved>} : vector<32xbf16> -> vector<16xf32>
        %unpack3A_1275 = tpu.unpack_subelements %get3A_1273, 1 {pack_format = #tpu.pack_format<interleaved>} : vector<32xbf16> -> vector<16xf32>
        %slice3A_1276 = vector.extract_strided_slice %get3A_230 {offsets = [13], sizes = [1], strides = [1]} : vector<16xf32> to vector<1xf32>
        %squeeze3A_1277 = vector.extract %slice3A_1276[0] : f32 from vector<1xf32>
        %mul3A_1278 = vector.broadcast %squeeze3A_1277 : f32 to vector<16xf32>
        %mul3A_1279 = arith.mulf %mul3A_1278, %unpack3A_1250 : vector<16xf32>
        %add3A_1280 = arith.addf %add3A_1204, %mul3A_1279 : vector<16xf32>
        %slice3A_1281 = vector.extract_strided_slice %get3A_230 {offsets = [13], sizes = [1], strides = [1]} : vector<16xf32> to vector<1xf32>
        %squeeze3A_1282 = vector.extract %slice3A_1281[0] : f32 from vector<1xf32>
        %mul3A_1283 = vector.broadcast %squeeze3A_1282 : f32 to vector<16xf32>
        %mul3A_1284 = arith.mulf %mul3A_1283, %unpack3A_1251 : vector<16xf32>
        %add3A_1285 = arith.addf %add3A_1209, %mul3A_1284 : vector<16xf32>
        %slice3A_1286 = vector.extract_strided_slice %get3A_237 {offsets = [13], sizes = [1], strides = [1]} : vector<16xf32> to vector<1xf32>
        %squeeze3A_1287 = vector.extract %slice3A_1286[0] : f32 from vector<1xf32>
        %mul3A_1288 = vector.broadcast %squeeze3A_1287 : f32 to vector<16xf32>
        %mul3A_1289 = arith.mulf %mul3A_1288, %unpack3A_1258 : vector<16xf32>
        %add3A_1290 = arith.addf %add3A_1214, %mul3A_1289 : vector<16xf32>
        %slice3A_1291 = vector.extract_strided_slice %get3A_237 {offsets = [13], sizes = [1], strides = [1]} : vector<16xf32> to vector<1xf32>
        %squeeze3A_1292 = vector.extract %slice3A_1291[0] : f32 from vector<1xf32>
        %mul3A_1293 = vector.broadcast %squeeze3A_1292 : f32 to vector<16xf32>
        %mul3A_1294 = arith.mulf %mul3A_1293, %unpack3A_1259 : vector<16xf32>
        %add3A_1295 = arith.addf %add3A_1219, %mul3A_1294 : vector<16xf32>
        %slice3A_1296 = vector.extract_strided_slice %get3A_244 {offsets = [13], sizes = [1], strides = [1]} : vector<16xf32> to vector<1xf32>
        %squeeze3A_1297 = vector.extract %slice3A_1296[0] : f32 from vector<1xf32>
        %mul3A_1298 = vector.broadcast %squeeze3A_1297 : f32 to vector<16xf32>
        %mul3A_1299 = arith.mulf %mul3A_1298, %unpack3A_1266 : vector<16xf32>
        %add3A_1300 = arith.addf %add3A_1224, %mul3A_1299 : vector<16xf32>
        %slice3A_1301 = vector.extract_strided_slice %get3A_244 {offsets = [13], sizes = [1], strides = [1]} : vector<16xf32> to vector<1xf32>
        %squeeze3A_1302 = vector.extract %slice3A_1301[0] : f32 from vector<1xf32>
        %mul3A_1303 = vector.broadcast %squeeze3A_1302 : f32 to vector<16xf32>
        %mul3A_1304 = arith.mulf %mul3A_1303, %unpack3A_1267 : vector<16xf32>
        %add3A_1305 = arith.addf %add3A_1229, %mul3A_1304 : vector<16xf32>
        %slice3A_1306 = vector.extract_strided_slice %get3A_251 {offsets = [13], sizes = [1], strides = [1]} : vector<16xf32> to vector<1xf32>
        %squeeze3A_1307 = vector.extract %slice3A_1306[0] : f32 from vector<1xf32>
        %mul3A_1308 = vector.broadcast %squeeze3A_1307 : f32 to vector<16xf32>
        %mul3A_1309 = arith.mulf %mul3A_1308, %unpack3A_1274 : vector<16xf32>
        %add3A_1310 = arith.addf %add3A_1234, %mul3A_1309 : vector<16xf32>
        %slice3A_1311 = vector.extract_strided_slice %get3A_251 {offsets = [13], sizes = [1], strides = [1]} : vector<16xf32> to vector<1xf32>
        %squeeze3A_1312 = vector.extract %slice3A_1311[0] : f32 from vector<1xf32>
        %mul3A_1313 = vector.broadcast %squeeze3A_1312 : f32 to vector<16xf32>
        %mul3A_1314 = arith.mulf %mul3A_1313, %unpack3A_1275 : vector<16xf32>
        %add3A_1315 = arith.addf %add3A_1239, %mul3A_1314 : vector<16xf32>
        %mul3A_1316 = arith.constant 16 : i32
        %mul3A_1317 = arith.muli %scan3A_224, %mul3A_1316 : i32
        %add3A_1318 = arith.constant 14 : i32
        %add3A_1319 = arith.addi %mul3A_1317, %add3A_1318 : i32
        %get3A_1320 = arith.constant 0 : i32
        %get3A_1321 = arith.index_cast %rem3A_214 : i32 to index
        %get3A_1322 = arith.index_cast %get3A_1320 : i32 to index
        %get3A_1323 = arith.index_cast %add3A_1319 : i32 to index
        %get3A_1324 = arith.constant 0 : index
        %get3A_1325 = tpu.vector_load %arg12[%get3A_1321, %get3A_1322, %get3A_1323, %get3A_1324] {strides = array<i32>} : memref<7x2x128x64xbf16, #tpu.memory_space<vmem>>, vector<32xbf16>,
        %unpack3A_1326 = tpu.unpack_subelements %get3A_1325, 0 {pack_format = #tpu.pack_format<interleaved>} : vector<32xbf16> -> vector<16xf32>
        %unpack3A_1327 = tpu.unpack_subelements %get3A_1325, 1 {pack_format = #tpu.pack_format<interleaved>} : vector<32xbf16> -> vector<16xf32>
        %get3A_1328 = arith.constant 0 : i32
        %get3A_1329 = arith.index_cast %rem3A_214 : i32 to index
        %get3A_1330 = arith.index_cast %get3A_1328 : i32 to index
        %get3A_1331 = arith.index_cast %add3A_1319 : i32 to index
        %get3A_1332 = arith.constant 32 : index
        %get3A_1333 = tpu.vector_load %arg12[%get3A_1329, %get3A_1330, %get3A_1331, %get3A_1332] {strides = array<i32>} : memref<7x2x128x64xbf16, #tpu.memory_space<vmem>>, vector<32xbf16>,
        %unpack3A_1334 = tpu.unpack_subelements %get3A_1333, 0 {pack_format = #tpu.pack_format<interleaved>} : vector<32xbf16> -> vector<16xf32>
        %unpack3A_1335 = tpu.unpack_subelements %get3A_1333, 1 {pack_format = #tpu.pack_format<interleaved>} : vector<32xbf16> -> vector<16xf32>
        %get3A_1336 = arith.constant 1 : i32
        %get3A_1337 = arith.index_cast %rem3A_214 : i32 to index
        %get3A_1338 = arith.index_cast %get3A_1336 : i32 to index
        %get3A_1339 = arith.index_cast %add3A_1319 : i32 to index
        %get3A_1340 = arith.constant 0 : index
        %get3A_1341 = tpu.vector_load %arg12[%get3A_1337, %get3A_1338, %get3A_1339, %get3A_1340] {strides = array<i32>} : memref<7x2x128x64xbf16, #tpu.memory_space<vmem>>, vector<32xbf16>,
        %unpack3A_1342 = tpu.unpack_subelements %get3A_1341, 0 {pack_format = #tpu.pack_format<interleaved>} : vector<32xbf16> -> vector<16xf32>
        %unpack3A_1343 = tpu.unpack_subelements %get3A_1341, 1 {pack_format = #tpu.pack_format<interleaved>} : vector<32xbf16> -> vector<16xf32>
        %get3A_1344 = arith.constant 1 : i32
        %get3A_1345 = arith.index_cast %rem3A_214 : i32 to index
        %get3A_1346 = arith.index_cast %get3A_1344 : i32 to index
        %get3A_1347 = arith.index_cast %add3A_1319 : i32 to index
        %get3A_1348 = arith.constant 32 : index
        %get3A_1349 = tpu.vector_load %arg12[%get3A_1345, %get3A_1346, %get3A_1347, %get3A_1348] {strides = array<i32>} : memref<7x2x128x64xbf16, #tpu.memory_space<vmem>>, vector<32xbf16>,
        %unpack3A_1350 = tpu.unpack_subelements %get3A_1349, 0 {pack_format = #tpu.pack_format<interleaved>} : vector<32xbf16> -> vector<16xf32>
        %unpack3A_1351 = tpu.unpack_subelements %get3A_1349, 1 {pack_format = #tpu.pack_format<interleaved>} : vector<32xbf16> -> vector<16xf32>
        %slice3A_1352 = vector.extract_strided_slice %get3A_230 {offsets = [14], sizes = [1], strides = [1]} : vector<16xf32> to vector<1xf32>
        %squeeze3A_1353 = vector.extract %slice3A_1352[0] : f32 from vector<1xf32>
        %mul3A_1354 = vector.broadcast %squeeze3A_1353 : f32 to vector<16xf32>
        %mul3A_1355 = arith.mulf %mul3A_1354, %unpack3A_1326 : vector<16xf32>
        %add3A_1356 = arith.addf %add3A_1280, %mul3A_1355 : vector<16xf32>
        %slice3A_1357 = vector.extract_strided_slice %get3A_230 {offsets = [14], sizes = [1], strides = [1]} : vector<16xf32> to vector<1xf32>
        %squeeze3A_1358 = vector.extract %slice3A_1357[0] : f32 from vector<1xf32>
        %mul3A_1359 = vector.broadcast %squeeze3A_1358 : f32 to vector<16xf32>
        %mul3A_1360 = arith.mulf %mul3A_1359, %unpack3A_1327 : vector<16xf32>
        %add3A_1361 = arith.addf %add3A_1285, %mul3A_1360 : vector<16xf32>
        %slice3A_1362 = vector.extract_strided_slice %get3A_237 {offsets = [14], sizes = [1], strides = [1]} : vector<16xf32> to vector<1xf32>
        %squeeze3A_1363 = vector.extract %slice3A_1362[0] : f32 from vector<1xf32>
        %mul3A_1364 = vector.broadcast %squeeze3A_1363 : f32 to vector<16xf32>
        %mul3A_1365 = arith.mulf %mul3A_1364, %unpack3A_1334 : vector<16xf32>
        %add3A_1366 = arith.addf %add3A_1290, %mul3A_1365 : vector<16xf32>
        %slice3A_1367 = vector.extract_strided_slice %get3A_237 {offsets = [14], sizes = [1], strides = [1]} : vector<16xf32> to vector<1xf32>
        %squeeze3A_1368 = vector.extract %slice3A_1367[0] : f32 from vector<1xf32>
        %mul3A_1369 = vector.broadcast %squeeze3A_1368 : f32 to vector<16xf32>
        %mul3A_1370 = arith.mulf %mul3A_1369, %unpack3A_1335 : vector<16xf32>
        %add3A_1371 = arith.addf %add3A_1295, %mul3A_1370 : vector<16xf32>
        %slice3A_1372 = vector.extract_strided_slice %get3A_244 {offsets = [14], sizes = [1], strides = [1]} : vector<16xf32> to vector<1xf32>
        %squeeze3A_1373 = vector.extract %slice3A_1372[0] : f32 from vector<1xf32>
        %mul3A_1374 = vector.broadcast %squeeze3A_1373 : f32 to vector<16xf32>
        %mul3A_1375 = arith.mulf %mul3A_1374, %unpack3A_1342 : vector<16xf32>
        %add3A_1376 = arith.addf %add3A_1300, %mul3A_1375 : vector<16xf32>
        %slice3A_1377 = vector.extract_strided_slice %get3A_244 {offsets = [14], sizes = [1], strides = [1]} : vector<16xf32> to vector<1xf32>
        %squeeze3A_1378 = vector.extract %slice3A_1377[0] : f32 from vector<1xf32>
        %mul3A_1379 = vector.broadcast %squeeze3A_1378 : f32 to vector<16xf32>
        %mul3A_1380 = arith.mulf %mul3A_1379, %unpack3A_1343 : vector<16xf32>
        %add3A_1381 = arith.addf %add3A_1305, %mul3A_1380 : vector<16xf32>
        %slice3A_1382 = vector.extract_strided_slice %get3A_251 {offsets = [14], sizes = [1], strides = [1]} : vector<16xf32> to vector<1xf32>
        %squeeze3A_1383 = vector.extract %slice3A_1382[0] : f32 from vector<1xf32>
        %mul3A_1384 = vector.broadcast %squeeze3A_1383 : f32 to vector<16xf32>
        %mul3A_1385 = arith.mulf %mul3A_1384, %unpack3A_1350 : vector<16xf32>
        %add3A_1386 = arith.addf %add3A_1310, %mul3A_1385 : vector<16xf32>
        %slice3A_1387 = vector.extract_strided_slice %get3A_251 {offsets = [14], sizes = [1], strides = [1]} : vector<16xf32> to vector<1xf32>
        %squeeze3A_1388 = vector.extract %slice3A_1387[0] : f32 from vector<1xf32>
        %mul3A_1389 = vector.broadcast %squeeze3A_1388 : f32 to vector<16xf32>
        %mul3A_1390 = arith.mulf %mul3A_1389, %unpack3A_1351 : vector<16xf32>
        %add3A_1391 = arith.addf %add3A_1315, %mul3A_1390 : vector<16xf32>
        %mul3A_1392 = arith.constant 16 : i32
        %mul3A_1393 = arith.muli %scan3A_224, %mul3A_1392 : i32
        %add3A_1394 = arith.constant 15 : i32
        %add3A_1395 = arith.addi %mul3A_1393, %add3A_1394 : i32
        %get3A_1396 = arith.constant 0 : i32
        %get3A_1397 = arith.index_cast %rem3A_214 : i32 to index
        %get3A_1398 = arith.index_cast %get3A_1396 : i32 to index
        %get3A_1399 = arith.index_cast %add3A_1395 : i32 to index
        %get3A_1400 = arith.constant 0 : index
        %get3A_1401 = tpu.vector_load %arg12[%get3A_1397, %get3A_1398, %get3A_1399, %get3A_1400] {strides = array<i32>} : memref<7x2x128x64xbf16, #tpu.memory_space<vmem>>, vector<32xbf16>,
        %unpack3A_1402 = tpu.unpack_subelements %get3A_1401, 0 {pack_format = #tpu.pack_format<interleaved>} : vector<32xbf16> -> vector<16xf32>
        %unpack3A_1403 = tpu.unpack_subelements %get3A_1401, 1 {pack_format = #tpu.pack_format<interleaved>} : vector<32xbf16> -> vector<16xf32>
        %get3A_1404 = arith.constant 0 : i32
        %get3A_1405 = arith.index_cast %rem3A_214 : i32 to index
        %get3A_1406 = arith.index_cast %get3A_1404 : i32 to index
        %get3A_1407 = arith.index_cast %add3A_1395 : i32 to index
        %get3A_1408 = arith.constant 32 : index
        %get3A_1409 = tpu.vector_load %arg12[%get3A_1405, %get3A_1406, %get3A_1407, %get3A_1408] {strides = array<i32>} : memref<7x2x128x64xbf16, #tpu.memory_space<vmem>>, vector<32xbf16>,
        %unpack3A_1410 = tpu.unpack_subelements %get3A_1409, 0 {pack_format = #tpu.pack_format<interleaved>} : vector<32xbf16> -> vector<16xf32>
        %unpack3A_1411 = tpu.unpack_subelements %get3A_1409, 1 {pack_format = #tpu.pack_format<interleaved>} : vector<32xbf16> -> vector<16xf32>
        %get3A_1412 = arith.constant 1 : i32
        %get3A_1413 = arith.index_cast %rem3A_214 : i32 to index
        %get3A_1414 = arith.index_cast %get3A_1412 : i32 to index
        %get3A_1415 = arith.index_cast %add3A_1395 : i32 to index
        %get3A_1416 = arith.constant 0 : index
        %get3A_1417 = tpu.vector_load %arg12[%get3A_1413, %get3A_1414, %get3A_1415, %get3A_1416] {strides = array<i32>} : memref<7x2x128x64xbf16, #tpu.memory_space<vmem>>, vector<32xbf16>,
        %unpack3A_1418 = tpu.unpack_subelements %get3A_1417, 0 {pack_format = #tpu.pack_format<interleaved>} : vector<32xbf16> -> vector<16xf32>
        %unpack3A_1419 = tpu.unpack_subelements %get3A_1417, 1 {pack_format = #tpu.pack_format<interleaved>} : vector<32xbf16> -> vector<16xf32>
        %get3A_1420 = arith.constant 1 : i32
        %get3A_1421 = arith.index_cast %rem3A_214 : i32 to index
        %get3A_1422 = arith.index_cast %get3A_1420 : i32 to index
        %get3A_1423 = arith.index_cast %add3A_1395 : i32 to index
        %get3A_1424 = arith.constant 32 : index
        %get3A_1425 = tpu.vector_load %arg12[%get3A_1421, %get3A_1422, %get3A_1423, %get3A_1424] {strides = array<i32>} : memref<7x2x128x64xbf16, #tpu.memory_space<vmem>>, vector<32xbf16>,
        %unpack3A_1426 = tpu.unpack_subelements %get3A_1425, 0 {pack_format = #tpu.pack_format<interleaved>} : vector<32xbf16> -> vector<16xf32>
        %unpack3A_1427 = tpu.unpack_subelements %get3A_1425, 1 {pack_format = #tpu.pack_format<interleaved>} : vector<32xbf16> -> vector<16xf32>
        %slice3A_1428 = vector.extract_strided_slice %get3A_230 {offsets = [15], sizes = [1], strides = [1]} : vector<16xf32> to vector<1xf32>
        %squeeze3A_1429 = vector.extract %slice3A_1428[0] : f32 from vector<1xf32>
        %mul3A_1430 = vector.broadcast %squeeze3A_1429 : f32 to vector<16xf32>
        %mul3A_1431 = arith.mulf %mul3A_1430, %unpack3A_1402 : vector<16xf32>
        %add3A_1432 = arith.addf %add3A_1356, %mul3A_1431 : vector<16xf32>
        %slice3A_1433 = vector.extract_strided_slice %get3A_230 {offsets = [15], sizes = [1], strides = [1]} : vector<16xf32> to vector<1xf32>
        %squeeze3A_1434 = vector.extract %slice3A_1433[0] : f32 from vector<1xf32>
        %mul3A_1435 = vector.broadcast %squeeze3A_1434 : f32 to vector<16xf32>
        %mul3A_1436 = arith.mulf %mul3A_1435, %unpack3A_1403 : vector<16xf32>
        %add3A_1437 = arith.addf %add3A_1361, %mul3A_1436 : vector<16xf32>
        %slice3A_1438 = vector.extract_strided_slice %get3A_237 {offsets = [15], sizes = [1], strides = [1]} : vector<16xf32> to vector<1xf32>
        %squeeze3A_1439 = vector.extract %slice3A_1438[0] : f32 from vector<1xf32>
        %mul3A_1440 = vector.broadcast %squeeze3A_1439 : f32 to vector<16xf32>
        %mul3A_1441 = arith.mulf %mul3A_1440, %unpack3A_1410 : vector<16xf32>
        %add3A_1442 = arith.addf %add3A_1366, %mul3A_1441 : vector<16xf32>
        %slice3A_1443 = vector.extract_strided_slice %get3A_237 {offsets = [15], sizes = [1], strides = [1]} : vector<16xf32> to vector<1xf32>
        %squeeze3A_1444 = vector.extract %slice3A_1443[0] : f32 from vector<1xf32>
        %mul3A_1445 = vector.broadcast %squeeze3A_1444 : f32 to vector<16xf32>
        %mul3A_1446 = arith.mulf %mul3A_1445, %unpack3A_1411 : vector<16xf32>
        %add3A_1447 = arith.addf %add3A_1371, %mul3A_1446 : vector<16xf32>
        %slice3A_1448 = vector.extract_strided_slice %get3A_244 {offsets = [15], sizes = [1], strides = [1]} : vector<16xf32> to vector<1xf32>
        %squeeze3A_1449 = vector.extract %slice3A_1448[0] : f32 from vector<1xf32>
        %mul3A_1450 = vector.broadcast %squeeze3A_1449 : f32 to vector<16xf32>
        %mul3A_1451 = arith.mulf %mul3A_1450, %unpack3A_1418 : vector<16xf32>
        %add3A_1452 = arith.addf %add3A_1376, %mul3A_1451 : vector<16xf32>
        %slice3A_1453 = vector.extract_strided_slice %get3A_244 {offsets = [15], sizes = [1], strides = [1]} : vector<16xf32> to vector<1xf32>
        %squeeze3A_1454 = vector.extract %slice3A_1453[0] : f32 from vector<1xf32>
        %mul3A_1455 = vector.broadcast %squeeze3A_1454 : f32 to vector<16xf32>
        %mul3A_1456 = arith.mulf %mul3A_1455, %unpack3A_1419 : vector<16xf32>
        %add3A_1457 = arith.addf %add3A_1381, %mul3A_1456 : vector<16xf32>
        %slice3A_1458 = vector.extract_strided_slice %get3A_251 {offsets = [15], sizes = [1], strides = [1]} : vector<16xf32> to vector<1xf32>
        %squeeze3A_1459 = vector.extract %slice3A_1458[0] : f32 from vector<1xf32>
        %mul3A_1460 = vector.broadcast %squeeze3A_1459 : f32 to vector<16xf32>
        %mul3A_1461 = arith.mulf %mul3A_1460, %unpack3A_1426 : vector<16xf32>
        %add3A_1462 = arith.addf %add3A_1386, %mul3A_1461 : vector<16xf32>
        %slice3A_1463 = vector.extract_strided_slice %get3A_251 {offsets = [15], sizes = [1], strides = [1]} : vector<16xf32> to vector<1xf32>
        %squeeze3A_1464 = vector.extract %slice3A_1463[0] : f32 from vector<1xf32>
        %mul3A_1465 = vector.broadcast %squeeze3A_1464 : f32 to vector<16xf32>
        %mul3A_1466 = arith.mulf %mul3A_1465, %unpack3A_1427 : vector<16xf32>
        %add3A_1467 = arith.addf %add3A_1391, %mul3A_1466 : vector<16xf32>
        %broadcast_in_dim3A_1468 = vector.broadcast %scan3A_186 : i32 to vector<16xi32>
        %mul3A_1469 = arith.constant 32 : i32
        %mul3A_1470 = arith.muli %scan3A_224, %mul3A_1469 : i32
        %add3A_1471 = vector.broadcast %mul3A_1470 : i32 to vector<16xi32>
        %add3A_1472 = arith.addi %add3A_1471, %mul3A_217 : vector<16xi32>
        %add3A_1473 = arith.addf %add3A_1432, %add3A_1442 : vector<16xf32>
        %add3A_1474 = arith.addf %add3A_1452, %add3A_1462 : vector<16xf32>
        %add3A_1475 = arith.addf %add3A_1473, %add3A_1474 : vector<16xf32>
        tpu.vector_store_idx %arg13[%broadcast_in_dim3A_1468, %add3A_1472], %add3A_1475 : memref<64x256xf32, #tpu.memory_space<vmem>>[vector<16xi32>, vector<16xi32>], vector<16xf32>,
        %add3A_1476 = arith.constant 1 : i32
        %add3A_1477 = vector.broadcast %add3A_1476 : i32 to vector<16xi32>
        %add3A_1478 = arith.addi %add3A_1472, %add3A_1477 : vector<16xi32>
        %add3A_1479 = arith.addf %add3A_1437, %add3A_1447 : vector<16xf32>
        %add3A_1480 = arith.addf %add3A_1457, %add3A_1467 : vector<16xf32>
        %add3A_1481 = arith.addf %add3A_1479, %add3A_1480 : vector<16xf32>
        tpu.vector_store_idx %arg13[%broadcast_in_dim3A_1468, %add3A_1478], %add3A_1481 : memref<64x256xf32, #tpu.memory_space<vmem>>[vector<16xi32>, vector<16xi32>], vector<16xf32>,
      }
      %scan3A_223 = arith.constant 8 : i32
    }
    %scan3A_184 = arith.constant 64 : i32
    "tpu.region"() ({
      %run_scoped3A_186 = tpu.sem_alloc : memref<!tpu.dma_semaphore, #tpu.memory_space<semaphore_mem>>
      %dma_start3A_187 = arith.constant 0 : i32
      %dma_start3A_188 = tpu.memref_slice %arg9[%multiple_of3A, %dma_start3A_187] : memref<2048x256xf32, #tpu.memory_space<hbm>> -> memref<64x256xf32, #tpu.memory_space<hbm>>
      %dma_start3A_189 = arith.constant 0 : i32
      %dma_start3A_190 = tpu.memref_slice %arg9[%multiple_of3A, %dma_start3A_189] : memref<2048x256xf32, #tpu.memory_space<hbm>> -> memref<64x256xf32, #tpu.memory_space<hbm>>
      tpu.enqueue_dma source(%arg13 : memref<64x256xf32, #tpu.memory_space<vmem>>) target(%dma_start3A_190 : memref<64x256xf32, #tpu.memory_space<hbm>>) target_semaphore(%run_scoped3A_186 : memref<!tpu.dma_semaphore, #tpu.memory_space<semaphore_mem>>)
      %dma_wait3A = arith.constant 0 : i32
      %dma_wait3A_191 = tpu.memref_slice %arg9[%multiple_of3A, %dma_wait3A] : memref<2048x256xf32, #tpu.memory_space<hbm>> -> memref<64x256xf32, #tpu.memory_space<hbm>>
      %dma_wait3A_192 = arith.constant 0 : i32
      %dma_wait3A_193 = tpu.memref_slice %arg9[%multiple_of3A, %dma_wait3A_192] : memref<2048x256xf32, #tpu.memory_space<hbm>> -> memref<64x256xf32, #tpu.memory_space<hbm>>
      tpu.wait_dma2 semaphore(%run_scoped3A_186 : memref<!tpu.dma_semaphore, #tpu.memory_space<semaphore_mem>>) src(%arg13 : memref<64x256xf32, #tpu.memory_space<vmem>>) dst(%dma_wait3A_193 : memref<64x256xf32, #tpu.memory_space<hbm>>)
      tpu.yield
    }) : () -> ()
    %scan3A_185 = arith.constant 1 : i32
    return
  }
}

module attributes {stable_mosaic.version = 14 : i64} {
  func.func @_valpair_body(%arg0: i32, %arg1: i32, %arg2: memref<1x1088x256xf32, #tpu.memory_space<vmem>>, %arg3: memref<1x1088x256xf32, #tpu.memory_space<vmem>>, %arg4: memref<256x256xf32, #tpu.memory_space<vmem>>, %arg5: memref<1x256xf32, #tpu.memory_space<vmem>>, %arg6: memref<1x8x1088x64xbf16, #tpu.memory_space<vmem>>) attributes {dimension_semantics = [#tpu.dimension_semantics<arbitrary>, #tpu.dimension_semantics<arbitrary>], iteration_bounds = array<i64: 2, 5>, scalar_prefetch = 0 : i64, scratch_operands = 0 : i64, tpu.core_type = #tpu.core_type<tc>, window_params = [{transform_indices = @transform_0, window_bounds = array<i64: 1, 1088, 256>}, {transform_indices = @transform_1, window_bounds = array<i64: 1, 1088, 256>}, {pipeline_mode = #tpu.pipeline_mode<synchronous>, transform_indices = @transform_2, window_bounds = array<i64: 256, 256>}, {pipeline_mode = #tpu.pipeline_mode<synchronous>, transform_indices = @transform_3, window_bounds = array<i64: 1, 256>}, {transform_indices = @transform_4, window_bounds = array<i64: 1, 8, 1088, 64>}]} {
    %get3A = arith.constant 0 : index
    %get3A_0 = arith.constant 0 : index
    %get3A_1 = arith.constant 0 : index
    %get3A_2 = vector.load %arg2[%get3A, %get3A_0, %get3A_1] : memref<1x1088x256xf32, #tpu.memory_space<vmem>>, vector<1x1088x256xf32>
    %get3A_3 = vector.shape_cast %get3A_2 : vector<1x1088x256xf32> to vector<1088x256xf32>
    %get3A_4 = arith.constant 0 : index
    %get3A_5 = arith.constant 0 : index
    %get3A_6 = vector.load %arg4[%get3A_4, %get3A_5] : memref<256x256xf32, #tpu.memory_space<vmem>>, vector<256x256xf32>
    %dot_general3A = arith.constant dense<0.000000e+00> : vector<1088x256xf32>
    %dot_general3A_7 = tpu.matmul %get3A_3, %get3A_6, %dot_general3A {dimension_numbers = #tpu.dot_dimension_numbers<[1], [0], [0], [1], [0, 0, 1, 1], [], []>, precision = #tpu.contract_precision<fp32>, transpose_lhs_hint = false} : vector<1088x256xf32>, vector<256x256xf32>, vector<1088x256xf32> -> vector<1088x256xf32>
    %get3A_8 = arith.constant 0 : index
    %get3A_9 = arith.constant 0 : index
    %get3A_10 = vector.load %arg5[%get3A_8, %get3A_9] : memref<1x256xf32, #tpu.memory_space<vmem>>, vector<1x256xf32>
    %add3A = vector.broadcast %get3A_10 : vector<1x256xf32> to vector<1088x256xf32>
    %add3A_11 = arith.addf %dot_general3A_7, %add3A : vector<1088x256xf32>
    %get3A_12 = arith.constant 0 : index
    %get3A_13 = arith.constant 0 : index
    %get3A_14 = arith.constant 0 : index
    %get3A_15 = vector.load %arg3[%get3A_12, %get3A_13, %get3A_14] : memref<1x1088x256xf32, #tpu.memory_space<vmem>>, vector<1x1x256xf32>
    %get3A_16 = vector.shape_cast %get3A_15 : vector<1x1x256xf32> to vector<1x256xf32>
    %get3A_17 = arith.constant 0 : index
    %get3A_18 = arith.constant 0 : index
    %get3A_19 = vector.load %arg4[%get3A_17, %get3A_18] : memref<256x256xf32, #tpu.memory_space<vmem>>, vector<256x256xf32>
    %dot_general3A_20 = arith.constant dense<0.000000e+00> : vector<1x256xf32>
    %dot_general3A_21 = tpu.matmul %get3A_16, %get3A_19, %dot_general3A_20 {dimension_numbers = #tpu.dot_dimension_numbers<[1], [0], [0], [1], [0, 0, 1, 1], [], []>, precision = #tpu.contract_precision<fp32>, transpose_lhs_hint = false} : vector<1x256xf32>, vector<256x256xf32>, vector<1x256xf32> -> vector<1x256xf32>
    %get3A_22 = arith.constant 0 : index
    %get3A_23 = arith.constant 0 : index
    %get3A_24 = vector.load %arg5[%get3A_22, %get3A_23] : memref<1x256xf32, #tpu.memory_space<vmem>>, vector<1x256xf32>
    %add3A_25 = arith.addf %dot_general3A_21, %get3A_24 : vector<1x256xf32>
    %slice3A = vector.extract_strided_slice %add3A_11 {offsets = [1, 0], sizes = [1087, 256], strides = [1, 1]} : vector<1088x256xf32> to vector<1087x256xf32>
    %concatenate3A = tpu.concatenate %slice3A, %add3A_25 in 0 : vector<1087x256xf32>, vector<1x256xf32> -> vector<1088x256xf32>
    %slice3A_26 = vector.extract_strided_slice %add3A_11 {offsets = [0, 0], sizes = [1088, 32], strides = [1, 1]} : vector<1088x256xf32> to vector<1088x32xf32>
    %slice3A_27 = vector.extract_strided_slice %concatenate3A {offsets = [0, 0], sizes = [1088, 32], strides = [1, 1]} : vector<1088x256xf32> to vector<1088x32xf32>
    %concatenate3A_28 = tpu.concatenate %slice3A_26, %slice3A_27 in 1 : vector<1088x32xf32>, vector<1088x32xf32> -> vector<1088x64xf32>
    %convert_element_type3A = arith.truncf %concatenate3A_28 : vector<1088x64xf32> to vector<1088x64xbf16>
    %swap3A = arith.constant 0 : index
    %swap3A_29 = arith.constant 0 : index
    %swap3A_30 = arith.constant 0 : index
    %swap3A_31 = arith.constant 0 : index
    %swap3A_32 = vector.load %arg6[%swap3A, %swap3A_29, %swap3A_30, %swap3A_31] : memref<1x8x1088x64xbf16, #tpu.memory_space<vmem>>, vector<1x1x1088x64xbf16>
    %swap3A_33 = vector.shape_cast %swap3A_32 : vector<1x1x1088x64xbf16> to vector<1088x64xbf16>
    %swap3A_34 = vector.shape_cast %convert_element_type3A : vector<1088x64xbf16> to vector<1x1x1088x64xbf16>
    tpu.vector_store %arg6[%swap3A, %swap3A_29, %swap3A_30, %swap3A_31], %swap3A_34 {strides = array<i32>} : memref<1x8x1088x64xbf16, #tpu.memory_space<vmem>>, vector<1x1x1088x64xbf16>,
    %slice3A_35 = vector.extract_strided_slice %add3A_11 {offsets = [0, 32], sizes = [1088, 32], strides = [1, 1]} : vector<1088x256xf32> to vector<1088x32xf32>
    %slice3A_36 = vector.extract_strided_slice %concatenate3A {offsets = [0, 32], sizes = [1088, 32], strides = [1, 1]} : vector<1088x256xf32> to vector<1088x32xf32>
    %concatenate3A_37 = tpu.concatenate %slice3A_35, %slice3A_36 in 1 : vector<1088x32xf32>, vector<1088x32xf32> -> vector<1088x64xf32>
    %convert_element_type3A_38 = arith.truncf %concatenate3A_37 : vector<1088x64xf32> to vector<1088x64xbf16>
    %swap3A_39 = arith.constant 0 : index
    %swap3A_40 = arith.constant 1 : index
    %swap3A_41 = arith.constant 0 : index
    %swap3A_42 = arith.constant 0 : index
    %swap3A_43 = vector.load %arg6[%swap3A_39, %swap3A_40, %swap3A_41, %swap3A_42] : memref<1x8x1088x64xbf16, #tpu.memory_space<vmem>>, vector<1x1x1088x64xbf16>
    %swap3A_44 = vector.shape_cast %swap3A_43 : vector<1x1x1088x64xbf16> to vector<1088x64xbf16>
    %swap3A_45 = vector.shape_cast %convert_element_type3A_38 : vector<1088x64xbf16> to vector<1x1x1088x64xbf16>
    tpu.vector_store %arg6[%swap3A_39, %swap3A_40, %swap3A_41, %swap3A_42], %swap3A_45 {strides = array<i32>} : memref<1x8x1088x64xbf16, #tpu.memory_space<vmem>>, vector<1x1x1088x64xbf16>,
    %slice3A_46 = vector.extract_strided_slice %add3A_11 {offsets = [0, 64], sizes = [1088, 32], strides = [1, 1]} : vector<1088x256xf32> to vector<1088x32xf32>
    %slice3A_47 = vector.extract_strided_slice %concatenate3A {offsets = [0, 64], sizes = [1088, 32], strides = [1, 1]} : vector<1088x256xf32> to vector<1088x32xf32>
    %concatenate3A_48 = tpu.concatenate %slice3A_46, %slice3A_47 in 1 : vector<1088x32xf32>, vector<1088x32xf32> -> vector<1088x64xf32>
    %convert_element_type3A_49 = arith.truncf %concatenate3A_48 : vector<1088x64xf32> to vector<1088x64xbf16>
    %swap3A_50 = arith.constant 0 : index
    %swap3A_51 = arith.constant 2 : index
    %swap3A_52 = arith.constant 0 : index
    %swap3A_53 = arith.constant 0 : index
    %swap3A_54 = vector.load %arg6[%swap3A_50, %swap3A_51, %swap3A_52, %swap3A_53] : memref<1x8x1088x64xbf16, #tpu.memory_space<vmem>>, vector<1x1x1088x64xbf16>
    %swap3A_55 = vector.shape_cast %swap3A_54 : vector<1x1x1088x64xbf16> to vector<1088x64xbf16>
    %swap3A_56 = vector.shape_cast %convert_element_type3A_49 : vector<1088x64xbf16> to vector<1x1x1088x64xbf16>
    tpu.vector_store %arg6[%swap3A_50, %swap3A_51, %swap3A_52, %swap3A_53], %swap3A_56 {strides = array<i32>} : memref<1x8x1088x64xbf16, #tpu.memory_space<vmem>>, vector<1x1x1088x64xbf16>,
    %slice3A_57 = vector.extract_strided_slice %add3A_11 {offsets = [0, 96], sizes = [1088, 32], strides = [1, 1]} : vector<1088x256xf32> to vector<1088x32xf32>
    %slice3A_58 = vector.extract_strided_slice %concatenate3A {offsets = [0, 96], sizes = [1088, 32], strides = [1, 1]} : vector<1088x256xf32> to vector<1088x32xf32>
    %concatenate3A_59 = tpu.concatenate %slice3A_57, %slice3A_58 in 1 : vector<1088x32xf32>, vector<1088x32xf32> -> vector<1088x64xf32>
    %convert_element_type3A_60 = arith.truncf %concatenate3A_59 : vector<1088x64xf32> to vector<1088x64xbf16>
    %swap3A_61 = arith.constant 0 : index
    %swap3A_62 = arith.constant 3 : index
    %swap3A_63 = arith.constant 0 : index
    %swap3A_64 = arith.constant 0 : index
    %swap3A_65 = vector.load %arg6[%swap3A_61, %swap3A_62, %swap3A_63, %swap3A_64] : memref<1x8x1088x64xbf16, #tpu.memory_space<vmem>>, vector<1x1x1088x64xbf16>
    %swap3A_66 = vector.shape_cast %swap3A_65 : vector<1x1x1088x64xbf16> to vector<1088x64xbf16>
    %swap3A_67 = vector.shape_cast %convert_element_type3A_60 : vector<1088x64xbf16> to vector<1x1x1088x64xbf16>
    tpu.vector_store %arg6[%swap3A_61, %swap3A_62, %swap3A_63, %swap3A_64], %swap3A_67 {strides = array<i32>} : memref<1x8x1088x64xbf16, #tpu.memory_space<vmem>>, vector<1x1x1088x64xbf16>,
    %slice3A_68 = vector.extract_strided_slice %add3A_11 {offsets = [0, 128], sizes = [1088, 32], strides = [1, 1]} : vector<1088x256xf32> to vector<1088x32xf32>
    %slice3A_69 = vector.extract_strided_slice %concatenate3A {offsets = [0, 128], sizes = [1088, 32], strides = [1, 1]} : vector<1088x256xf32> to vector<1088x32xf32>
    %concatenate3A_70 = tpu.concatenate %slice3A_68, %slice3A_69 in 1 : vector<1088x32xf32>, vector<1088x32xf32> -> vector<1088x64xf32>
    %convert_element_type3A_71 = arith.truncf %concatenate3A_70 : vector<1088x64xf32> to vector<1088x64xbf16>
    %swap3A_72 = arith.constant 0 : index
    %swap3A_73 = arith.constant 4 : index
    %swap3A_74 = arith.constant 0 : index
    %swap3A_75 = arith.constant 0 : index
    %swap3A_76 = vector.load %arg6[%swap3A_72, %swap3A_73, %swap3A_74, %swap3A_75] : memref<1x8x1088x64xbf16, #tpu.memory_space<vmem>>, vector<1x1x1088x64xbf16>
    %swap3A_77 = vector.shape_cast %swap3A_76 : vector<1x1x1088x64xbf16> to vector<1088x64xbf16>
    %swap3A_78 = vector.shape_cast %convert_element_type3A_71 : vector<1088x64xbf16> to vector<1x1x1088x64xbf16>
    tpu.vector_store %arg6[%swap3A_72, %swap3A_73, %swap3A_74, %swap3A_75], %swap3A_78 {strides = array<i32>} : memref<1x8x1088x64xbf16, #tpu.memory_space<vmem>>, vector<1x1x1088x64xbf16>,
    %slice3A_79 = vector.extract_strided_slice %add3A_11 {offsets = [0, 160], sizes = [1088, 32], strides = [1, 1]} : vector<1088x256xf32> to vector<1088x32xf32>
    %slice3A_80 = vector.extract_strided_slice %concatenate3A {offsets = [0, 160], sizes = [1088, 32], strides = [1, 1]} : vector<1088x256xf32> to vector<1088x32xf32>
    %concatenate3A_81 = tpu.concatenate %slice3A_79, %slice3A_80 in 1 : vector<1088x32xf32>, vector<1088x32xf32> -> vector<1088x64xf32>
    %convert_element_type3A_82 = arith.truncf %concatenate3A_81 : vector<1088x64xf32> to vector<1088x64xbf16>
    %swap3A_83 = arith.constant 0 : index
    %swap3A_84 = arith.constant 5 : index
    %swap3A_85 = arith.constant 0 : index
    %swap3A_86 = arith.constant 0 : index
    %swap3A_87 = vector.load %arg6[%swap3A_83, %swap3A_84, %swap3A_85, %swap3A_86] : memref<1x8x1088x64xbf16, #tpu.memory_space<vmem>>, vector<1x1x1088x64xbf16>
    %swap3A_88 = vector.shape_cast %swap3A_87 : vector<1x1x1088x64xbf16> to vector<1088x64xbf16>
    %swap3A_89 = vector.shape_cast %convert_element_type3A_82 : vector<1088x64xbf16> to vector<1x1x1088x64xbf16>
    tpu.vector_store %arg6[%swap3A_83, %swap3A_84, %swap3A_85, %swap3A_86], %swap3A_89 {strides = array<i32>} : memref<1x8x1088x64xbf16, #tpu.memory_space<vmem>>, vector<1x1x1088x64xbf16>,
    %slice3A_90 = vector.extract_strided_slice %add3A_11 {offsets = [0, 192], sizes = [1088, 32], strides = [1, 1]} : vector<1088x256xf32> to vector<1088x32xf32>
    %slice3A_91 = vector.extract_strided_slice %concatenate3A {offsets = [0, 192], sizes = [1088, 32], strides = [1, 1]} : vector<1088x256xf32> to vector<1088x32xf32>
    %concatenate3A_92 = tpu.concatenate %slice3A_90, %slice3A_91 in 1 : vector<1088x32xf32>, vector<1088x32xf32> -> vector<1088x64xf32>
    %convert_element_type3A_93 = arith.truncf %concatenate3A_92 : vector<1088x64xf32> to vector<1088x64xbf16>
    %swap3A_94 = arith.constant 0 : index
    %swap3A_95 = arith.constant 6 : index
    %swap3A_96 = arith.constant 0 : index
    %swap3A_97 = arith.constant 0 : index
    %swap3A_98 = vector.load %arg6[%swap3A_94, %swap3A_95, %swap3A_96, %swap3A_97] : memref<1x8x1088x64xbf16, #tpu.memory_space<vmem>>, vector<1x1x1088x64xbf16>
    %swap3A_99 = vector.shape_cast %swap3A_98 : vector<1x1x1088x64xbf16> to vector<1088x64xbf16>
    %swap3A_100 = vector.shape_cast %convert_element_type3A_93 : vector<1088x64xbf16> to vector<1x1x1088x64xbf16>
    tpu.vector_store %arg6[%swap3A_94, %swap3A_95, %swap3A_96, %swap3A_97], %swap3A_100 {strides = array<i32>} : memref<1x8x1088x64xbf16, #tpu.memory_space<vmem>>, vector<1x1x1088x64xbf16>,
    %slice3A_101 = vector.extract_strided_slice %add3A_11 {offsets = [0, 224], sizes = [1088, 32], strides = [1, 1]} : vector<1088x256xf32> to vector<1088x32xf32>
    %slice3A_102 = vector.extract_strided_slice %concatenate3A {offsets = [0, 224], sizes = [1088, 32], strides = [1, 1]} : vector<1088x256xf32> to vector<1088x32xf32>
    %concatenate3A_103 = tpu.concatenate %slice3A_101, %slice3A_102 in 1 : vector<1088x32xf32>, vector<1088x32xf32> -> vector<1088x64xf32>
    %convert_element_type3A_104 = arith.truncf %concatenate3A_103 : vector<1088x64xf32> to vector<1088x64xbf16>
    %swap3A_105 = arith.constant 0 : index
    %swap3A_106 = arith.constant 7 : index
    %swap3A_107 = arith.constant 0 : index
    %swap3A_108 = arith.constant 0 : index
    %swap3A_109 = vector.load %arg6[%swap3A_105, %swap3A_106, %swap3A_107, %swap3A_108] : memref<1x8x1088x64xbf16, #tpu.memory_space<vmem>>, vector<1x1x1088x64xbf16>
    %swap3A_110 = vector.shape_cast %swap3A_109 : vector<1x1x1088x64xbf16> to vector<1088x64xbf16>
    %swap3A_111 = vector.shape_cast %convert_element_type3A_104 : vector<1088x64xbf16> to vector<1x1x1088x64xbf16>
    tpu.vector_store %arg6[%swap3A_105, %swap3A_106, %swap3A_107, %swap3A_108], %swap3A_111 {strides = array<i32>} : memref<1x8x1088x64xbf16, #tpu.memory_space<vmem>>, vector<1x1x1088x64xbf16>,
    return
  }
  func.func @transform_0(%arg0: i32, %arg1: i32) -> (i32, i32, i32) {
    %c0_i32 = arith.constant 0 : i32
    %c0_i32_0 = arith.constant 0 : i32
    return %arg0, %arg1, %c0_i32 : i32, i32, i32
  }
  func.func @transform_1(%arg0: i32, %arg1: i32) -> (i32, i32, i32) {
    %add3A = arith.constant 1 : i32
    %add3A_0 = arith.addi %arg1, %add3A : i32
    %min3A = arith.constant 4 : i32
    %min3A_1 = arith.minsi %add3A_0, %min3A : i32
    %c0_i32 = arith.constant 0 : i32
    %c0_i32_2 = arith.constant 0 : i32
    return %arg0, %min3A_1, %c0_i32 : i32, i32, i32
  }
  func.func @transform_2(%arg0: i32, %arg1: i32) -> (i32, i32) {
    %c0_i32 = arith.constant 0 : i32
    %c0_i32_0 = arith.constant 0 : i32
    %c0_i32_1 = arith.constant 0 : i32
    return %c0_i32, %c0_i32_0 : i32, i32
  }
  func.func @transform_3(%arg0: i32, %arg1: i32) -> (i32, i32) {
    %c0_i32 = arith.constant 0 : i32
    %c0_i32_0 = arith.constant 0 : i32
    %c0_i32_1 = arith.constant 0 : i32
    return %c0_i32, %c0_i32_0 : i32, i32
  }
  func.func @transform_4(%arg0: i32, %arg1: i32) -> (i32, i32, i32, i32) {
    %c0_i32 = arith.constant 0 : i32
    %c0_i32_0 = arith.constant 0 : i32
    %c0_i32_1 = arith.constant 0 : i32
    return %arg0, %c0_i32, %arg1, %c0_i32_0 : i32, i32, i32, i32
  }
}

module attributes {stable_mosaic.version = 14 : i64} {
  func.func @_prep_body(%arg0: i32, %arg1: memref<256x256xf32, #tpu.memory_space<vmem>>, %arg2: memref<256x4xf32, #tpu.memory_space<vmem>>, %arg3: memref<256x4xf32, #tpu.memory_space<vmem>>, %arg4: memref<256x64xf32, #tpu.memory_space<vmem>>, %arg5: memref<1x64xf32, #tpu.memory_space<vmem>>, %arg6: memref<1x64xf32, #tpu.memory_space<vmem>>, %arg7: memref<1x1xf32, #tpu.memory_space<vmem>>, %arg8: memref<256x128xf32, #tpu.memory_space<vmem>>, %arg9: memref<256x128xf32, #tpu.memory_space<vmem>>, %arg10: memref<1x128xf32, #tpu.memory_space<vmem>>, %arg11: memref<1x128xf32, #tpu.memory_space<vmem>>, %arg12: memref<256x128xf32, #tpu.memory_space<vmem>>, %arg13: memref<1x128xf32, #tpu.memory_space<vmem>>, %arg14: memref<2x128xf32, #tpu.memory_space<vmem>>, %arg15: memref<4x128xi32, #tpu.memory_space<vmem>>, %arg16: memref<4x128xf32, #tpu.memory_space<vmem>>, %arg17: memref<128x128xf32, #tpu.memory_space<vmem>>, %arg18: memref<256x1xf32, #tpu.memory_space<vmem>>, %arg19: memref<256x128xi32, #tpu.memory_space<vmem>>, %arg20: memref<256x128xi32, #tpu.memory_space<vmem>>, %arg21: memref<256x128xf32, #tpu.memory_space<vmem>>, %arg22: memref<256x128xf32, #tpu.memory_space<vmem>>, %arg23: memref<256x128xf32, #tpu.memory_space<vmem>>, %arg24: memref<256x128xf32, #tpu.memory_space<vmem>>) attributes {dimension_semantics = [#tpu.dimension_semantics<arbitrary>], iteration_bounds = array<i64: 8>, scalar_prefetch = 0 : i64, scratch_operands = 0 : i64, tpu.core_type = #tpu.core_type<tc>, window_params = [{transform_indices = @transform_0, window_bounds = array<i64: 256, 256>}, {transform_indices = @transform_1, window_bounds = array<i64: 256, 4>}, {transform_indices = @transform_2, window_bounds = array<i64: 256, 4>}, {pipeline_mode = #tpu.pipeline_mode<synchronous>, transform_indices = @transform_3, window_bounds = array<i64: 256, 64>}, {pipeline_mode = #tpu.pipeline_mode<synchronous>, transform_indices = @transform_4, window_bounds = array<i64: 1, 64>}, {pipeline_mode = #tpu.pipeline_mode<synchronous>, transform_indices = @transform_5, window_bounds = array<i64: 1, 64>}, {pipeline_mode = #tpu.pipeline_mode<synchronous>, transform_indices = @transform_6, window_bounds = array<i64: 1, 1>}, {pipeline_mode = #tpu.pipeline_mode<synchronous>, transform_indices = @transform_7, window_bounds = array<i64: 256, 128>}, {pipeline_mode = #tpu.pipeline_mode<synchronous>, transform_indices = @transform_8, window_bounds = array<i64: 256, 128>}, {pipeline_mode = #tpu.pipeline_mode<synchronous>, transform_indices = @transform_9, window_bounds = array<i64: 1, 128>}, {pipeline_mode = #tpu.pipeline_mode<synchronous>, transform_indices = @transform_10, window_bounds = array<i64: 1, 128>}, {pipeline_mode = #tpu.pipeline_mode<synchronous>, transform_indices = @transform_11, window_bounds = array<i64: 256, 128>}, {pipeline_mode = #tpu.pipeline_mode<synchronous>, transform_indices = @transform_12, window_bounds = array<i64: 1, 128>}, {pipeline_mode = #tpu.pipeline_mode<synchronous>, transform_indices = @transform_13, window_bounds = array<i64: 2, 128>}, {pipeline_mode = #tpu.pipeline_mode<synchronous>, transform_indices = @transform_14, window_bounds = array<i64: 4, 128>}, {pipeline_mode = #tpu.pipeline_mode<synchronous>, transform_indices = @transform_15, window_bounds = array<i64: 4, 128>}, {pipeline_mode = #tpu.pipeline_mode<synchronous>, transform_indices = @transform_16, window_bounds = array<i64: 128, 128>}, {transform_indices = @transform_17, window_bounds = array<i64: 256, 1>}, {transform_indices = @transform_18, window_bounds = array<i64: 256, 128>}, {transform_indices = @transform_19, window_bounds = array<i64: 256, 128>}, {transform_indices = @transform_20, window_bounds = array<i64: 256, 128>}, {transform_indices = @transform_21, window_bounds = array<i64: 256, 128>}, {transform_indices = @transform_22, window_bounds = array<i64: 256, 128>}, {transform_indices = @transform_23, window_bounds = array<i64: 256, 128>}]} {
    %jit3A = arith.constant 4 : i32
    %div3A = arith.divsi %arg0, %jit3A : i32
    %sign3A = arith.constant 0 : i32
    %sign3A_0 = arith.cmpi sgt, %arg0, %sign3A : i32
    %sign3A_1 = arith.extui %sign3A_0 : i1 to i32
    %sign3A_2 = arith.constant 0 : i32
    %sign3A_3 = arith.cmpi slt, %arg0, %sign3A_2 : i32
    %sign3A_4 = arith.extui %sign3A_3 : i1 to i32
    %sign3A_5 = arith.subi %sign3A_1, %sign3A_4 : i32
    %sign3A_6 = arith.constant 0 : i32
    %sign3A_7 = arith.cmpi sgt, %jit3A, %sign3A_6 : i32
    %sign3A_8 = arith.extui %sign3A_7 : i1 to i32
    %sign3A_9 = arith.constant 0 : i32
    %sign3A_10 = arith.cmpi slt, %jit3A, %sign3A_9 : i32
    %sign3A_11 = arith.extui %sign3A_10 : i1 to i32
    %sign3A_12 = arith.subi %sign3A_8, %sign3A_11 : i32
    %ne3A = arith.cmpi ne, %sign3A_5, %sign3A_12 : i32
    %rem3A = arith.remsi %arg0, %jit3A : i32
    %ne3A_13 = arith.constant 0 : i32
    %ne3A_14 = arith.cmpi ne, %rem3A, %ne3A_13 : i32
    %and3A = arith.andi %ne3A, %ne3A_14 : i1
    %sub3A = arith.constant 1 : i32
    %sub3A_15 = arith.subi %div3A, %sub3A : i32
    %select_n3A = arith.select %and3A, %sub3A_15, %div3A : i32
    %get3A = arith.constant 0 : index
    %get3A_16 = arith.constant 0 : index
    %get3A_17 = vector.load %arg1[%get3A, %get3A_16] : memref<256x256xf32, #tpu.memory_space<vmem>>, vector<256x256xf32>
    %get3A_18 = arith.constant 0 : index
    %get3A_19 = arith.constant 0 : index
    %get3A_20 = vector.load %arg4[%get3A_18, %get3A_19] : memref<256x64xf32, #tpu.memory_space<vmem>>, vector<256x64xf32>
    %dot_general3A = arith.constant dense<0.000000e+00> : vector<256x64xf32>
    %dot_general3A_21 = tpu.matmul %get3A_17, %get3A_20, %dot_general3A {dimension_numbers = #tpu.dot_dimension_numbers<[1], [0], [0], [1], [0, 0, 1, 1], [], []>, precision = #tpu.contract_precision<fp32>, transpose_lhs_hint = false} : vector<256x256xf32>, vector<256x64xf32>, vector<256x64xf32> -> vector<256x64xf32>
    %get3A_22 = arith.constant 0 : index
    %get3A_23 = arith.constant 0 : index
    %get3A_24 = vector.load %arg5[%get3A_22, %get3A_23] : memref<1x64xf32, #tpu.memory_space<vmem>>, vector<1x64xf32>
    %add3A = vector.broadcast %get3A_24 : vector<1x64xf32> to vector<256x64xf32>
    %add3A_25 = arith.addf %dot_general3A_21, %add3A : vector<256x64xf32>
    %max3A = arith.constant 0.000000e+00 : f32
    %max3A_26 = vector.broadcast %max3A : f32 to vector<256x64xf32>
    %max3A_27 = arith.maximumf %add3A_25, %max3A_26 : vector<256x64xf32>
    %get3A_28 = arith.constant 0 : index
    %get3A_29 = arith.constant 0 : index
    %get3A_30 = vector.load %arg6[%get3A_28, %get3A_29] : memref<1x64xf32, #tpu.memory_space<vmem>>, vector<1x64xf32>
    %mul3A = vector.broadcast %get3A_30 : vector<1x64xf32> to vector<256x64xf32>
    %mul3A_31 = arith.mulf %max3A_27, %mul3A : vector<256x64xf32>
    %reduce_sum3A = arith.constant dense<0.000000e+00> : vector<256xf32>
    %reduce_sum3A_32 = vector.multi_reduction <add>, %mul3A_31, %reduce_sum3A [1] : vector<256x64xf32> to vector<256xf32>
    %broadcast_in_dim3A = vector.shape_cast %reduce_sum3A_32 : vector<256xf32> to vector<256x1xf32>
    %get3A_33 = arith.constant 0 : index
    %get3A_34 = arith.constant 0 : index
    %get3A_35 = vector.load %arg7[%get3A_33, %get3A_34] : memref<1x1xf32, #tpu.memory_space<vmem>>, vector<1x1xf32>
    %add3A_36 = vector.broadcast %get3A_35 : vector<1x1xf32> to vector<256x1xf32>
    %add3A_37 = arith.addf %broadcast_in_dim3A, %add3A_36 : vector<256x1xf32>
    %neg3A = arith.constant 0.000000e+00 : f32
    %neg3A_38 = vector.broadcast %neg3A : f32 to vector<256x1xf32>
    %neg3A_39 = arith.subf %neg3A_38, %add3A_37 : vector<256x1xf32>
    %exp3A = math.exp %neg3A_39 : vector<256x1xf32>
    %add3A_40 = arith.constant 1.000000e+00 : f32
    %add3A_41 = vector.broadcast %add3A_40 : f32 to vector<256x1xf32>
    %add3A_42 = arith.addf %add3A_41, %exp3A : vector<256x1xf32>
    %div3A_43 = arith.constant 1.000000e+00 : f32
    %div3A_44 = vector.broadcast %div3A_43 : f32 to vector<256x1xf32>
    %div3A_45 = arith.divf %div3A_44, %add3A_42 : vector<256x1xf32>
    %swap3A = arith.constant 0 : index
    %swap3A_46 = arith.constant 0 : index
    %swap3A_47 = vector.load %arg18[%swap3A, %swap3A_46] : memref<256x1xf32, #tpu.memory_space<vmem>>, vector<256x1xf32>
    tpu.vector_store %arg18[%swap3A, %swap3A_46], %div3A_45 {strides = array<i32>} : memref<256x1xf32, #tpu.memory_space<vmem>>, vector<256x1xf32>,
    %mul3A_48 = arith.constant 5.000000e-01 : f32
    %mul3A_49 = vector.broadcast %mul3A_48 : f32 to vector<256x1xf32>
    %mul3A_50 = arith.mulf %div3A_45, %mul3A_49 : vector<256x1xf32>
    %get3A_51 = arith.constant 0 : index
    %get3A_52 = arith.constant 0 : index
    %get3A_53 = vector.load %arg8[%get3A_51, %get3A_52] : memref<256x128xf32, #tpu.memory_space<vmem>>, vector<256x128xf32>
    %dot_general3A_54 = arith.constant dense<0.000000e+00> : vector<256x128xf32>
    %dot_general3A_55 = tpu.matmul %get3A_17, %get3A_53, %dot_general3A_54 {dimension_numbers = #tpu.dot_dimension_numbers<[1], [0], [0], [1], [0, 0, 1, 1], [], []>, precision = #tpu.contract_precision<fp32>, transpose_lhs_hint = false} : vector<256x256xf32>, vector<256x128xf32>, vector<256x128xf32> -> vector<256x128xf32>
    %get3A_56 = arith.constant 0 : index
    %get3A_57 = arith.constant 0 : index
    %get3A_58 = vector.load %arg10[%get3A_56, %get3A_57] : memref<1x128xf32, #tpu.memory_space<vmem>>, vector<1x128xf32>
    %add3A_59 = vector.broadcast %get3A_58 : vector<1x128xf32> to vector<256x128xf32>
    %add3A_60 = arith.addf %dot_general3A_55, %add3A_59 : vector<256x128xf32>
    %tanh3A = math.tanh %add3A_60 : vector<256x128xf32>
    %mul3A_61 = vector.broadcast %mul3A_50 : vector<256x1xf32> to vector<256x128xf32>
    %mul3A_62 = arith.mulf %tanh3A, %mul3A_61 : vector<256x128xf32>
    %get3A_63 = arith.constant 0 : index
    %get3A_64 = arith.constant 0 : index
    %get3A_65 = vector.load %arg9[%get3A_63, %get3A_64] : memref<256x128xf32, #tpu.memory_space<vmem>>, vector<256x128xf32>
    %dot_general3A_66 = arith.constant dense<0.000000e+00> : vector<256x128xf32>
    %dot_general3A_67 = tpu.matmul %get3A_17, %get3A_65, %dot_general3A_66 {dimension_numbers = #tpu.dot_dimension_numbers<[1], [0], [0], [1], [0, 0, 1, 1], [], []>, precision = #tpu.contract_precision<fp32>, transpose_lhs_hint = false} : vector<256x256xf32>, vector<256x128xf32>, vector<256x128xf32> -> vector<256x128xf32>
    %get3A_68 = arith.constant 0 : index
    %get3A_69 = arith.constant 0 : index
    %get3A_70 = vector.load %arg11[%get3A_68, %get3A_69] : memref<1x128xf32, #tpu.memory_space<vmem>>, vector<1x128xf32>
    %add3A_71 = vector.broadcast %get3A_70 : vector<1x128xf32> to vector<256x128xf32>
    %add3A_72 = arith.addf %dot_general3A_67, %add3A_71 : vector<256x128xf32>
    %tanh3A_73 = math.tanh %add3A_72 : vector<256x128xf32>
    %mul3A_74 = vector.broadcast %mul3A_50 : vector<256x1xf32> to vector<256x128xf32>
    %mul3A_75 = arith.mulf %tanh3A_73, %mul3A_74 : vector<256x128xf32>
    %get3A_76 = arith.constant 0 : index
    %get3A_77 = arith.constant 0 : index
    %get3A_78 = vector.load %arg12[%get3A_76, %get3A_77] : memref<256x128xf32, #tpu.memory_space<vmem>>, vector<256x128xf32>
    %dot_general3A_79 = arith.constant dense<0.000000e+00> : vector<256x128xf32>
    %dot_general3A_80 = tpu.matmul %get3A_17, %get3A_78, %dot_general3A_79 {dimension_numbers = #tpu.dot_dimension_numbers<[1], [0], [0], [1], [0, 0, 1, 1], [], []>, precision = #tpu.contract_precision<fp32>, transpose_lhs_hint = false} : vector<256x256xf32>, vector<256x128xf32>, vector<256x128xf32> -> vector<256x128xf32>
    %get3A_81 = arith.constant 0 : index
    %get3A_82 = arith.constant 0 : index
    %get3A_83 = vector.load %arg13[%get3A_81, %get3A_82] : memref<1x128xf32, #tpu.memory_space<vmem>>, vector<1x128xf32>
    %add3A_84 = vector.broadcast %get3A_83 : vector<1x128xf32> to vector<256x128xf32>
    %add3A_85 = arith.addf %dot_general3A_80, %add3A_84 : vector<256x128xf32>
    %reduce_max3A = arith.constant dense<0xFF800000> : vector<256xf32>
    %reduce_max3A_86 = vector.multi_reduction <maximumf>, %add3A_85, %reduce_max3A [1] : vector<256x128xf32> to vector<256xf32>
    %broadcast_in_dim3A_87 = vector.shape_cast %reduce_max3A_86 : vector<256xf32> to vector<256x1xf32>
    %sub3A_88 = vector.broadcast %broadcast_in_dim3A_87 : vector<256x1xf32> to vector<256x128xf32>
    %sub3A_89 = arith.subf %add3A_85, %sub3A_88 : vector<256x128xf32>
    %exp3A_90 = math.exp %sub3A_89 : vector<256x128xf32>
    %get3A_91 = arith.constant 0 : index
    %get3A_92 = arith.constant 0 : index
    %get3A_93 = vector.load %arg17[%get3A_91, %get3A_92] : memref<128x128xf32, #tpu.memory_space<vmem>>, vector<128x128xf32>
    %dot_general3A_94 = arith.constant dense<0.000000e+00> : vector<256x128xf32>
    %dot_general3A_95 = tpu.matmul %exp3A_90, %get3A_93, %dot_general3A_94 {dimension_numbers = #tpu.dot_dimension_numbers<[1], [0], [0], [1], [0, 0, 1, 1], [], []>, precision = #tpu.contract_precision<fp32>, transpose_lhs_hint = false} : vector<256x128xf32>, vector<128x128xf32>, vector<256x128xf32> -> vector<256x128xf32>
    %div3A_96 = arith.divf %exp3A_90, %dot_general3A_95 : vector<256x128xf32>
    %get3A_97 = arith.constant 0 : index
    %get3A_98 = arith.constant 0 : index
    %get3A_99 = vector.load %arg2[%get3A_97, %get3A_98] : memref<256x4xf32, #tpu.memory_space<vmem>>, vector<256x4xf32>
    %get3A_100 = arith.constant 0 : index
    %get3A_101 = arith.constant 0 : index
    %get3A_102 = vector.load %arg16[%get3A_100, %get3A_101] : memref<4x128xf32, #tpu.memory_space<vmem>>, vector<4x128xf32>
    %dot_general3A_103 = arith.constant dense<0.000000e+00> : vector<256x128xf32>
    %dot_general3A_104 = tpu.matmul %get3A_99, %get3A_102, %dot_general3A_103 {dimension_numbers = #tpu.dot_dimension_numbers<[1], [0], [0], [1], [0, 0, 1, 1], [], []>, precision = #tpu.contract_precision<fp32>, transpose_lhs_hint = false} : vector<256x4xf32>, vector<4x128xf32>, vector<256x128xf32> -> vector<256x128xf32>
    %get3A_105 = arith.constant 0 : index
    %get3A_106 = arith.constant 0 : index
    %get3A_107 = vector.load %arg3[%get3A_105, %get3A_106] : memref<256x4xf32, #tpu.memory_space<vmem>>, vector<256x4xf32>
    %get3A_108 = arith.constant 0 : index
    %get3A_109 = arith.constant 0 : index
    %get3A_110 = vector.load %arg16[%get3A_108, %get3A_109] : memref<4x128xf32, #tpu.memory_space<vmem>>, vector<4x128xf32>
    %dot_general3A_111 = arith.constant dense<0.000000e+00> : vector<256x128xf32>
    %dot_general3A_112 = tpu.matmul %get3A_107, %get3A_110, %dot_general3A_111 {dimension_numbers = #tpu.dot_dimension_numbers<[1], [0], [0], [1], [0, 0, 1, 1], [], []>, precision = #tpu.contract_precision<fp32>, transpose_lhs_hint = false} : vector<256x4xf32>, vector<4x128xf32>, vector<256x128xf32> -> vector<256x128xf32>
    %get3A_113 = arith.constant 0 : index
    %get3A_114 = arith.constant 0 : index
    %get3A_115 = vector.load %arg14[%get3A_113, %get3A_114] : memref<2x128xf32, #tpu.memory_space<vmem>>, vector<1x128xf32>
    %get3A_116 = arith.constant 1 : index
    %get3A_117 = arith.constant 0 : index
    %get3A_118 = vector.load %arg14[%get3A_116, %get3A_117] : memref<2x128xf32, #tpu.memory_space<vmem>>, vector<1x128xf32>
    %mul3A_119 = vector.broadcast %get3A_115 : vector<1x128xf32> to vector<256x128xf32>
    %mul3A_120 = arith.mulf %dot_general3A_104, %mul3A_119 : vector<256x128xf32>
    %add3A_121 = arith.addf %mul3A_120, %mul3A_62 : vector<256x128xf32>
    %sub3A_122 = arith.constant 5.000000e-01 : f32
    %sub3A_123 = vector.broadcast %sub3A_122 : f32 to vector<256x128xf32>
    %sub3A_124 = arith.subf %add3A_121, %sub3A_123 : vector<256x128xf32>
    %mul3A_125 = vector.broadcast %get3A_118 : vector<1x128xf32> to vector<256x128xf32>
    %mul3A_126 = arith.mulf %dot_general3A_112, %mul3A_125 : vector<256x128xf32>
    %add3A_127 = arith.addf %mul3A_126, %mul3A_75 : vector<256x128xf32>
    %sub3A_128 = arith.constant 5.000000e-01 : f32
    %sub3A_129 = vector.broadcast %sub3A_128 : f32 to vector<256x128xf32>
    %sub3A_130 = arith.subf %add3A_127, %sub3A_129 : vector<256x128xf32>
    %floor3A = math.floor %sub3A_124 : vector<256x128xf32>
    %floor3A_131 = math.floor %sub3A_130 : vector<256x128xf32>
    %sub3A_132 = arith.subf %sub3A_124, %floor3A : vector<256x128xf32>
    %sub3A_133 = arith.subf %sub3A_130, %floor3A_131 : vector<256x128xf32>
    %get3A_134 = arith.constant 0 : index
    %get3A_135 = arith.constant 0 : index
    %get3A_136 = vector.load %arg15[%get3A_134, %get3A_135] : memref<4x128xi32, #tpu.memory_space<vmem>>, vector<1x128xi32>
    %get3A_137 = arith.constant 1 : index
    %get3A_138 = arith.constant 0 : index
    %get3A_139 = vector.load %arg15[%get3A_137, %get3A_138] : memref<4x128xi32, #tpu.memory_space<vmem>>, vector<1x128xi32>
    %get3A_140 = arith.constant 2 : index
    %get3A_141 = arith.constant 0 : index
    %get3A_142 = vector.load %arg15[%get3A_140, %get3A_141] : memref<4x128xi32, #tpu.memory_space<vmem>>, vector<1x128xi32>
    %get3A_143 = arith.constant 3 : index
    %get3A_144 = arith.constant 0 : index
    %get3A_145 = vector.load %arg15[%get3A_143, %get3A_144] : memref<4x128xi32, #tpu.memory_space<vmem>>, vector<1x128xi32>
    %ge3A = arith.constant 0.000000e+00 : f32
    %ge3A_146 = vector.broadcast %ge3A : f32 to vector<256x128xf32>
    %ge3A_147 = arith.cmpf oge, %floor3A, %ge3A_146 : vector<256x128xf32>
    %sub3A_148 = arith.constant 1.000000e+00 : f32
    %sub3A_149 = vector.broadcast %sub3A_148 : f32 to vector<1x128xf32>
    %sub3A_150 = arith.subf %get3A_115, %sub3A_149 : vector<1x128xf32>
    %le3A = vector.broadcast %sub3A_150 : vector<1x128xf32> to vector<256x128xf32>
    %le3A_151 = arith.cmpf ole, %floor3A, %le3A : vector<256x128xf32>
    %and3A_152 = arith.andi %ge3A_147, %le3A_151 : vector<256x128xi1>
    %add3A_153 = arith.constant 1.000000e+00 : f32
    %add3A_154 = vector.broadcast %add3A_153 : f32 to vector<256x128xf32>
    %add3A_155 = arith.addf %floor3A, %add3A_154 : vector<256x128xf32>
    %ge3A_156 = arith.constant 0.000000e+00 : f32
    %ge3A_157 = vector.broadcast %ge3A_156 : f32 to vector<256x128xf32>
    %ge3A_158 = arith.cmpf oge, %add3A_155, %ge3A_157 : vector<256x128xf32>
    %add3A_159 = arith.constant 1.000000e+00 : f32
    %add3A_160 = vector.broadcast %add3A_159 : f32 to vector<256x128xf32>
    %add3A_161 = arith.addf %floor3A, %add3A_160 : vector<256x128xf32>
    %sub3A_162 = arith.constant 1.000000e+00 : f32
    %sub3A_163 = vector.broadcast %sub3A_162 : f32 to vector<1x128xf32>
    %sub3A_164 = arith.subf %get3A_115, %sub3A_163 : vector<1x128xf32>
    %le3A_165 = vector.broadcast %sub3A_164 : vector<1x128xf32> to vector<256x128xf32>
    %le3A_166 = arith.cmpf ole, %add3A_161, %le3A_165 : vector<256x128xf32>
    %and3A_167 = arith.andi %ge3A_158, %le3A_166 : vector<256x128xi1>
    %ge3A_168 = arith.constant 0.000000e+00 : f32
    %ge3A_169 = vector.broadcast %ge3A_168 : f32 to vector<256x128xf32>
    %ge3A_170 = arith.cmpf oge, %floor3A_131, %ge3A_169 : vector<256x128xf32>
    %sub3A_171 = arith.constant 1.000000e+00 : f32
    %sub3A_172 = vector.broadcast %sub3A_171 : f32 to vector<1x128xf32>
    %sub3A_173 = arith.subf %get3A_118, %sub3A_172 : vector<1x128xf32>
    %le3A_174 = vector.broadcast %sub3A_173 : vector<1x128xf32> to vector<256x128xf32>
    %le3A_175 = arith.cmpf ole, %floor3A_131, %le3A_174 : vector<256x128xf32>
    %and3A_176 = arith.andi %ge3A_170, %le3A_175 : vector<256x128xi1>
    %add3A_177 = arith.constant 1.000000e+00 : f32
    %add3A_178 = vector.broadcast %add3A_177 : f32 to vector<256x128xf32>
    %add3A_179 = arith.addf %floor3A_131, %add3A_178 : vector<256x128xf32>
    %ge3A_180 = arith.constant 0.000000e+00 : f32
    %ge3A_181 = vector.broadcast %ge3A_180 : f32 to vector<256x128xf32>
    %ge3A_182 = arith.cmpf oge, %add3A_179, %ge3A_181 : vector<256x128xf32>
    %add3A_183 = arith.constant 1.000000e+00 : f32
    %add3A_184 = vector.broadcast %add3A_183 : f32 to vector<256x128xf32>
    %add3A_185 = arith.addf %floor3A_131, %add3A_184 : vector<256x128xf32>
    %sub3A_186 = arith.constant 1.000000e+00 : f32
    %sub3A_187 = vector.broadcast %sub3A_186 : f32 to vector<1x128xf32>
    %sub3A_188 = arith.subf %get3A_118, %sub3A_187 : vector<1x128xf32>
    %le3A_189 = vector.broadcast %sub3A_188 : vector<1x128xf32> to vector<256x128xf32>
    %le3A_190 = arith.cmpf ole, %add3A_185, %le3A_189 : vector<256x128xf32>
    %and3A_191 = arith.andi %ge3A_182, %le3A_190 : vector<256x128xi1>
    %convert_element_type3A = arith.fptosi %floor3A : vector<256x128xf32> to vector<256x128xi32>
    %sub3A_192 = arith.constant 1 : i32
    %sub3A_193 = vector.broadcast %sub3A_192 : i32 to vector<1x128xi32>
    %sub3A_194 = arith.subi %get3A_136, %sub3A_193 : vector<1x128xi32>
    %jit3A_195 = arith.constant 0 : i32
    %max3A_196 = vector.broadcast %jit3A_195 : i32 to vector<256x128xi32>
    %max3A_197 = arith.maxsi %max3A_196, %convert_element_type3A : vector<256x128xi32>
    %min3A = vector.broadcast %sub3A_194 : vector<1x128xi32> to vector<256x128xi32>
    %min3A_198 = arith.minsi %min3A, %max3A_197 : vector<256x128xi32>
    %add3A_199 = arith.constant 1 : i32
    %add3A_200 = vector.broadcast %add3A_199 : i32 to vector<256x128xi32>
    %add3A_201 = arith.addi %convert_element_type3A, %add3A_200 : vector<256x128xi32>
    %sub3A_202 = arith.constant 1 : i32
    %sub3A_203 = vector.broadcast %sub3A_202 : i32 to vector<1x128xi32>
    %sub3A_204 = arith.subi %get3A_136, %sub3A_203 : vector<1x128xi32>
    %jit3A_205 = arith.constant 0 : i32
    %max3A_206 = vector.broadcast %jit3A_205 : i32 to vector<256x128xi32>
    %max3A_207 = arith.maxsi %max3A_206, %add3A_201 : vector<256x128xi32>
    %min3A_208 = vector.broadcast %sub3A_204 : vector<1x128xi32> to vector<256x128xi32>
    %min3A_209 = arith.minsi %min3A_208, %max3A_207 : vector<256x128xi32>
    %sub3A_210 = arith.constant 2 : i32
    %sub3A_211 = vector.broadcast %sub3A_210 : i32 to vector<1x128xi32>
    %sub3A_212 = arith.subi %get3A_136, %sub3A_211 : vector<1x128xi32>
    %jit3A_213 = arith.constant 0 : i32
    %max3A_214 = vector.broadcast %jit3A_213 : i32 to vector<256x128xi32>
    %max3A_215 = arith.maxsi %max3A_214, %convert_element_type3A : vector<256x128xi32>
    %min3A_216 = vector.broadcast %sub3A_212 : vector<1x128xi32> to vector<256x128xi32>
    %min3A_217 = arith.minsi %min3A_216, %max3A_215 : vector<256x128xi32>
    %convert_element_type3A_218 = arith.fptosi %floor3A_131 : vector<256x128xf32> to vector<256x128xi32>
    %sub3A_219 = arith.constant 1 : i32
    %sub3A_220 = vector.broadcast %sub3A_219 : i32 to vector<1x128xi32>
    %sub3A_221 = arith.subi %get3A_139, %sub3A_220 : vector<1x128xi32>
    %jit3A_222 = arith.constant 0 : i32
    %max3A_223 = vector.broadcast %jit3A_222 : i32 to vector<256x128xi32>
    %max3A_224 = arith.maxsi %max3A_223, %convert_element_type3A_218 : vector<256x128xi32>
    %min3A_225 = vector.broadcast %sub3A_221 : vector<1x128xi32> to vector<256x128xi32>
    %min3A_226 = arith.minsi %min3A_225, %max3A_224 : vector<256x128xi32>
    %add3A_227 = arith.constant 1.000000e+00 : f32
    %add3A_228 = vector.broadcast %add3A_227 : f32 to vector<256x128xf32>
    %add3A_229 = arith.addf %floor3A_131, %add3A_228 : vector<256x128xf32>
    %convert_element_type3A_230 = arith.fptosi %add3A_229 : vector<256x128xf32> to vector<256x128xi32>
    %sub3A_231 = arith.constant 1 : i32
    %sub3A_232 = vector.broadcast %sub3A_231 : i32 to vector<1x128xi32>
    %sub3A_233 = arith.subi %get3A_139, %sub3A_232 : vector<1x128xi32>
    %jit3A_234 = arith.constant 0 : i32
    %max3A_235 = vector.broadcast %jit3A_234 : i32 to vector<256x128xi32>
    %max3A_236 = arith.maxsi %max3A_235, %convert_element_type3A_230 : vector<256x128xi32>
    %min3A_237 = vector.broadcast %sub3A_233 : vector<1x128xi32> to vector<256x128xi32>
    %min3A_238 = arith.minsi %min3A_237, %max3A_236 : vector<256x128xi32>
    %mul3A_239 = arith.constant 43520 : i32
    %mul3A_240 = arith.muli %select_n3A, %mul3A_239 : i32
    %add3A_241 = vector.broadcast %mul3A_240 : i32 to vector<1x128xi32>
    %add3A_242 = arith.addi %get3A_145, %add3A_241 : vector<1x128xi32>
    %add3A_243 = arith.addi %add3A_242, %get3A_142 : vector<1x128xi32>
    %mul3A_244 = vector.broadcast %get3A_136 : vector<1x128xi32> to vector<256x128xi32>
    %mul3A_245 = arith.muli %min3A_226, %mul3A_244 : vector<256x128xi32>
    %add3A_246 = vector.broadcast %add3A_243 : vector<1x128xi32> to vector<256x128xi32>
    %add3A_247 = arith.addi %add3A_246, %mul3A_245 : vector<256x128xi32>
    %add3A_248 = arith.addi %add3A_247, %min3A_217 : vector<256x128xi32>
    %swap3A_249 = arith.constant 0 : index
    %swap3A_250 = arith.constant 0 : index
    %swap3A_251 = vector.load %arg19[%swap3A_249, %swap3A_250] : memref<256x128xi32, #tpu.memory_space<vmem>>, vector<256x128xi32>
    tpu.vector_store %arg19[%swap3A_249, %swap3A_250], %add3A_248 {strides = array<i32>} : memref<256x128xi32, #tpu.memory_space<vmem>>, vector<256x128xi32>,
    %mul3A_252 = vector.broadcast %get3A_136 : vector<1x128xi32> to vector<256x128xi32>
    %mul3A_253 = arith.muli %min3A_238, %mul3A_252 : vector<256x128xi32>
    %add3A_254 = vector.broadcast %add3A_243 : vector<1x128xi32> to vector<256x128xi32>
    %add3A_255 = arith.addi %add3A_254, %mul3A_253 : vector<256x128xi32>
    %add3A_256 = arith.addi %add3A_255, %min3A_217 : vector<256x128xi32>
    %swap3A_257 = arith.constant 0 : index
    %swap3A_258 = arith.constant 0 : index
    %swap3A_259 = vector.load %arg20[%swap3A_257, %swap3A_258] : memref<256x128xi32, #tpu.memory_space<vmem>>, vector<256x128xi32>
    tpu.vector_store %arg20[%swap3A_257, %swap3A_258], %add3A_256 {strides = array<i32>} : memref<256x128xi32, #tpu.memory_space<vmem>>, vector<256x128xi32>,
    %sub3A_260 = arith.constant 1.000000e+00 : f32
    %sub3A_261 = vector.broadcast %sub3A_260 : f32 to vector<256x128xf32>
    %sub3A_262 = arith.subf %sub3A_261, %sub3A_132 : vector<256x128xf32>
    %sub3A_263 = arith.constant 1.000000e+00 : f32
    %sub3A_264 = vector.broadcast %sub3A_263 : f32 to vector<256x128xf32>
    %sub3A_265 = arith.subf %sub3A_264, %sub3A_133 : vector<256x128xf32>
    %mul3A_266 = arith.mulf %div3A_96, %sub3A_262 : vector<256x128xf32>
    %mul3A_267 = arith.mulf %mul3A_266, %sub3A_265 : vector<256x128xf32>
    %and3A_268 = arith.andi %and3A_152, %and3A_176 : vector<256x128xi1>
    %convert_element_type3A_269 = arith.extui %and3A_268 : vector<256x128xi1> to vector<256x128xi32>
    %convert_element_type3A_270 = arith.sitofp %convert_element_type3A_269 : vector<256x128xi32> to vector<256x128xf32>
    %mul3A_271 = arith.mulf %mul3A_267, %convert_element_type3A_270 : vector<256x128xf32>
    %mul3A_272 = arith.mulf %div3A_96, %sub3A_262 : vector<256x128xf32>
    %mul3A_273 = arith.mulf %mul3A_272, %sub3A_133 : vector<256x128xf32>
    %and3A_274 = arith.andi %and3A_152, %and3A_191 : vector<256x128xi1>
    %convert_element_type3A_275 = arith.extui %and3A_274 : vector<256x128xi1> to vector<256x128xi32>
    %convert_element_type3A_276 = arith.sitofp %convert_element_type3A_275 : vector<256x128xi32> to vector<256x128xf32>
    %mul3A_277 = arith.mulf %mul3A_273, %convert_element_type3A_276 : vector<256x128xf32>
    %mul3A_278 = arith.mulf %div3A_96, %sub3A_132 : vector<256x128xf32>
    %mul3A_279 = arith.mulf %mul3A_278, %sub3A_265 : vector<256x128xf32>
    %and3A_280 = arith.andi %and3A_167, %and3A_176 : vector<256x128xi1>
    %convert_element_type3A_281 = arith.extui %and3A_280 : vector<256x128xi1> to vector<256x128xi32>
    %convert_element_type3A_282 = arith.sitofp %convert_element_type3A_281 : vector<256x128xi32> to vector<256x128xf32>
    %mul3A_283 = arith.mulf %mul3A_279, %convert_element_type3A_282 : vector<256x128xf32>
    %mul3A_284 = arith.mulf %div3A_96, %sub3A_132 : vector<256x128xf32>
    %mul3A_285 = arith.mulf %mul3A_284, %sub3A_133 : vector<256x128xf32>
    %and3A_286 = arith.andi %and3A_167, %and3A_191 : vector<256x128xi1>
    %convert_element_type3A_287 = arith.extui %and3A_286 : vector<256x128xi1> to vector<256x128xi32>
    %convert_element_type3A_288 = arith.sitofp %convert_element_type3A_287 : vector<256x128xi32> to vector<256x128xf32>
    %mul3A_289 = arith.mulf %mul3A_285, %convert_element_type3A_288 : vector<256x128xf32>
    %eq3A = arith.cmpi eq, %min3A_198, %min3A_217 : vector<256x128xi32>
    %convert_element_type3A_290 = arith.extui %eq3A : vector<256x128xi1> to vector<256x128xi32>
    %convert_element_type3A_291 = arith.sitofp %convert_element_type3A_290 : vector<256x128xi32> to vector<256x128xf32>
    %add3A_292 = arith.constant 1 : i32
    %add3A_293 = vector.broadcast %add3A_292 : i32 to vector<256x128xi32>
    %add3A_294 = arith.addi %min3A_217, %add3A_293 : vector<256x128xi32>
    %eq3A_295 = arith.cmpi eq, %min3A_198, %add3A_294 : vector<256x128xi32>
    %convert_element_type3A_296 = arith.extui %eq3A_295 : vector<256x128xi1> to vector<256x128xi32>
    %convert_element_type3A_297 = arith.sitofp %convert_element_type3A_296 : vector<256x128xi32> to vector<256x128xf32>
    %eq3A_298 = arith.cmpi eq, %min3A_209, %min3A_217 : vector<256x128xi32>
    %convert_element_type3A_299 = arith.extui %eq3A_298 : vector<256x128xi1> to vector<256x128xi32>
    %convert_element_type3A_300 = arith.sitofp %convert_element_type3A_299 : vector<256x128xi32> to vector<256x128xf32>
    %add3A_301 = arith.constant 1 : i32
    %add3A_302 = vector.broadcast %add3A_301 : i32 to vector<256x128xi32>
    %add3A_303 = arith.addi %min3A_217, %add3A_302 : vector<256x128xi32>
    %eq3A_304 = arith.cmpi eq, %min3A_209, %add3A_303 : vector<256x128xi32>
    %convert_element_type3A_305 = arith.extui %eq3A_304 : vector<256x128xi1> to vector<256x128xi32>
    %convert_element_type3A_306 = arith.sitofp %convert_element_type3A_305 : vector<256x128xi32> to vector<256x128xf32>
    %mul3A_307 = arith.mulf %mul3A_271, %convert_element_type3A_291 : vector<256x128xf32>
    %mul3A_308 = arith.mulf %mul3A_283, %convert_element_type3A_300 : vector<256x128xf32>
    %add3A_309 = arith.addf %mul3A_307, %mul3A_308 : vector<256x128xf32>
    %swap3A_310 = arith.constant 0 : index
    %swap3A_311 = arith.constant 0 : index
    %swap3A_312 = vector.load %arg21[%swap3A_310, %swap3A_311] : memref<256x128xf32, #tpu.memory_space<vmem>>, vector<256x128xf32>
    tpu.vector_store %arg21[%swap3A_310, %swap3A_311], %add3A_309 {strides = array<i32>} : memref<256x128xf32, #tpu.memory_space<vmem>>, vector<256x128xf32>,
    %mul3A_313 = arith.mulf %mul3A_271, %convert_element_type3A_297 : vector<256x128xf32>
    %mul3A_314 = arith.mulf %mul3A_283, %convert_element_type3A_306 : vector<256x128xf32>
    %add3A_315 = arith.addf %mul3A_313, %mul3A_314 : vector<256x128xf32>
    %swap3A_316 = arith.constant 0 : index
    %swap3A_317 = arith.constant 0 : index
    %swap3A_318 = vector.load %arg22[%swap3A_316, %swap3A_317] : memref<256x128xf32, #tpu.memory_space<vmem>>, vector<256x128xf32>
    tpu.vector_store %arg22[%swap3A_316, %swap3A_317], %add3A_315 {strides = array<i32>} : memref<256x128xf32, #tpu.memory_space<vmem>>, vector<256x128xf32>,
    %mul3A_319 = arith.mulf %mul3A_277, %convert_element_type3A_291 : vector<256x128xf32>
    %mul3A_320 = arith.mulf %mul3A_289, %convert_element_type3A_300 : vector<256x128xf32>
    %add3A_321 = arith.addf %mul3A_319, %mul3A_320 : vector<256x128xf32>
    %swap3A_322 = arith.constant 0 : index
    %swap3A_323 = arith.constant 0 : index
    %swap3A_324 = vector.load %arg23[%swap3A_322, %swap3A_323] : memref<256x128xf32, #tpu.memory_space<vmem>>, vector<256x128xf32>
    tpu.vector_store %arg23[%swap3A_322, %swap3A_323], %add3A_321 {strides = array<i32>} : memref<256x128xf32, #tpu.memory_space<vmem>>, vector<256x128xf32>,
    %mul3A_325 = arith.mulf %mul3A_277, %convert_element_type3A_297 : vector<256x128xf32>
    %mul3A_326 = arith.mulf %mul3A_289, %convert_element_type3A_306 : vector<256x128xf32>
    %add3A_327 = arith.addf %mul3A_325, %mul3A_326 : vector<256x128xf32>
    %swap3A_328 = arith.constant 0 : index
    %swap3A_329 = arith.constant 0 : index
    %swap3A_330 = vector.load %arg24[%swap3A_328, %swap3A_329] : memref<256x128xf32, #tpu.memory_space<vmem>>, vector<256x128xf32>
    tpu.vector_store %arg24[%swap3A_328, %swap3A_329], %add3A_327 {strides = array<i32>} : memref<256x128xf32, #tpu.memory_space<vmem>>, vector<256x128xf32>,
    return
  }
  func.func @transform_0(%arg0: i32) -> (i32, i32) {
    %c0_i32 = arith.constant 0 : i32
    %c0_i32_0 = arith.constant 0 : i32
    return %arg0, %c0_i32 : i32, i32
  }
  func.func @transform_1(%arg0: i32) -> (i32, i32) {
    %c0_i32 = arith.constant 0 : i32
    %c0_i32_0 = arith.constant 0 : i32
    return %arg0, %c0_i32 : i32, i32
  }
  func.func @transform_2(%arg0: i32) -> (i32, i32) {
    %c0_i32 = arith.constant 0 : i32
    %c0_i32_0 = arith.constant 0 : i32
    return %arg0, %c0_i32 : i32, i32
  }
  func.func @transform_3(%arg0: i32) -> (i32, i32) {
    %c0_i32 = arith.constant 0 : i32
    %c0_i32_0 = arith.constant 0 : i32
    %c0_i32_1 = arith.constant 0 : i32
    return %c0_i32, %c0_i32_0 : i32, i32
  }
  func.func @transform_4(%arg0: i32) -> (i32, i32) {
    %c0_i32 = arith.constant 0 : i32
    %c0_i32_0 = arith.constant 0 : i32
    %c0_i32_1 = arith.constant 0 : i32
    return %c0_i32, %c0_i32_0 : i32, i32
  }
  func.func @transform_5(%arg0: i32) -> (i32, i32) {
    %c0_i32 = arith.constant 0 : i32
    %c0_i32_0 = arith.constant 0 : i32
    %c0_i32_1 = arith.constant 0 : i32
    return %c0_i32, %c0_i32_0 : i32, i32
  }
  func.func @transform_6(%arg0: i32) -> (i32, i32) {
    %c0_i32 = arith.constant 0 : i32
    %c0_i32_0 = arith.constant 0 : i32
    %c0_i32_1 = arith.constant 0 : i32
    return %c0_i32, %c0_i32_0 : i32, i32
  }
  func.func @transform_7(%arg0: i32) -> (i32, i32) {
    %c0_i32 = arith.constant 0 : i32
    %c0_i32_0 = arith.constant 0 : i32
    %c0_i32_1 = arith.constant 0 : i32
    return %c0_i32, %c0_i32_0 : i32, i32
  }
  func.func @transform_8(%arg0: i32) -> (i32, i32) {
    %c0_i32 = arith.constant 0 : i32
    %c0_i32_0 = arith.constant 0 : i32
    %c0_i32_1 = arith.constant 0 : i32
    return %c0_i32, %c0_i32_0 : i32, i32
  }
  func.func @transform_9(%arg0: i32) -> (i32, i32) {
    %c0_i32 = arith.constant 0 : i32
    %c0_i32_0 = arith.constant 0 : i32
    %c0_i32_1 = arith.constant 0 : i32
    return %c0_i32, %c0_i32_0 : i32, i32
  }
  func.func @transform_10(%arg0: i32) -> (i32, i32) {
    %c0_i32 = arith.constant 0 : i32
    %c0_i32_0 = arith.constant 0 : i32
    %c0_i32_1 = arith.constant 0 : i32
    return %c0_i32, %c0_i32_0 : i32, i32
  }
  func.func @transform_11(%arg0: i32) -> (i32, i32) {
    %c0_i32 = arith.constant 0 : i32
    %c0_i32_0 = arith.constant 0 : i32
    %c0_i32_1 = arith.constant 0 : i32
    return %c0_i32, %c0_i32_0 : i32, i32
  }
  func.func @transform_12(%arg0: i32) -> (i32, i32) {
    %c0_i32 = arith.constant 0 : i32
    %c0_i32_0 = arith.constant 0 : i32
    %c0_i32_1 = arith.constant 0 : i32
    return %c0_i32, %c0_i32_0 : i32, i32
  }
  func.func @transform_13(%arg0: i32) -> (i32, i32) {
    %c0_i32 = arith.constant 0 : i32
    %c0_i32_0 = arith.constant 0 : i32
    %c0_i32_1 = arith.constant 0 : i32
    return %c0_i32, %c0_i32_0 : i32, i32
  }
  func.func @transform_14(%arg0: i32) -> (i32, i32) {
    %c0_i32 = arith.constant 0 : i32
    %c0_i32_0 = arith.constant 0 : i32
    %c0_i32_1 = arith.constant 0 : i32
    return %c0_i32, %c0_i32_0 : i32, i32
  }
  func.func @transform_15(%arg0: i32) -> (i32, i32) {
    %c0_i32 = arith.constant 0 : i32
    %c0_i32_0 = arith.constant 0 : i32
    %c0_i32_1 = arith.constant 0 : i32
    return %c0_i32, %c0_i32_0 : i32, i32
  }
  func.func @transform_16(%arg0: i32) -> (i32, i32) {
    %c0_i32 = arith.constant 0 : i32
    %c0_i32_0 = arith.constant 0 : i32
    %c0_i32_1 = arith.constant 0 : i32
    return %c0_i32, %c0_i32_0 : i32, i32
  }
  func.func @transform_17(%arg0: i32) -> (i32, i32) {
    %c0_i32 = arith.constant 0 : i32
    %c0_i32_0 = arith.constant 0 : i32
    return %arg0, %c0_i32 : i32, i32
  }
  func.func @transform_18(%arg0: i32) -> (i32, i32) {
    %c0_i32 = arith.constant 0 : i32
    %c0_i32_0 = arith.constant 0 : i32
    return %arg0, %c0_i32 : i32, i32
  }
  func.func @transform_19(%arg0: i32) -> (i32, i32) {
    %c0_i32 = arith.constant 0 : i32
    %c0_i32_0 = arith.constant 0 : i32
    return %arg0, %c0_i32 : i32, i32
  }
  func.func @transform_20(%arg0: i32) -> (i32, i32) {
    %c0_i32 = arith.constant 0 : i32
    %c0_i32_0 = arith.constant 0 : i32
    return %arg0, %c0_i32 : i32, i32
  }
  func.func @transform_21(%arg0: i32) -> (i32, i32) {
    %c0_i32 = arith.constant 0 : i32
    %c0_i32_0 = arith.constant 0 : i32
    return %arg0, %c0_i32 : i32, i32
  }
  func.func @transform_22(%arg0: i32) -> (i32, i32) {
    %c0_i32 = arith.constant 0 : i32
    %c0_i32_0 = arith.constant 0 : i32
    return %arg0, %c0_i32 : i32, i32
  }
  func.func @transform_23(%arg0: i32) -> (i32, i32) {
    %c0_i32 = arith.constant 0 : i32
    %c0_i32_0 = arith.constant 0 : i32
    return %arg0, %c0_i32 : i32, i32
  }
}

module attributes {stable_mosaic.version = 14 : i64} {
  func.func @_matmul_body(%arg0: i32, %arg1: memref<2048x256xf32, #tpu.memory_space<vmem>>, %arg2: memref<256x256xf32, #tpu.memory_space<vmem>>, %arg3: memref<1x256xf32, #tpu.memory_space<vmem>>, %arg4: memref<2048x256xf32, #tpu.memory_space<vmem>>) attributes {dimension_semantics = [#tpu.dimension_semantics<arbitrary>], iteration_bounds = array<i64: 1>, scalar_prefetch = 0 : i64, scratch_operands = 0 : i64, tpu.core_type = #tpu.core_type<tc>, window_params = [{transform_indices = @transform_0, window_bounds = array<i64: 2048, 256>}, {pipeline_mode = #tpu.pipeline_mode<synchronous>, transform_indices = @transform_1, window_bounds = array<i64: 256, 256>}, {pipeline_mode = #tpu.pipeline_mode<synchronous>, transform_indices = @transform_2, window_bounds = array<i64: 1, 256>}, {transform_indices = @transform_3, window_bounds = array<i64: 2048, 256>}]} {
    %get3A = arith.constant 0 : index
    %get3A_0 = arith.constant 0 : index
    %get3A_1 = vector.load %arg1[%get3A, %get3A_0] : memref<2048x256xf32, #tpu.memory_space<vmem>>, vector<2048x256xf32>
    %get3A_2 = arith.constant 0 : index
    %get3A_3 = arith.constant 0 : index
    %get3A_4 = vector.load %arg2[%get3A_2, %get3A_3] : memref<256x256xf32, #tpu.memory_space<vmem>>, vector<256x256xf32>
    %dot_general3A = arith.constant dense<0.000000e+00> : vector<2048x256xf32>
    %dot_general3A_5 = tpu.matmul %get3A_1, %get3A_4, %dot_general3A {dimension_numbers = #tpu.dot_dimension_numbers<[1], [0], [0], [1], [0, 0, 1, 1], [], []>, precision = #tpu.contract_precision<fp32>, transpose_lhs_hint = false} : vector<2048x256xf32>, vector<256x256xf32>, vector<2048x256xf32> -> vector<2048x256xf32>
    %get3A_6 = arith.constant 0 : index
    %get3A_7 = arith.constant 0 : index
    %get3A_8 = vector.load %arg3[%get3A_6, %get3A_7] : memref<1x256xf32, #tpu.memory_space<vmem>>, vector<1x256xf32>
    %add3A = vector.broadcast %get3A_8 : vector<1x256xf32> to vector<2048x256xf32>
    %add3A_9 = arith.addf %dot_general3A_5, %add3A : vector<2048x256xf32>
    %swap3A = arith.constant 0 : index
    %swap3A_10 = arith.constant 0 : index
    %swap3A_11 = vector.load %arg4[%swap3A, %swap3A_10] : memref<2048x256xf32, #tpu.memory_space<vmem>>, vector<2048x256xf32>
    tpu.vector_store %arg4[%swap3A, %swap3A_10], %add3A_9 {strides = array<i32>} : memref<2048x256xf32, #tpu.memory_space<vmem>>, vector<2048x256xf32>,
    return
  }
  func.func @transform_0(%arg0: i32) -> (i32, i32) {
    %c0_i32 = arith.constant 0 : i32
    %c0_i32_0 = arith.constant 0 : i32
    return %arg0, %c0_i32 : i32, i32
  }
  func.func @transform_1(%arg0: i32) -> (i32, i32) {
    %c0_i32 = arith.constant 0 : i32
    %c0_i32_0 = arith.constant 0 : i32
    %c0_i32_1 = arith.constant 0 : i32
    return %c0_i32, %c0_i32_0 : i32, i32
  }
  func.func @transform_2(%arg0: i32) -> (i32, i32) {
    %c0_i32 = arith.constant 0 : i32
    %c0_i32_0 = arith.constant 0 : i32
    %c0_i32_1 = arith.constant 0 : i32
    return %c0_i32, %c0_i32_0 : i32, i32
  }
  func.func @transform_3(%arg0: i32) -> (i32, i32) {
    %c0_i32 = arith.constant 0 : i32
    %c0_i32_0 = arith.constant 0 : i32
    return %arg0, %c0_i32 : i32, i32
  }
}

</mosaic_0001>

<sc_bundles>
// kernel: kernel.6.cloned.1.call-start
scs
__scs_entry_jumppad:
0x0: {  	(pc) =	sbr.rel $0x88, $3  }
0x1: {  	(tag) =	ssettag $0x0;
	lr =	simm.s32 $0x1  }
0x2: {  	[smem:$0x3F92] =	sst lr;
	_ =	strace $0xD0000000  }
0x3: {  	_ = 	snop  }
0x4: {  	_ = 	snop  }
0x5: {  	_ = 	snop  }
0x6: {  	_ = 	snop  }
0x7: {  	_ = 	snop  }
__scs_overlays_trampoline_lowered:
0x8: {  	[smem:$0x3FA1] =	sst s0  }
0x9: {  	[smem:$0x3FA2] =	sst s1  }
0xa: {  	[smem:$0x3FA3] =	sst s2  }
0xb: {  	[smem:$0x3FA4] =	sst s3  }
0xc: {  	[smem:$0x3FA5] =	sst s4  }
0xd: {  	[smem:$0x3FA6] =	sst s5  }
0xe: {  	[smem:$0x3FA7] =	sst s6  }
0xf: {  	[smem:$0x3FA8] =	sst s7  }
0x10: {  	[smem:$0x3FA9] =	sst s8  }
0x11: {  	[smem:$0x3FAA] =	sst s9;
	s0 =	simm.s32 @!p0 $0x0  }
0x12: {  	s1 =	sld [smem:$0x3F90];
	s0 =	simm.s32 @p0 $0x1  }
0x13: {  	[smem:$0x3FAB] =	sst s0;
	s0 =	simm.s32 @!p1 $0x0  }
0x14: {  	s2 =	sld [smem:$0x3F8F];
	s0 =	simm.s32 @p1 $0x1  }
0x15: {  	[smem:$0x3FAC] =	sst s0;
	s0 =	simm.s32 @!p2 $0x0  }
0x16: {  	s3 =	sld [smem:$0x3FDB];
	s0 =	simm.s32 @p2 $0x1  }
0x17: {  	s4 =	simm.s32 $0x1BF5;
	[smem:$0x3FAE] =	sst s0  }
0x18: {  	s0 =	sld [smem:$0x3F91];
	_ =	swait.ge [sflag:s4], $0x0  }
0x19: {  	s7 =	sld [smem:$0x3F92]  }
0x1a: {  	s8 =	sadd.s32 $0xFFFFE003, lr  }
0x1b: {  	s9 =	sadd.s32 $0xFFFFFEF7, lr;
	s5 =	simm.s32 $0xFFFFFFFF;
	p2 =	slt.u32 s8, $0xFFFFF086  }
0x1c: {  	p1 =	slt.u32 s9, $0xF7A;
	s5 =	simm.s32 @!p2 $0x0  }
0x1d: {  	s5 =	simm.s32 @p1 $0x1;
	p0 =	seq.s32 s7, s2  }
0x1e: {  	s7 =	smul.u32 @!p0 $0xF7A, s2;
	p2 =	seq.s32 @!p0 s5, $0x0  }
0x1f: {  	s9 =	smul.u32 $0xF7A, s1;
	s8 =	simm.s32 @!p0 $0x1BF5;
	p2 =	por !p2, p0  }
0x20: {  	[sflag:s8] =	ssyncset.s32 @!p0 $0xFFFFF086;
	s6 =	sadd.s32 @!p0 s3, s7;
	s7 =	simm.s32 @!p0 $0x108  }
0x21: {  	s3 =	sadd.s32 s3, s9;
	s6 =	sadd.s32 @!p0 $0x88, s6;
	s7 =	simm.s32 @p2 $0x1082  }
0x22: {  	[simem:s7], [sflag:s8] =	dma.local @!p0 [hbm:s6], $0xF7A  }
0x23: {  	s9 =	sor.u32 $0xD0000000, s2;
	s6 =	simm.s32 $0x108;
	_ =	swait.ge @!p0 [sflag:s8], $0x0  }
0x24: {  	s3 =	sadd.s32 $0x88, s3;
	s6 =	simm.s32 @!p1 $0x1082;
	[sflag:s4] =	ssyncset.s32 $0xFFFFF086  }
0x25: {  	[simem:s6], [sflag:s4] =	dma.local [hbm:s3], $0xF7A  }
0x26: {  	[smem:$0x3F92] =	sst s1;
	(tag) =	ssettag s2;
	_ =	strace s9  }
0x27: {  	s1 =	sld [smem:$0x3FA2]  }
0x28: {  	s2 =	sld [smem:$0x3FA3]  }
0x29: {  	s4 =	sld [smem:$0x3FA5]  }
0x2a: {  	p0 =	seq.s32 s5, $0x0;
	s5 =	sld [smem:$0x3FA6]  }
0x2b: {  	s6 =	sld [smem:$0x3FA7]  }
0x2c: {  	s7 =	sld [smem:$0x3FA8]  }
0x2d: {  	s3 =	simm.s32 $0x108;
	s8 =	sld [smem:$0x3FA9]  }
0x2e: {  	s3 =	simm.s32 @!p0 $0x1082;
	s9 =	sld [smem:$0x3FAA]  }
0x2f: {  	lr =	sadd.s32 s0, s3;
	s0 =	sld [smem:$0x3FA1]  }
0x30: {  	s3 =	sld [smem:$0x3FA4]  }
0x31: {  	[smem:$0x3FAD] =	sst s10  }
0x32: {  	s10 =	sld [smem:$0x3FAB];
	_ =	sdelay $0x3  }
0x33: {  	p0 =	seq.s32 s10, $0x1;
	s10 =	sld [smem:$0x3FAD];
	_ =	sdelay $0x3  }
0x34: {  	[smem:$0x3FAD] =	sst s10  }
0x35: {  	s10 =	sld [smem:$0x3FAC];
	_ =	sdelay $0x3  }
0x36: {  	p1 =	seq.s32 s10, $0x1;
	s10 =	sld [smem:$0x3FAD];
	_ =	sdelay $0x3  }
0x37: {  	[smem:$0x3FAD] =	sst s10  }
0x38: {  	s10 =	sld [smem:$0x3FAE]  }
0x39: {  	_ = 	snop;
	(pc) =	sbr.ind lr, $3  }
0x3a: {  	_ = 	snop  }
0x3b: {  	_ = 	snop  }
0x3c: {  	p2 =	seq.s32 s10, $0x1;
	s10 =	sld [smem:$0x3FAD]  }
0x3d: {  	_ =	shalt  }
0x3e: {  	_ =	shalt  }
0x3f: {  	_ =	shalt  }
0x40: {  	_ =	shalt  }
0x41: {  	_ =	shalt  }
0x42: {  	_ =	shalt  }
0x43: {  	_ =	shalt  }
0x44: {  	_ =	shalt  }
0x45: {  	_ =	shalt  }
0x46: {  	_ =	shalt  }
0x47: {  	_ =	shalt  }
0x48: {  	_ =	shalt  }
0x49: {  	_ =	shalt  }
0x4a: {  	_ =	shalt  }
0x4b: {  	_ =	shalt  }
0x4c: {  	_ =	shalt  }
0x4d: {  	_ =	shalt  }
0x4e: {  	_ =	shalt  }
0x4f: {  	_ =	shalt  }
0x50: {  	_ =	shalt  }
0x51: {  	_ =	shalt  }
0x52: {  	_ =	shalt  }
0x53: {  	_ =	shalt  }
0x54: {  	_ =	shalt  }
0x55: {  	_ =	shalt  }
0x56: {  	_ =	shalt  }
0x57: {  	_ =	shalt  }
0x58: {  	_ =	shalt  }
0x59: {  	_ =	shalt  }
0x5a: {  	_ =	shalt  }
0x5b: {  	_ =	shalt  }
0x5c: {  	_ =	shalt  }
0x5d: {  	_ =	shalt  }
0x5e: {  	_ =	shalt  }
0x5f: {  	_ =	shalt  }
0x60: {  	_ =	shalt  }
0x61: {  	_ =	shalt  }
0x62: {  	_ =	shalt  }
0x63: {  	_ =	shalt  }
0x64: {  	_ =	shalt  }
0x65: {  	_ =	shalt  }
0x66: {  	_ =	shalt  }
0x67: {  	_ =	shalt  }
0x68: {  	_ =	shalt  }
0x69: {  	_ =	shalt  }
0x6a: {  	_ =	shalt  }
0x6b: {  	_ =	shalt  }
0x6c: {  	_ =	shalt  }
0x6d: {  	_ =	shalt  }
0x6e: {  	_ =	shalt  }
0x6f: {  	_ =	shalt  }
0x70: {  	_ =	shalt  }
0x71: {  	_ =	shalt  }
0x72: {  	_ =	shalt  }
0x73: {  	_ =	shalt  }
0x74: {  	_ =	shalt  }
0x75: {  	_ =	shalt  }
0x76: {  	_ =	shalt  }
0x77: {  	_ =	shalt  }
0x78: {  	_ =	shalt  }
0x79: {  	_ =	shalt  }
0x7a: {  	_ =	shalt  }
0x7b: {  	_ =	shalt  }
0x7c: {  	_ =	shalt  }
0x7d: {  	_ =	shalt  }
0x7e: {  	_ =	shalt  }
0x7f: {  	_ =	shalt  }
0x80: {  	_ =	shalt  }
0x81: {  	_ =	shalt  }
0x82: {  	_ =	shalt  }
0x83: {  	_ =	shalt  }
0x84: {  	_ =	shalt  }
0x85: {  	_ =	shalt  }
0x86: {  	_ =	shalt  }
0x87: {  	_ =	shalt  }
.Lfunc_end0:
.L_simem_size_0:
called_computation_lowered:
.L_overlay_start_0:
0x88: {  	s2 =	sld [smem:$0x3FD9]  }
0x89: {  	s3 =	sld [smem:$0x3FFE];
	_ =	sdelay $0x1  }
0x8a: {  	s1 =	srdreg.scid  }
0x8b: {  	s0 =	sand.u32 $0x1, s1  }
0x8c: {  	s14 =	sshll.u32 s0, $0xA;
	s2 =	sadd.s32 s3, s2  }
0x8d: {  	s2 =	sadd.s32 s2, s14  }
0x8e: {  	[smem:$0x3FB9] =	sst s2  }
0x8f: {  	_ = 	snop  }
0x90: {  	s2 =	sld [smem:$0x3FD0];
	_ =	sdelay $0x2  }
0x91: {  	s15 =	simm.s32 $0xA;
	s4 =	simm.s32 $0x10  }
0x92: {  	[smem:s4], [sflag:s15] =	dma.local [hbm:s2], $0x1  }
0x93: {  	_ =	swait.eq [sflag:s15], $0x1  }
0x94: {  	[sflag:s15] =	ssyncset.done $0x0  }
0x95: {  	[sflag:s15] =	ssyncadd.s32 $0xFFFFFFFF  }
0x96: {  	s16 =	sld [smem:$0x10];
	(tm) =	ssettm $0x1  }
0x97: {  	s17 =	sld [smem:$0x3FFB];
	_ =	sdelay $0x3  }
0x98: {  	_ =	strace s17  }
0x99: {  	s3 =	sld [smem:$0x3FFC];
	_ =	sdelay $0x3  }
0x9a: {  	_ =	strace s3  }
0x9b: {  	s3 =	sld [smem:$0x3FFD];
	_ =	sdelay $0x3  }
0x9c: {  	_ =	strace s3  }
0x9d: {  	_ =	strace $0x8FFFFFFF  }
0x9e: {  	s18 =	sld [smem:$0x3FDB];
	_ =	sdelay $0x1  }
0x9f: {  	s19 =	simm.s32 $_scs_section_size  }
0xa0: {  	s5 =	simm.s32 $_size__tile_overlayer_lowered;
	s6 =	simm.s32 $_tile_overlayer_lowered  }
0xa1: {  	s22 =	simm.s32 $0x1BFF;
	s21 =	sshll.u32 s6, $0x1;
	s3 =	sadd.s32 s19, s18  }
0xa2: {  	s7 =	simm.s32 $0x0;
	s20 =	sshll.u32 s5, $0x1;
	s5 =	sadd.s32 s21, s3  }
0xa3: {  	[timem:s7], [sflag:s22] =	dma.local [hbm:s5], s20  }
0xa4: {  	_ =	swait.ge [sflag:s22], s20  }
0xa5: {  	s4 =	ssub.s32 $0x0, s20;
	[sflag:s22] =	ssyncset.done $0x0  }
0xa6: {  	[sflag:s22] =	ssyncadd.s32 s4;
	_ =	sdelay $0x1  }
0xa7: {  	s23 =	simm.s32 $0x1B8B  }
0xa8: {  	_ =	swait.ge [sflag:s23], $0x1  }
0xa9: {  	[sflag:s23] =	ssyncset.done $0x0  }
0xaa: {  	s25 =	simm.s32 $0x1B8E;
	s24 =	sld [smem:$0x3FFE];
	[sflag:s23] =	ssyncadd.s32 $0xFFFFFFFF  }
0xab: {  	s26 =	simm.s32 $execute0_lowered;
	[smem:$0x3FD2] =	sst s25  }
0xac: {  	s5 =	sshll.u32 s26, $0x1;
	_ =	strace $0x80000046;
	[dreg:$0x1] =	wrdreg $0xFFFFFFFF  }
0xad: {  	s28 =	simm.s32 $_size_execute0_lowered;
	s3 =	sadd.s32 s3, s5;
	[dreg:$0x0] =	wrdreg $0x0  }
0xae: {  	s5 =	sshll.u32 s28, $0x1;
	[dreg:$0x2] =	wrdreg s3  }
0xaf: {  	[dreg:$0x3] =	wrdreg s5  }
0xb0: {  	[dreg:$0x4] =	wrdreg $0xC0  }
0xb1: {  	_ =	task [dreg:s7], $0x5FFFF  }
0xb2: {  	[dreg:$0x1] =	wrdreg $0xFFFFFFFF  }
0xb3: {  	[dreg:$0x0] =	wrdreg $0x60  }
0xb4: {  	[dreg:$0x2] =	wrdreg s24  }
0xb5: {  	[dreg:$0x3] =	wrdreg s16  }
0xb6: {  	[dreg:$0x4] =	wrdreg $0x9  }
0xb7: {  	_ =	task.clear_ibuf [dreg:s7], $0x5FFFF;
	_ =	strace $0x90000046  }
0xb8: {  	s29 =	simm.s32 $0x9;
	_ =	strace $0x80000048  }
0xb9: {  	_ =	swait.ge [sflag:s29], $0x1  }
0xba: {  	[sflag:s29] =	ssyncadd.s32 $0xFFFFFFFF  }
0xbb: {  	_ =	strace $0x90000048  }
0xbc: {  	_ =	sfence  }
0xbd: {  	s30 =	sld [smem:$0x0];
	_ =	sdelay $0x2  }
0xbe: {  	s31 =	sshll.u32 s1, $0xD;
	s1 =	sshrl.u32 s1, $0x2  }
0xbf: {  	s3 =	sand.u32 $0x4000, s31;
	s1 =	sadd.s32 s1, s30  }
0xc0: {  	s0 =	sor.u32 s3, s0;
	s1 =	sshll.u32 s1, $0x11  }
0xc1: {  	s0 =	sor.u32 s1, s0  }
0xc2: {  	s0 =	sadd.s32 $0x8F2B, s0  }
0xc3: {  	[sflag:s0] =	ssyncadd.remote.s32 $0x1  }
0xc4: {  	_ =	sfence.sel $0xFFFF  }
0xc5: {  	[dreg:$0x0] =	wrdreg $0xFFFFFFFF;
	(pc) =	sbr.abs _section_cstart, $3  }
0xc6: {  	[dreg:$0x1] =	wrdreg $0xFFFFFFFF  }
0xc7: {  	_ =	task.clear_ibuf [dreg:s7], $0x2FFFF;
	_ =	strace $0x9FFFFFFF  }
0xc8: {  	(tm) =	ssettm $0x7FFFFFFF  }
0xc9: {  	_ =	shalt  }
tec
execute0_lowered:
.L_overlay_start_1:
0x0: {  	(tag) =	ssettag $0x1  }
0x1: {  	s0 =	rddreg [dreg:$0x0]  }
0x2: {  	s1 =	rddreg [dreg:$0x1];
	s2 =	srdreg.scid  }
0x3: {  	s4 =	stileid.u32;
	s12 =	simm.s32 $0x2;
	s13 =	simm.s32 $0x2000  }
0x4: {  	s17 =	simm.s32 $0x80;
	s14 =	simm.s32 $0x2200;
	s15 =	simm.s32 $0x15000  }
0x5: {  	s16 =	simm.s32 $0x280;
	s18 =	simm.s32 $0x16000;
	s19 =	simm.s32 $0x2280  }
0x6: {  	s20 =	simm.s32 $0x17000;
	s21 =	simm.s32 $0x1;
	s22 =	simm.s32 $0x1A000  }
0x7: {  	s23 =	simm.s32 $0x0;
	s3 =	sand.u32 $0x1, s2;
	s2 =	simm.s32 $0x0  }
0x8: {  	s4 =	sshll.u32 s4, $0x7;
	s5 =	sshll.u32 s3, $0x6;
	[smem:$0x7FF] =	sst s2  }
0x9: {  	s31 =	ssub.s32 $0x2, s3;
	s3 =	sadd.s32 $0x2C00, s0;
	s9 =	sor.u32 s5, s4  }
0xa: {  	_ =	strace $0x80000047;
	s6 =	sshrl.u32 s31, $0x1;
	s5 =	sshll.u32 s9, $0x4  }
0xb: {  	v0 =	vlaneseq.u32;
	s11 =	ssub.s32 s31, s6;
	s10 =	sshll.u32 s9, $0x5;
	s0 =	sadd.s32 s5, s0  }
0xc: {  	v0 =	vmul.u32 $0x2, v0;
	s10 =	sadd.s32 s1, s10;
	s11 =	smax.u32 s11, $0x1;
	s1 =	simm.s32 $0x14000  }
0xd: {  	s4 =	sadd.s32 $0x57C00, s0;
	s5 =	sadd.s32 $0x5FC00, s0;
	s6 =	sadd.s32 $0x67C00, s0  }
0xe: {  	v1 =	vor.u32 $0x1, v0;
	s7 =	sadd.s32 $0x6FC00, s0;
	s8 =	sadd.s32 $0x77C00, s0;
	s9 =	sadd.s32 $0x7FC00, s0  }
.LBB2_1:
0xf: {  	[tilespmem:s2], [sflag:$0x2] =	stream.linear.gather [hbm4b:s4+s2], $0x2000, $0x38;
	[tilespmem:$0x1E000] =	vst v63  }
0x10: {  	_ =	swait.ge [sflag:s12], $0x2000  }
0x11: {  	[sflag:s12] =	ssyncset.done $0x0  }
0x12: {  	[sflag:s12] =	ssyncadd.s32 $0xFFFFE000  }
0x13: {  	[tilespmem:s13], [sflag:$0x2] =	stream.linear.gather [hbm4b:s5+s2], $0x2000, $0x38;
	[tilespmem:$0x1E000] =	vst v63  }
0x14: {  	_ =	swait.ge [sflag:s12], $0x2000  }
0x15: {  	[sflag:s12] =	ssyncset.done $0x0  }
0x16: {  	s31 =	simm.s32 $0x4000;
	[sflag:s12] =	ssyncadd.s32 $0xFFFFE000  }
0x17: {  	[tilespmem:s31], [sflag:$0x2] =	stream.linear.gather [hbm4b:s6+s2], $0x2000, $0x38;
	[tilespmem:$0x1E000] =	vst v63  }
0x18: {  	_ =	swait.ge [sflag:s12], $0x2000  }
0x19: {  	[sflag:s12] =	ssyncset.done $0x0  }
0x1a: {  	s0 =	simm.s32 $0x6000;
	[sflag:s12] =	ssyncadd.s32 $0xFFFFE000  }
0x1b: {  	[tilespmem:s0], [sflag:$0x2] =	stream.linear.gather [hbm4b:s7+s2], $0x2000, $0x38;
	[tilespmem:$0x1E000] =	vst v63  }
0x1c: {  	_ =	swait.ge [sflag:s12], $0x2000  }
0x1d: {  	[sflag:s12] =	ssyncset.done $0x0  }
0x1e: {  	s26 =	simm.s32 $0x8000;
	[sflag:s12] =	ssyncadd.s32 $0xFFFFE000  }
0x1f: {  	[tilespmem:s26], [sflag:$0x2] =	stream.linear.gather [hbm4b:s8+s2], $0x2000, $0x38;
	[tilespmem:$0x1E000] =	vst v63  }
0x20: {  	_ =	swait.ge [sflag:s12], $0x2000  }
0x21: {  	[sflag:s12] =	ssyncset.done $0x0  }
0x22: {  	s28 =	simm.s32 $0xA000;
	[sflag:s12] =	ssyncadd.s32 $0xFFFFE000  }
0x23: {  	[tilespmem:s28], [sflag:$0x2] =	stream.linear.gather [hbm4b:s9+s2], $0x2000, $0x38;
	[tilespmem:$0x1E000] =	vst v63  }
0x24: {  	_ =	swait.ge [sflag:s12], $0x2000  }
0x25: {  	[sflag:s12] =	ssyncset.done $0x0  }
0x26: {  	s29 =	simm.s32 $0xC000;
	[sflag:s12] =	ssyncadd.s32 $0xFFFFE000  }
0x27: {  	[tilespmem:s29], [sflag:$0x1] =	stream.indirect.gather [hbm4b:s3+s17], $0x20, s2, s17, $0xb8;
	[tilespmem:$0x1E000] =	vst v63  }
0x28: {  	s30 =	simm.s32 $0xD000  }
0x29: {  	[tilespmem:s30], [sflag:$0x1] =	stream.indirect.gather [hbm4b:s3+s17], $0x20, s13, s17, $0xb8;
	[tilespmem:$0x1E000] =	vst v63  }
0x2a: {  	s24 =	simm.s32 $0xE000  }
0x2b: {  	[tilespmem:s24], [sflag:$0x1] =	stream.indirect.gather [hbm4b:s3+s17], $0x20, s17, s17, $0xb8;
	[tilespmem:$0x1E000] =	vst v63  }
0x2c: {  	s25 =	simm.s32 $0x2080;
	s24 =	simm.s32 $0xF000  }
0x2d: {  	[tilespmem:s24], [sflag:$0x1] =	stream.indirect.gather [hbm4b:s3+s17], $0x20, s25, s17, $0xb8;
	[tilespmem:$0x1E000] =	vst v63  }
0x2e: {  	s26 =	simm.s32 $0x100;
	s28 =	simm.s32 $0x10000  }
0x2f: {  	[tilespmem:s28], [sflag:$0x1] =	stream.indirect.gather [hbm4b:s3+s17], $0x20, s26, s17, $0xb8;
	[tilespmem:$0x1E000] =	vst v63  }
0x30: {  	s29 =	simm.s32 $0x2100;
	s30 =	simm.s32 $0x11000  }
0x31: {  	[tilespmem:s30], [sflag:$0x1] =	stream.indirect.gather [hbm4b:s3+s17], $0x20, s29, s17, $0xb8;
	[tilespmem:$0x1E000] =	vst v63  }
0x32: {  	s25 =	simm.s32 $0x180;
	s26 =	simm.s32 $0x12000  }
0x33: {  	[tilespmem:s26], [sflag:$0x1] =	stream.indirect.gather [hbm4b:s3+s17], $0x20, s25, s17, $0xb8;
	[tilespmem:$0x1E000] =	vst v63  }
0x34: {  	s28 =	simm.s32 $0x2180;
	s29 =	simm.s32 $0x13000  }
0x35: {  	[tilespmem:s29], [sflag:$0x1] =	stream.indirect.gather [hbm4b:s3+s17], $0x20, s28, s17, $0xb8;
	[tilespmem:$0x1E000] =	vst v63  }
0x36: {  	s30 =	simm.s32 $0x200  }
0x37: {  	[tilespmem:s1], [sflag:$0x1] =	stream.indirect.gather [hbm4b:s3+s17], $0x20, s30, s17, $0xb8;
	[tilespmem:$0x1E000] =	vst v63  }
0x38: {  	_ = 	snop  }
0x39: {  	[tilespmem:s15], [sflag:$0x1] =	stream.indirect.gather [hbm4b:s3+s17], $0x20, s14, s17, $0xb8;
	[tilespmem:$0x1E000] =	vst v63  }
0x3a: {  	_ = 	snop  }
0x3b: {  	[tilespmem:s18], [sflag:$0x1] =	stream.indirect.gather [hbm4b:s3+s17], $0x20, s16, s17, $0xb8;
	[tilespmem:$0x1E000] =	vst v63  }
0x3c: {  	s25 =	simm.s32 $0xC100;
	s26 =	simm.s32 $0x0  }
0x3d: {  	[tilespmem:s20], [sflag:$0x1] =	stream.indirect.gather [hbm4b:s3+s17], $0x20, s19, s17, $0xb8;
	[tilespmem:$0x1E000] =	vst v63  }
.LBB2_2:
0x3e: {  	p0 =	sgt.u32 s26, $0x39  }
0x3f: {  	s24 =	sadd.s32 @!p0 $0x6, s26  }
0x40: {  	s28 =	smul.u32 @!p0 $0x25, s24;
	_ =	sdelay $0x1  }
0x41: {  	s28 =	sshrl.u32 @!p0 s28, $0x8  }
0x42: {  	s29 =	ssub.s32 @!p0 s24, s28  }
0x43: {  	s29 =	sand.u32 @!p0 $0xFE, s29  }
0x44: {  	s29 =	sshrl.u32 @!p0 s29, $0x1  }
0x45: {  	s28 =	sadd.s32 @!p0 s28, s29  }
0x46: {  	_ =	swait.ge [sflag:s21], $0x1000;
	s28 =	sand.u32 @!p0 $0xFC, s28  }
0x47: {  	[sflag:s21] =	ssyncset.done $0x0;
	s29 =	smulhi.u32 $0x24924925, s26;
	s28 =	sshrl.u32 @!p0 s28, $0x2  }
0x48: {  	[sflag:s21] =	ssyncadd.s32 $0xFFFFF000;
	s28 =	smul.u32 @!p0 $0x7, s28  }
0x49: {  	s0 =	simm.s32 @!p0 $0x80;
	_ =	swait.ge [sflag:s21], $0x1000  }
0x4a: {  	[sflag:s21] =	ssyncset.done $0x0;
	s30 =	ssub.s32 s26, s29;
	s28 =	ssub.s32 @!p0 s24, s28  }
0x4b: {  	[sflag:s21] =	ssyncadd.s32 $0xFFFFF000;
	s30 =	sshrl.u32 s30, $0x1;
	s28 =	sand.u32 @!p0 $0xFF, s28  }
0x4c: {  	s29 =	sadd.s32 s29, s30;
	s24 =	sshll.u32 @!p0 s24, $0x7;
	s28 =	sshll.u32 @!p0 s28, $0xD  }
0x4d: {  	s29 =	sshrl.u32 s29, $0x2;
	s24 =	sand.u32 @!p0 $0x3FFFFF80, s24;
	s30 =	sadd.s32 @!p0 $0xC000, s28  }
0x4e: {  	[tilespmem:s30], [sflag:$0x1] =	stream.indirect.gather @!p0 [hbm4b:s3+s0], $0x20, s24, s0, $0xb8;
	[tilespmem:$0x1E000] =	vst v63  }
0x4f: {  	s29 =	smul.u32 $0xFFFC8000, s29;
	s28 =	sadd.s32 @!p0 $0xD000, s28;
	s24 =	sadd.s32 @!p0 $0x2000, s24  }
0x50: {  	[tilespmem:s28], [sflag:$0x1] =	stream.indirect.gather @!p0 [hbm4b:s3+s0], $0x20, s24, s0, $0xb8;
	[tilespmem:$0x1E000] =	vst v63  }
0x51: {  	s30 =	simm.s32 $0x0;
	s24 =	sshra.s32 s29, $0x2  }
0x52: {  	s29 =	sshll.u32 s26, $0x8;
	s28 =	sadd.s32 s24, s25;
	s24 =	smov.u32 s31  }
.LBB2_3:
0x53: {  	v4 =	vld [tilespmem:s24+$0x0]  }
0x54: {  	v6 =	vld [tilespmem:s28+$0xFFFFFF00]  }
0x55: {  	v7 =	vld [tilespmem:s28+$0xFFFFFF10]  }
0x56: {  	v8 =	vld [tilespmem:s28+$0xF00]  }
0x57: {  	v5 =	vld [tilespmem:s24+$0x2000]  }
0x58: {  	v9 =	vld [tilespmem:s28+$0xF10]  }
0x59: {  	v2 =	vld [tilespmem:s24+$0x4000]  }
0x5a: {  	v3 =	vld [tilespmem:s24+$0x6000]  }
0x5b: {  	v16 =	vld [tilespmem:s28+$0xFFFFFF20]  }
0x5c: {  	v35 =	vld [tilespmem:s28+$0xFFFFFF30]  }
0x5d: {  	v36 =	vld [tilespmem:s28+$0xF20];
	v10 =	vunpack.i.u.bf16.f32 v6;
	v6 =	vunpack.i.l.bf16.f32 v6;
	v11 =	vbroadcast v4, $0x0  }
0x5e: {  	v17 =	vld [tilespmem:s28+$0xF30];
	v12 =	vunpack.i.u.bf16.f32 v7;
	v7 =	vunpack.i.l.bf16.f32 v7;
	v13 =	vunpack.i.u.bf16.f32 v8  }
0x5f: {  	v39 =	vld [tilespmem:s28+$0xFFFFFF40];
	v8 =	vunpack.i.l.bf16.f32 v8;
	v14 =	vbroadcast v5, $0x0;
	v15 =	vunpack.i.u.bf16.f32 v9  }
0x60: {  	v42 =	vld [tilespmem:s28+$0xFFFFFF50];
	v9 =	vunpack.i.l.bf16.f32 v9;
	v33 =	vbroadcast v2, $0x0;
	v34 =	vbroadcast v3, $0x0  }
0x61: {  	v18 =	vunpack.i.u.bf16.f32 v16;
	v16 =	vunpack.i.l.bf16.f32 v16;
	v19 =	vbroadcast v4, $0x1  }
0x62: {  	v61 =	vld [tilespmem:s28+$0xFFFFFF60];
	v20 =	vunpack.i.u.bf16.f32 v35;
	v21 =	vbroadcast v5, $0x1;
	v22 =	vunpack.i.u.bf16.f32 v36  }
0x63: {  	v37 =	vunpack.i.u.bf16.f32 v17;
	v38 =	vbroadcast v2, $0x1;
	v41 =	vbroadcast v3, $0x1  }
0x64: {  	v43 =	vld [tilespmem:s28+$0xF40];
	v17 =	vunpack.i.l.bf16.f32 v17;
	v48 =	vunpack.i.u.bf16.f32 v39;
	v49 =	vunpack.i.l.bf16.f32 v39  }
0x65: {  	v50 =	vbroadcast v4, $0x2;
	v51 =	vunpack.i.u.bf16.f32 v42;
	v55 =	vbroadcast v5, $0x2  }
0x66: {  	v46 =	vld [tilespmem:s28+$0xF50];
	v52 =	vunpack.i.l.bf16.f32 v42;
	v58 =	vbroadcast v2, $0x2;
	v60 =	vbroadcast v3, $0x2  }
0x67: {  	v63 =	vld [tilespmem:s28+$0xFFFFFF70];
	v26 =	vunpack.i.u.bf16.f32 v61;
	v28 =	vbroadcast v4, $0x3;
	v30 =	vbroadcast v5, $0x3  }
0x68: {  	v24 =	vld [tilespmem:s28+$0xF60];
	v27 =	vunpack.i.l.bf16.f32 v61;
	v61 =	vbroadcast v5, $0x5;
	v6 =	vmul.f32 v6, v11  }
0x69: {  	v25 =	vld [tilespmem:s28+$0xF70];
	v53 =	vunpack.i.u.bf16.f32 v43;
	v10 =	vmul.f32 v10, v11;
	v7 =	vmul.f32 v7, v14  }
0x6a: {  	v54 =	vunpack.i.l.bf16.f32 v43;
	v12 =	vmul.f32 v12, v14;
	v8 =	vmul.f32 v8, v33  }
0x6b: {  	v56 =	vunpack.i.u.bf16.f32 v46;
	v11 =	vmul.f32 v13, v33;
	v9 =	vmul.f32 v9, v34  }
0x6c: {  	v29 =	vunpack.i.u.bf16.f32 v63;
	v14 =	vmul.f32 v15, v34;
	v16 =	vmul.f32 v16, v19  }
0x6d: {  	v31 =	vunpack.i.u.bf16.f32 v24;
	v18 =	vmul.f32 v18, v19;
	v40 =	vmul.f32 v20, v21  }
0x6e: {  	v32 =	vunpack.i.u.bf16.f32 v25;
	v44 =	vmul.f32 v17, v41;
	v45 =	vmul.f32 v37, v41  }
0x6f: {  	v13 =	vunpack.i.l.bf16.f32 v35;
	v57 =	vmul.f32 v52, v55;
	v59 =	vmul.f32 v51, v55  }
0x70: {  	v15 =	vunpack.i.l.bf16.f32 v36;
	v62 =	vmul.f32 v54, v58;
	v19 =	vmul.f32 v53, v58  }
0x71: {  	v23 =	vmul.f32 v56, v60;
	v20 =	vunpack.i.l.bf16.f32 v63;
	v17 =	vunpack.i.l.bf16.f32 v24  }
0x72: {  	v33 =	vbroadcast v2, $0x3;
	v35 =	vbroadcast v3, $0x3;
	v6 =	vadd.f32 $0.0e+00, v6  }
0x73: {  	v24 =	vbroadcast v2, $0x5;
	v10 =	vadd.f32 $0.0e+00, v10;
	v7 =	vadd.f32 $0.0e+00, v7  }
0x74: {  	v34 =	vld [tilespmem:s28+$0xFFFFFF80];
	v13 =	vmul.f32 v13, v21;
	v12 =	vadd.f32 $0.0e+00, v12;
	v8 =	vadd.f32 $0.0e+00, v8  }
0x75: {  	v36 =	vld [tilespmem:s28+$0xFFFFFF90];
	v15 =	vmul.f32 v15, v38;
	v11 =	vadd.f32 $0.0e+00, v11;
	v9 =	vadd.f32 $0.0e+00, v9  }
0x76: {  	v37 =	vld [tilespmem:s28+$0xF80];
	v20 =	vmul.f32 v20, v30;
	v14 =	vadd.f32 $0.0e+00, v14;
	v6 =	vadd.f32 v16, v6  }
0x77: {  	v51 =	vld [tilespmem:s28+$0xFFFFFFA0];
	v17 =	vmul.f32 v17, v33;
	v10 =	vadd.f32 v18, v10;
	v7 =	vadd.f32 v13, v7  }
0x78: {  	v53 =	vld [tilespmem:s28+$0xFFFFFFB0];
	v16 =	vmul.f32 v22, v38;
	v12 =	vadd.f32 v40, v12;
	v8 =	vadd.f32 v15, v8  }
0x79: {  	v56 =	vld [tilespmem:s28+$0xFB0];
	v47 =	vadd.f32 v45, v14;
	v14 =	vmul.f32 v48, v50;
	v18 =	vmul.f32 v32, v35  }
0x7a: {  	v15 =	vunpack.i.l.bf16.f32 v46;
	v40 =	vbroadcast v4, $0x4;
	v45 =	vbroadcast v5, $0x4  }
0x7b: {  	v9 =	vadd.f32 v44, v9;
	v48 =	vbroadcast v2, $0x4;
	v21 =	vmul.f32 v15, v60  }
0x7c: {  	v15 =	vmul.f32 v27, v28;
	v39 =	vunpack.i.u.bf16.f32 v34;
	v41 =	vunpack.i.u.bf16.f32 v36  }
0x7d: {  	v42 =	vunpack.i.l.bf16.f32 v36;
	v43 =	vunpack.i.u.bf16.f32 v37;
	v44 =	vunpack.i.l.bf16.f32 v37  }
0x7e: {  	v58 =	vunpack.i.l.bf16.f32 v51;
	v60 =	vunpack.i.u.bf16.f32 v53;
	v63 =	vunpack.i.u.bf16.f32 v56  }
0x7f: {  	v55 =	vld [tilespmem:s28+$0xFA0];
	v36 =	vbroadcast v5, $0x6;
	v11 =	vadd.f32 v16, v11;
	v10 =	vadd.f32 v14, v10  }
0x80: {  	v16 =	vmul.f32 v49, v50;
	v7 =	vadd.f32 v57, v7;
	v12 =	vadd.f32 v59, v12  }
0x81: {  	v13 =	vadd.f32 v23, v47;
	v14 =	vmul.f32 v26, v28;
	v47 =	vmul.f32 v42, v45  }
0x82: {  	v8 =	vadd.f32 v62, v8;
	v49 =	vmul.f32 v41, v45;
	v50 =	vbroadcast v3, $0x4  }
0x83: {  	v52 =	vmul.f32 v44, v48;
	v57 =	vunpack.i.u.bf16.f32 v51;
	v59 =	vbroadcast v4, $0x5  }
0x84: {  	v62 =	vunpack.i.u.bf16.f32 v55;
	v26 =	vbroadcast v3, $0x5;
	v9 =	vadd.f32 v21, v9  }
0x85: {  	v38 =	vld [tilespmem:s28+$0xF90];
	v41 =	vbroadcast v3, $0x6;
	v6 =	vadd.f32 v16, v6;
	v11 =	vadd.f32 v19, v11  }
0x86: {  	v10 =	vadd.f32 v14, v10;
	v7 =	vadd.f32 v20, v7;
	v19 =	vmul.f32 v29, v30  }
0x87: {  	v16 =	vunpack.i.l.bf16.f32 v25;
	v14 =	vmul.f32 v31, v33;
	v8 =	vadd.f32 v17, v8  }
0x88: {  	v13 =	vadd.f32 v18, v13;
	v20 =	vunpack.i.l.bf16.f32 v53;
	v18 =	vmul.f32 v63, v26  }
0x89: {  	v27 =	vld [tilespmem:s28+$0xFFFFFFD0];
	v17 =	vunpack.i.l.bf16.f32 v55;
	v31 =	vbroadcast v4, $0x6;
	v55 =	vbroadcast v2, $0x7  }
0x8a: {  	v16 =	vmul.f32 v16, v35;
	v46 =	vunpack.i.u.bf16.f32 v38;
	v20 =	vmul.f32 v20, v61  }
0x8b: {  	v17 =	vmul.f32 v17, v24;
	v6 =	vadd.f32 v15, v6;
	v12 =	vadd.f32 v19, v12  }
0x8c: {  	v28 =	vld [tilespmem:s28+$0xFC0];
	v11 =	vadd.f32 v14, v11;
	v15 =	vunpack.i.l.bf16.f32 v34;
	v14 =	vunpack.i.l.bf16.f32 v38  }
0x8d: {  	v42 =	vld [tilespmem:s28+$0xFFFFFFE0];
	v7 =	vadd.f32 v47, v7;
	v19 =	vmul.f32 v43, v48;
	v54 =	vmul.f32 v46, v50  }
0x8e: {  	v44 =	vld [tilespmem:s28+$0xFFFFFFF0];
	v8 =	vadd.f32 v52, v8;
	v32 =	vunpack.i.u.bf16.f32 v27;
	v52 =	vbroadcast v5, $0x7  }
0x8f: {  	v33 =	vunpack.i.l.bf16.f32 v27;
	v27 =	vbroadcast v5, $0x8;
	v15 =	vmul.f32 v15, v40  }
0x90: {  	v9 =	vadd.f32 v16, v9;
	v16 =	vmul.f32 v39, v40;
	v14 =	vmul.f32 v14, v50  }
0x91: {  	v34 =	vunpack.i.u.bf16.f32 v28;
	v35 =	vunpack.i.l.bf16.f32 v28;
	v38 =	vmul.f32 v33, v36  }
0x92: {  	v39 =	vbroadcast v2, $0x6;
	v40 =	vmul.f32 v32, v36;
	v48 =	vunpack.i.u.bf16.f32 v42  }
0x93: {  	v25 =	vld [tilespmem:s28+$0xFFFFFFC0];
	v50 =	vbroadcast v4, $0x7;
	v51 =	vunpack.i.u.bf16.f32 v44;
	v12 =	vadd.f32 v49, v12  }
0x94: {  	v29 =	vld [tilespmem:s28+$0xFD0];
	v32 =	vbroadcast v3, $0x8;
	v11 =	vadd.f32 v19, v11;
	v13 =	vadd.f32 v54, v13  }
0x95: {  	v7 =	vadd.f32 v20, v7;
	v19 =	vmul.f32 v60, v61;
	v8 =	vadd.f32 v17, v8  }
0x96: {  	v49 =	vunpack.i.l.bf16.f32 v42;
	v20 =	vunpack.i.l.bf16.f32 v44;
	v6 =	vadd.f32 v15, v6  }
0x97: {  	v10 =	vadd.f32 v16, v10;
	v9 =	vadd.f32 v14, v9;
	v16 =	vmul.f32 v58, v59  }
0x98: {  	v14 =	vmul.f32 v57, v59;
	v15 =	vunpack.i.l.bf16.f32 v56;
	v30 =	vunpack.i.u.bf16.f32 v25  }
0x99: {  	v46 =	vld [tilespmem:s28+$0xFE0];
	v37 =	vunpack.i.u.bf16.f32 v29;
	v43 =	vmul.f32 v35, v39;
	v20 =	vmul.f32 v20, v52  }
0x9a: {  	v47 =	vld [tilespmem:s28+$0xFF0];
	v57 =	vbroadcast v3, $0x7;
	v12 =	vadd.f32 v19, v12;
	v15 =	vmul.f32 v15, v26  }
0x9b: {  	v13 =	vadd.f32 v18, v13;
	v7 =	vadd.f32 v38, v7;
	v19 =	vmul.f32 v34, v39  }
0x9c: {  	v45 =	vmul.f32 v37, v41;
	v6 =	vadd.f32 v16, v6;
	v10 =	vadd.f32 v14, v10  }
0x9d: {  	v14 =	vmul.f32 v62, v24;
	v16 =	vunpack.i.l.bf16.f32 v25;
	v8 =	vadd.f32 v43, v8  }
0x9e: {  	v33 =	vld [tilespmem:s28+$0x20];
	v53 =	vunpack.i.u.bf16.f32 v46;
	v17 =	vunpack.i.l.bf16.f32 v46;
	v62 =	vbroadcast v4, $0x8  }
0x9f: {  	v60 =	vld [tilespmem:s28+$0x1010];
	v54 =	vunpack.i.u.bf16.f32 v47;
	v43 =	vbroadcast v5, $0x9;
	v46 =	vbroadcast v2, $0x9  }
0xa0: {  	v9 =	vadd.f32 v15, v9;
	v16 =	vmul.f32 v16, v31;
	v15 =	vmul.f32 v30, v31  }
0xa1: {  	v56 =	vld [tilespmem:s28+$0x0];
	v12 =	vadd.f32 v40, v12;
	v13 =	vadd.f32 v45, v13;
	v17 =	vmul.f32 v17, v55  }
0xa2: {  	v58 =	vld [tilespmem:s28+$0x10];
	v7 =	vadd.f32 v20, v7;
	v18 =	vmul.f32 v54, v57;
	v30 =	vbroadcast v2, $0x8  }
0xa3: {  	v59 =	vld [tilespmem:s28+$0x1000];
	v39 =	vunpack.i.u.bf16.f32 v33;
	v40 =	vunpack.i.l.bf16.f32 v33;
	v11 =	vadd.f32 v14, v11  }
0xa4: {  	v35 =	vld [tilespmem:s28+$0x30];
	v14 =	vunpack.i.l.bf16.f32 v29;
	v28 =	vunpack.i.u.bf16.f32 v60;
	v6 =	vadd.f32 v16, v6  }
0xa5: {  	v10 =	vadd.f32 v15, v10;
	v14 =	vmul.f32 v14, v41;
	v15 =	vmul.f32 v49, v50  }
0xa6: {  	v16 =	vunpack.i.l.bf16.f32 v47;
	v8 =	vadd.f32 v17, v8;
	v13 =	vadd.f32 v18, v13  }
0xa7: {  	v37 =	vld [tilespmem:s28+$0x1020];
	v61 =	vunpack.i.u.bf16.f32 v56;
	v63 =	vunpack.i.u.bf16.f32 v58;
	v24 =	vunpack.i.l.bf16.f32 v58  }
0xa8: {  	v38 =	vld [tilespmem:s28+$0x1030];
	v25 =	vunpack.i.u.bf16.f32 v59;
	v26 =	vunpack.i.l.bf16.f32 v59;
	v36 =	vmul.f32 v28, v32  }
0xa9: {  	v41 =	vbroadcast v4, $0x9;
	v42 =	vunpack.i.u.bf16.f32 v35;
	v58 =	vbroadcast v5, $0xA  }
0xaa: {  	v11 =	vadd.f32 v19, v11;
	v19 =	vmul.f32 v51, v52;
	v16 =	vmul.f32 v16, v57  }
0xab: {  	v20 =	vunpack.i.l.bf16.f32 v35;
	v29 =	vmul.f32 v24, v27;
	v31 =	vmul.f32 v63, v27  }
0xac: {  	v34 =	vmul.f32 v26, v30;
	v44 =	vunpack.i.u.bf16.f32 v37;
	v17 =	vunpack.i.l.bf16.f32 v37  }
0xad: {  	v45 =	vunpack.i.u.bf16.f32 v38;
	v20 =	vmul.f32 v20, v43;
	v63 =	vbroadcast v3, $0xA  }
0xae: {  	v37 =	vbroadcast v2, $0xB;
	v9 =	vadd.f32 v14, v9;
	v14 =	vmul.f32 v48, v50  }
0xaf: {  	v6 =	vadd.f32 v15, v6;
	v15 =	vunpack.i.l.bf16.f32 v56;
	v13 =	vadd.f32 v36, v13  }
0xb0: {  	v47 =	vld [tilespmem:s28+$0x40];
	v48 =	vbroadcast v3, $0x9;
	v17 =	vmul.f32 v17, v46;
	v12 =	vadd.f32 v19, v12  }
0xb1: {  	v49 =	vld [tilespmem:s28+$0x50];
	v15 =	vmul.f32 v15, v62;
	v7 =	vadd.f32 v29, v7;
	v19 =	vmul.f32 v25, v30  }
0xb2: {  	v28 =	vld [tilespmem:s28+$0x1060];
	v8 =	vadd.f32 v34, v8;
	v34 =	vbroadcast v5, $0xB;
	v10 =	vadd.f32 v14, v10  }
0xb3: {  	v14 =	vmul.f32 v53, v55;
	v9 =	vadd.f32 v16, v9;
	v16 =	vmul.f32 v61, v62  }
0xb4: {  	v18 =	vmul.f32 v45, v48;
	v53 =	vbroadcast v4, $0xA;
	v6 =	vadd.f32 v15, v6  }
0xb5: {  	v51 =	vld [tilespmem:s28+$0x1050];
	v61 =	vbroadcast v2, $0xA;
	v12 =	vadd.f32 v31, v12;
	v7 =	vadd.f32 v20, v7  }
0xb6: {  	v24 =	vld [tilespmem:s28+$0x60];
	v15 =	vunpack.i.l.bf16.f32 v38;
	v8 =	vadd.f32 v17, v8;
	v52 =	vunpack.i.u.bf16.f32 v47  }
0xb7: {  	v26 =	vld [tilespmem:s28+$0x70];
	v54 =	vunpack.i.u.bf16.f32 v49;
	v55 =	vunpack.i.l.bf16.f32 v49;
	v35 =	vunpack.i.u.bf16.f32 v28  }
0xb8: {  	v17 =	vunpack.i.l.bf16.f32 v28;
	v49 =	vbroadcast v5, $0xC;
	v28 =	vbroadcast v2, $0xD  }
0xb9: {  	v50 =	vld [tilespmem:s28+$0x1040];
	v11 =	vadd.f32 v14, v11;
	v14 =	vunpack.i.l.bf16.f32 v60;
	v10 =	vadd.f32 v16, v10  }
0xba: {  	v16 =	vmul.f32 v40, v41;
	v15 =	vmul.f32 v15, v48;
	v13 =	vadd.f32 v18, v13  }
0xbb: {  	v59 =	vunpack.i.u.bf16.f32 v51;
	v60 =	vmul.f32 v55, v58;
	v62 =	vmul.f32 v54, v58  }
0xbc: {  	v30 =	vunpack.i.u.bf16.f32 v24;
	v31 =	vunpack.i.l.bf16.f32 v24;
	v33 =	vunpack.i.u.bf16.f32 v26  }
0xbd: {  	v29 =	vld [tilespmem:s28+$0x1070];
	v20 =	vunpack.i.l.bf16.f32 v26;
	v17 =	vmul.f32 v17, v37;
	v54 =	vbroadcast v3, $0xC  }
0xbe: {  	v14 =	vmul.f32 v14, v32;
	v56 =	vunpack.i.u.bf16.f32 v50;
	v27 =	vmul.f32 v59, v63  }
0xbf: {  	v57 =	vunpack.i.l.bf16.f32 v50;
	v32 =	vbroadcast v4, $0xB;
	v20 =	vmul.f32 v20, v34  }
0xc0: {  	v38 =	vld [tilespmem:s28+$0x80];
	v11 =	vadd.f32 v19, v11;
	v6 =	vadd.f32 v16, v6;
	v19 =	vmul.f32 v42, v43  }
0xc1: {  	v16 =	vunpack.i.l.bf16.f32 v47;
	v7 =	vadd.f32 v60, v7;
	v25 =	vmul.f32 v57, v61  }
0xc2: {  	v36 =	vunpack.i.u.bf16.f32 v29;
	v9 =	vadd.f32 v14, v9;
	v14 =	vmul.f32 v39, v41  }
0xc3: {  	v40 =	vld [tilespmem:s28+$0x90];
	v16 =	vmul.f32 v16, v53;
	v13 =	vadd.f32 v27, v13;
	v39 =	vbroadcast v3, $0xB  }
0xc4: {  	v55 =	vld [tilespmem:s28+$0xA0];
	v12 =	vadd.f32 v19, v12;
	v19 =	vmul.f32 v56, v61;
	v8 =	vadd.f32 v25, v8  }
0xc5: {  	v7 =	vadd.f32 v20, v7;
	v43 =	vunpack.i.u.bf16.f32 v38;
	v25 =	vbroadcast v5, $0xD  }
0xc6: {  	v10 =	vadd.f32 v14, v10;
	v14 =	vmul.f32 v44, v46;
	v9 =	vadd.f32 v15, v9  }
0xc7: {  	v59 =	vld [tilespmem:s28+$0x10A0];
	v15 =	vmul.f32 v52, v53;
	v6 =	vadd.f32 v16, v6;
	v16 =	vunpack.i.l.bf16.f32 v29  }
0xc8: {  	v18 =	vmul.f32 v36, v39;
	v44 =	vbroadcast v4, $0xC;
	v45 =	vunpack.i.u.bf16.f32 v40  }
0xc9: {  	v42 =	vld [tilespmem:s28+$0x1090];
	v46 =	vunpack.i.l.bf16.f32 v40;
	v52 =	vbroadcast v2, $0xC;
	v61 =	vunpack.i.u.bf16.f32 v55  }
0xca: {  	v57 =	vld [tilespmem:s28+$0xB0];
	v40 =	vbroadcast v5, $0xE;
	v5 =	vbroadcast v5, $0xF;
	v12 =	vadd.f32 v62, v12  }
0xcb: {  	v60 =	vld [tilespmem:s28+$0x10B0];
	v16 =	vmul.f32 v16, v39;
	v8 =	vadd.f32 v17, v8;
	v53 =	vmul.f32 v45, v49  }
0xcc: {  	v41 =	vld [tilespmem:s28+$0x1080];
	v62 =	vunpack.i.l.bf16.f32 v55;
	v26 =	vunpack.i.u.bf16.f32 v59;
	v17 =	vunpack.i.l.bf16.f32 v59  }
0xcd: {  	v45 =	vbroadcast v3, $0xE;
	v11 =	vadd.f32 v14, v11;
	v14 =	vunpack.i.l.bf16.f32 v51  }
0xce: {  	v10 =	vadd.f32 v15, v10;
	v15 =	vmul.f32 v31, v32;
	v13 =	vadd.f32 v18, v13  }
0xcf: {  	v50 =	vunpack.i.u.bf16.f32 v42;
	v51 =	vmul.f32 v46, v49;
	v24 =	vunpack.i.u.bf16.f32 v57  }
0xd0: {  	v20 =	vunpack.i.l.bf16.f32 v57;
	v27 =	vunpack.i.u.bf16.f32 v60;
	v17 =	vmul.f32 v17, v28  }
0xd1: {  	v29 =	vld [tilespmem:s28+$0xC0];
	v14 =	vmul.f32 v14, v63;
	v47 =	vunpack.i.u.bf16.f32 v41;
	v58 =	vmul.f32 v50, v54  }
0xd2: {  	v48 =	vunpack.i.l.bf16.f32 v41;
	v63 =	vbroadcast v4, $0xD;
	v20 =	vmul.f32 v20, v25  }
0xd3: {  	v11 =	vadd.f32 v19, v11;
	v6 =	vadd.f32 v15, v6;
	v19 =	vmul.f32 v33, v34  }
0xd4: {  	v15 =	vunpack.i.l.bf16.f32 v38;
	v7 =	vadd.f32 v51, v7;
	v56 =	vmul.f32 v48, v52  }
0xd5: {  	v9 =	vadd.f32 v14, v9;
	v14 =	vmul.f32 v30, v32;
	v15 =	vmul.f32 v15, v44  }
0xd6: {  	v31 =	vld [tilespmem:s28+$0xD0];
	v13 =	vadd.f32 v58, v13;
	v30 =	vbroadcast v3, $0xD;
	v34 =	vunpack.i.u.bf16.f32 v29  }
0xd7: {  	v46 =	vld [tilespmem:s28+$0xE0];
	v3 =	vbroadcast v3, $0xF;
	v12 =	vadd.f32 v19, v12;
	v8 =	vadd.f32 v56, v8  }
0xd8: {  	v19 =	vmul.f32 v47, v52;
	v7 =	vadd.f32 v20, v7;
	v10 =	vadd.f32 v14, v10  }
0xd9: {  	v14 =	vmul.f32 v35, v37;
	v9 =	vadd.f32 v16, v9;
	v16 =	vmul.f32 v43, v44  }
0xda: {  	v50 =	vld [tilespmem:s28+$0x10E0];
	v6 =	vadd.f32 v15, v6;
	v15 =	vunpack.i.l.bf16.f32 v60;
	v18 =	vmul.f32 v27, v30  }
0xdb: {  	v33 =	vld [tilespmem:s28+$0x10D0];
	v35 =	vbroadcast v4, $0xE;
	v36 =	vunpack.i.u.bf16.f32 v31;
	v37 =	vunpack.i.l.bf16.f32 v31  }
0xdc: {  	v48 =	vld [tilespmem:s28+$0xF0];
	v43 =	vbroadcast v2, $0xE;
	v52 =	vunpack.i.u.bf16.f32 v46;
	v4 =	vbroadcast v4, $0xF  }
0xdd: {  	v51 =	vld [tilespmem:s28+$0x10F0];
	v2 =	vbroadcast v2, $0xF;
	v12 =	vadd.f32 v53, v12;
	v15 =	vmul.f32 v15, v30  }
0xde: {  	v32 =	vld [tilespmem:s28+$0x10C0];
	v8 =	vadd.f32 v17, v8;
	v44 =	vmul.f32 v36, v40;
	v53 =	vunpack.i.l.bf16.f32 v46  }
0xdf: {  	v56 =	vunpack.i.u.bf16.f32 v50;
	v17 =	vunpack.i.l.bf16.f32 v50;
	v11 =	vadd.f32 v14, v11  }
0xe0: {  	v14 =	vunpack.i.l.bf16.f32 v42;
	v10 =	vadd.f32 v16, v10;
	v16 =	vmul.f32 v62, v63  }
0xe1: {  	v13 =	vadd.f32 v18, v13;
	v41 =	vunpack.i.u.bf16.f32 v33;
	v42 =	vmul.f32 v37, v40  }
0xe2: {  	v55 =	vunpack.i.l.bf16.f32 v48;
	v57 =	vunpack.i.u.bf16.f32 v51;
	v59 =	vmul.f32 v17, v2  }
0xe3: {  	v2 =	vmul.f32 v56, v2;
	v14 =	vmul.f32 v14, v54;
	v38 =	vunpack.i.u.bf16.f32 v32  }
0xe4: {  	v39 =	vunpack.i.l.bf16.f32 v32;
	v49 =	vmul.f32 v41, v45;
	v54 =	vunpack.i.u.bf16.f32 v48  }
0xe5: {  	v58 =	vmul.f32 v55, v5;
	v11 =	vadd.f32 v19, v11;
	v6 =	vadd.f32 v16, v6  }
0xe6: {  	v19 =	vmul.f32 v24, v25;
	v16 =	vunpack.i.l.bf16.f32 v29;
	v7 =	vadd.f32 v42, v7  }
0xe7: {  	v47 =	vmul.f32 v39, v43;
	v5 =	vmul.f32 v54, v5;
	v9 =	vadd.f32 v14, v9  }
0xe8: {  	v14 =	vmul.f32 v61, v63;
	v16 =	vmul.f32 v16, v35;
	v13 =	vadd.f32 v49, v13  }
0xe9: {  	v12 =	vadd.f32 v19, v12;
	v19 =	vmul.f32 v38, v43;
	v8 =	vadd.f32 v47, v8  }
0xea: {  	v7 =	vadd.f32 v58, v7;
	v10 =	vadd.f32 v14, v10;
	v14 =	vmul.f32 v26, v28  }
0xeb: {  	v9 =	vadd.f32 v15, v9;
	v15 =	vmul.f32 v34, v35;
	v6 =	vadd.f32 v16, v6  }
0xec: {  	v16 =	vunpack.i.l.bf16.f32 v51;
	v11 =	vadd.f32 v14, v11;
	v14 =	vunpack.i.l.bf16.f32 v33  }
0xed: {  	v12 =	vadd.f32 v44, v12;
	v60 =	vmul.f32 v16, v3;
	v14 =	vmul.f32 v14, v45  }
0xee: {  	v3 =	vmul.f32 v57, v3;
	v8 =	vadd.f32 v59, v8;
	v10 =	vadd.f32 v15, v10  }
0xef: {  	v15 =	vmul.f32 v53, v4;
	v5 =	vadd.f32 v5, v12;
	v9 =	vadd.f32 v14, v9  }
0xf0: {  	v4 =	vmul.f32 v52, v4;
	v3 =	vadd.f32 v3, v13;
	v11 =	vadd.f32 v19, v11  }
0xf1: {  	s0 =	sor.u32 s29, s30;
	v6 =	vadd.f32 v15, v6;
	v9 =	vadd.f32 v60, v9  }
0xf2: {  	v61 =	vor.u32 s0, v0;
	v4 =	vadd.f32 v4, v10;
	v2 =	vadd.f32 v2, v11  }
0xf3: {  	p0 =	sne.s32 s30, $0xE0;
	v63 =	vor.u32 s0, v1;
	v6 =	vadd.f32 v7, v6;
	v62 =	vadd.f32 v9, v8  }
.Ltmp0:
0xf4: {  	v4 =	vadd.f32 v5, v4;
	v2 =	vadd.f32 v3, v2;
	(pc) =	sbr.rel @p0 .LBB2_3-.Ltmp0, $4  }
0xf5: {  	v3 =	vadd.f32 v62, v6  }
0xf6: {  	v2 =	vadd.f32 v2, v4  }
0xf7: {  	[tilespmem:v61+s22+$0x0] =	vst.idx.msk $0xffff, v3  }
0xf8: {  	s24 =	sadd.s32 $0x10, s24;
	s30 =	sadd.s32 $0x20, s30;
	s28 =	sadd.s32 $0x200, s28;
	[tilespmem:v63+s22+$0x0] =	vst.idx.msk $0xffff, v2  }
0xf9: {  	s26 =	sadd.s32 $0x1, s26  }
0xfa: {  	p0 =	sne.s32 s26, $0x40  }
.Ltmp1:
0xfb: {  	_ = 	snop;
	(pc) =	sbr.rel @p0 .LBB2_2-.Ltmp1, $2  }
0xfc: {  	_ =	sdelay $0x2  }
0xfd: {  	s31 =	sadd.s32 $0x80, s31;
	s25 =	sadd.s32 $0x2000, s25  }
0xfe: {  	s23 =	sadd.s32 $0x1, s23  }
0xff: {  	p0 =	sne.s32 s23, s11  }
.Ltmp2:
0x100: {  	_ = 	snop;
	(pc) =	sbr.rel @p0 .LBB2_1-.Ltmp2, $4  }
0x101: {  	[hbm4b:s10+s2] =	stream.linear.scatter [tilespmem:s22], [sflag:$0x2], $0x4000, $0x38;
	[tilespmem:$0x1E000] =	vst v63  }
0x102: {  	_ =	swait.ge [sflag:s12], $0x4000  }
0x103: {  	[sflag:s12] =	ssyncset.done $0x0  }
0x104: {  	[sflag:s12] =	ssyncadd.s32 $0xFFFFC000  }
0x105: {  	_ =	sfence.sel $0x180000  }
0x106: {  	[bflag:$0x0] =	sbarrier.arrive $0xFFFF  }
0x107: {  	_ =	strace $0x90000047  }
0x108: {  	s0 =	stileid.u32;
	[bflag:$0x2] =	sbarrier.arrive $0xFFFF  }
0x109: {  	p0 =	sne.s32 s0, $0x0;
	s0 =	rddreg [dreg:$0x2]  }
0x10a: {  	s0 =	sadd.s32 @!p0 $0x100000, s0  }
0x10b: {  	[sflag:s0] =	ssyncadd.tile.s32 @!p0 $0x1;
	_ =	shalt  }
.Lfunc_end2:
_tile_overlayer_lowered:
.L_overlay_start_2:
0x10c: {  	(tag) =	ssettag $0x2  }
0x10d: {  	s0 =	rddreg [dreg:$0x0];
	s2 =	stileid.u32  }
0x10e: {  	s1 =	rddreg [dreg:$0x1];
	p0 =	sne.s32 s2, $0x0  }
0x10f: {  	s3 =	rddreg [dreg:$0x2];
	[bflag:$0x3] =	sbarrier.arrive $0xFFFF;
	s2 =	simm.s32 @!p0 $0x1C02  }
0x110: {  	[timem:s3], [sflag:s2] =	dma.local @!p0 [hbm:s0], s1  }
0x111: {  	s0 =	simm.s32 @!p0 $0x2  }
0x112: {  	_ =	swait.ge @!p0 [sflag:s0], s1  }
0x113: {  	s1 =	ssub.s32 @!p0 $0x0, s1;
	[sflag:s0] =	ssyncset.done @!p0 $0x0  }
0x114: {  	[sflag:s0] =	ssyncadd.s32 @!p0 s1  }
0x115: {  	[bflag:$0x3] =	sbarrier.arrive $0xFFFF  }
0x116: {  	_ =	shalt  }

</sc_bundles>
